<compile_context>
chip_gen: v7x
topology: tpu7x:2x2x1
jax: 0.10.2.dev20260603
libtpu: 0.0.44.dev20260713+nightly
codegen_flags: <defaults>
</compile_context>

<pallas_src>
import jax
import jax.numpy as jnp
from jax import lax
from jax.experimental import pallas as pl
from jax.experimental.pallas import tpu as pltpu
from jax.experimental.pallas import tpu_sc as plsc

N_ATOMS = 16384
N_SYS = 16
D = 512
N_SPECIES = 100

NTILES = 16
CHUNK = 16
NGROUP = 7
SPECIES_PAD = NGROUP * CHUNK
DHALF = D // 2
APT = N_ATOMS // NTILES
NCHUNK = APT // CHUNK
BLK = 4
EB = 2 * NGROUP * DHALF * CHUNK
PK = 5 * N_ATOMS

_MAGIC = 0x5F3759DF


def _sc_body(tab_hbm, out_hbm,
             pk_loc, e_loc, w_loc, vchunk, v01_loc, v_loc,
             acc_loc, red_loc, bvec_loc, tot_loc,
             shared_v01, shared_acc, sem_pk, sem_ew, sem_b):
    wid = lax.axis_index("s")

    cps_pk = [
        pltpu.async_copy(tab_hbm.at[pl.ds(q * N_ATOMS + wid * APT, APT)],
                         pk_loc.at[pl.ds(q * APT, APT)], sem_pk)
        for q in range(5)
    ]

    @pl.when(wid == 0)
    def _():
        pltpu.async_copy(tab_hbm.at[pl.ds(PK + EB + D, N_SYS)], bvec_loc, sem_b)

    @pl.when(wid < 2 * NGROUP)
    def _():
        g = wid // 2
        h = wid % 2
        cp_e = pltpu.async_copy(
            tab_hbm.at[pl.ds(PK + wid * DHALF * CHUNK, DHALF * CHUNK)],
            e_loc, sem_ew)
        cp_w = pltpu.async_copy(
            tab_hbm.at[pl.ds(PK + EB + h * DHALF, DHALF)], w_loc, sem_ew)
        cp_e.wait()
        cp_w.wait()
        vreg = jnp.zeros((CHUNK,), jnp.float32)
        for d0 in range(0, DHALF, CHUNK):
            wv = w_loc[pl.ds(d0, CHUNK)]
            for j in range(CHUNK):
                vreg = vreg + wv[j] * e_loc[pl.ds((d0 + j) * CHUNK, CHUNK)]
        vchunk[...] = vreg
        pltpu.sync_copy(
            vchunk, shared_v01.at[pl.ds(h * SPECIES_PAD + g * CHUNK, CHUNK)])

    plsc.subcore_barrier()
    pltpu.sync_copy(shared_v01, v01_loc)
    for c in range(NGROUP):
        sl = pl.ds(c * CHUNK, CHUNK)
        v_loc[sl] = v01_loc[sl] + v01_loc[pl.ds(SPECIES_PAD + c * CHUNK, CHUNK)]

    for cp in cps_pk:
        cp.wait()

    acc_loc[...] = jnp.zeros((N_SYS,), jnp.float32)
    seg0_vec = plsc.bitcast(pk_loc[pl.ds(4 * APT, CHUNK)], jnp.int32)

    def blk_body(blk, carry):
        vacc, cur = carry
        base = blk * (BLK * CHUNK)
        vals, segs = [], []
        for q in range(BLK):
            off = base + q * CHUNK
            x = pk_loc[pl.ds(off, CHUNK)]
            y = pk_loc[pl.ds(APT + off, CHUNK)]
            z = pk_loc[pl.ds(2 * APT + off, CHUNK)]
            a = plsc.bitcast(pk_loc[pl.ds(3 * APT + off, CHUNK)], jnp.int32)
            seg = plsc.bitcast(pk_loc[pl.ds(4 * APT + off, CHUNK)], jnp.int32)
            rr = x * x + y * y + z * z
            w = plsc.bitcast(_MAGIC - (plsc.bitcast(rr, jnp.int32) >> 1),
                             jnp.float32)
            half = rr * 0.5
            for _ in range(2):
                w = w * (1.5 - half * w * w)
            r = rr * w
            va = plsc.load_gather(v_loc, [a])
            vals.append(r * va)
            segs.append(seg)
        uniform = segs[BLK - 1][CHUNK - 1] == cur

        def fast():
            return vacc + ((vals[0] + vals[1]) + (vals[2] + vals[3])), cur

        def slow():
            plsc.addupdate_scatter(acc_loc, [jnp.full((CHUNK,), cur, jnp.int32)],
                                   vacc)
            for q in range(BLK):
                plsc.addupdate_scatter(acc_loc, [segs[q]], vals[q])
            return jnp.zeros((CHUNK,), jnp.float32), segs[BLK - 1][CHUNK - 1]

        return lax.cond(uniform, fast, slow)

    vacc, cur = lax.fori_loop(
        0, NCHUNK // BLK, blk_body,
        (jnp.zeros((CHUNK,), jnp.float32), seg0_vec[0]))
    plsc.addupdate_scatter(acc_loc, [jnp.full((CHUNK,), cur, jnp.int32)], vacc)

    pltpu.sync_copy(acc_loc, shared_acc.at[pl.ds(wid * N_SYS, N_SYS)])
    plsc.subcore_barrier()

    @pl.when(wid == 0)
    def _():
        pltpu.sync_copy(shared_acc, red_loc)
        pltpu.make_async_copy(tab_hbm.at[pl.ds(PK + EB + D, N_SYS)], bvec_loc, sem_b).wait()
        tot = bvec_loc[...]
        for i in range(NTILES):
            tot = tot + red_loc[pl.ds(i * N_SYS, N_SYS)]
        tot_loc[...] = tot
        pltpu.sync_copy(tot_loc, out_hbm)


_sc_kernel = pl.kernel(
    _sc_body,
    out_type=jax.ShapeDtypeStruct((N_SYS,), jnp.float32),
    mesh=plsc.VectorSubcoreMesh(core_axis_name="c", subcore_axis_name="s",
                                num_cores=1, num_subcores=NTILES),
    compiler_params=pltpu.CompilerParams(needs_layout_passes=False),
    scratch_types=[
        pltpu.VMEM((5 * APT,), jnp.float32),
        pltpu.VMEM((DHALF * CHUNK,), jnp.float32),
        pltpu.VMEM((DHALF,), jnp.float32),
        pltpu.VMEM((CHUNK,), jnp.float32),
        pltpu.VMEM((2 * SPECIES_PAD,), jnp.float32),
        pltpu.VMEM((SPECIES_PAD,), jnp.float32),
        pltpu.VMEM((N_SYS,), jnp.float32),
        pltpu.VMEM((NTILES * N_SYS,), jnp.float32),
        pltpu.VMEM((N_SYS,), jnp.float32),
        pltpu.VMEM((N_SYS,), jnp.float32),
        pltpu.VMEM_SHARED((2 * SPECIES_PAD,), jnp.float32),
        pltpu.VMEM_SHARED((NTILES * N_SYS,), jnp.float32),
        pltpu.SemaphoreType.DMA,
        pltpu.SemaphoreType.DMA,
        pltpu.SemaphoreType.DMA,
    ],
)


def kernel(atomic_numbers, pos, batch, species_embed, W, b):
    posf = pos.astype(jnp.float32)
    an_f = lax.bitcast_convert_type(atomic_numbers.astype(jnp.int32), jnp.float32)
    bt_f = lax.bitcast_convert_type(batch.astype(jnp.int32), jnp.float32)
    packed = jnp.stack([posf[:, 0], posf[:, 1], posf[:, 2], an_f, bt_f])
    epad = jnp.pad(species_embed.astype(jnp.float32),
                   ((0, SPECIES_PAD - N_SPECIES), (0, 0)))
    eslab = (epad.reshape(NGROUP, CHUNK, 2, DHALF)
                 .transpose(0, 2, 3, 1)
                 .reshape(2 * NGROUP, DHALF, CHUNK))
    wf = W.reshape(-1).astype(jnp.float32)
    bvec = jnp.broadcast_to(b.astype(jnp.float32), (N_SYS,))
    tab = jnp.concatenate([packed.reshape(-1), eslab.reshape(-1), wf, bvec])
    y = _sc_kernel(tab)
    return y.reshape(N_SYS, 1)

# --- scband reference (transcript-rebuilt; emitter-appended) ---
"""Pipeline reference for scband-proposed-energy-model-44212393345445 (READ-ONLY COPY).

The authoritative reference and input builder live on the scoring server;
editing this copy changes nothing except your own understanding.
"""

import jax, jax.numpy as jnp
import numpy as np

N_ATOMS = 16384   # total atoms across all systems (ragged, concatenated)
N_SYS = 16        # number of systems in the batch
D = 512           # model_dims (fixed-size descriptor from atom_rr.prepare_inputs)
OUT = 1           # output_dims (energy per system)
N_SPECIES = 100   # max atomic number


def setup_inputs(seed: int = 0) -> dict:
    key = jax.random.key(seed)
    k1, k2, k3, k4, k5 = jax.random.split(key, 5)
    atomic_numbers = jax.random.randint(k1, (N_ATOMS,), 0, N_SPECIES)
    pos = jax.random.normal(k2, (N_ATOMS, 3), dtype=jnp.float32)
    # .batch tensor: sorted segment ids mapping each atom to its system
    batch = jnp.sort(jax.random.randint(k3, (N_ATOMS,), 0, N_SYS))
    # atom_rr internal per-species representation table (learned param)
    species_embed = jax.random.normal(k4, (N_SPECIES, D), dtype=jnp.float32) * 0.1
    # nn.Linear(model_dims, output_dims)
    W = jax.random.normal(k5, (D, OUT), dtype=jnp.float32) * (1.0 / np.sqrt(D))
    b = jnp.zeros((OUT,), dtype=jnp.float32)
    return {"atomic_numbers": atomic_numbers, "pos": pos, "batch": batch,
            "species_embed": species_embed, "W": W, "b": b}


def reference(atomic_numbers, pos, batch, species_embed, W, b):
    # atom_rr.prepare_inputs: per-atom feature = species embedding gathered by
    # atomic number, modulated by a function of the position; the ragged python
    # loop over data.batch segments becomes a single segment reduction.
    feat = jnp.take(species_embed, atomic_numbers, axis=0)        # gather [N_ATOMS, D]
    r = jnp.linalg.norm(pos, axis=-1, keepdims=True)              # [N_ATOMS, 1]
    per_atom = feat * r                                           # [N_ATOMS, D]
    # equivalent of torch.stack over per-system reduced inputs
    reduced = jax.ops.segment_sum(per_atom, batch, num_segments=N_SYS)  # [N_SYS, D]
    # self.net = nn.Sequential(nn.Linear(model_dims, output_dims))
    y = reduced @ W + b                                           # [N_SYS, OUT]
    return y

if __name__ == "__main__":
    import jax
    _d = setup_inputs()
    print(jax.jit(kernel)(*tuple(_d.values())))

</pallas_src>

<mosaic_0001>
#map = affine_map<(d0, d1) -> (0)>
module attributes {stable_mosaic.version = 14 : i64} {
  func.func @_sc_body(%arg0: i32, %arg1: i32, %arg2: memref<139792xf32, #tpu.memory_space<hbm>>, %arg3: memref<16xf32, #tpu.memory_space<hbm>>, %arg4: memref<5120xf32, #tpu.memory_space<vmem>>, %arg5: memref<4096xf32, #tpu.memory_space<vmem>>, %arg6: memref<256xf32, #tpu.memory_space<vmem>>, %arg7: memref<16xf32, #tpu.memory_space<vmem>>, %arg8: memref<224xf32, #tpu.memory_space<vmem>>, %arg9: memref<112xf32, #tpu.memory_space<vmem>>, %arg10: memref<16xf32, #tpu.memory_space<vmem>>, %arg11: memref<256xf32, #tpu.memory_space<vmem>>, %arg12: memref<16xf32, #tpu.memory_space<vmem>>, %arg13: memref<16xf32, #tpu.memory_space<vmem>>, %arg14: memref<224xf32, #tpu.memory_space<vmem_shared>>, %arg15: memref<256xf32, #tpu.memory_space<vmem_shared>>, %arg16: memref<!tpu.dma_semaphore, #tpu.memory_space<semaphore_mem>>, %arg17: memref<!tpu.dma_semaphore, #tpu.memory_space<semaphore_mem>>, %arg18: memref<!tpu.dma_semaphore, #tpu.memory_space<semaphore_mem>>) attributes {dimension_semantics = [#tpu.dimension_semantics<core_parallel>, #tpu.dimension_semantics<subcore_parallel>], iteration_bounds = array<i64: 1, 16>, scalar_prefetch = 0 : i64, scratch_operands = 15 : i64, tpu.core_type = #tpu.core_type<sc_vector_subcore>, window_params = [{transform_indices = #map}, {transform_indices = #map}]} {
    %mul3A = arith.constant 1024 : i32
    %mul3A_0 = arith.muli %arg1, %mul3A : i32
    %add3A = arith.constant 0 : i32
    %add3A_1 = arith.addi %add3A, %mul3A_0 : i32
    %dma_start3A = arith.constant 0 : i32
    %dma_start3A_2 = tpu.memref_slice %arg4[%dma_start3A] : memref<5120xf32, #tpu.memory_space<vmem>> -> memref<1024xf32, #tpu.memory_space<vmem>>
    %dma_start3A_3 = tpu.memref_slice %arg2[%add3A_1] : memref<139792xf32, #tpu.memory_space<hbm>> -> memref<1024xf32, #tpu.memory_space<hbm>>
    %dma_start3A_4 = arith.constant 0 : i32
    %dma_start3A_5 = tpu.memref_slice %arg4[%dma_start3A_4] : memref<5120xf32, #tpu.memory_space<vmem>> -> memref<1024xf32, #tpu.memory_space<vmem>>
    %dma_start3A_6 = tpu.memref_slice %arg2[%add3A_1] : memref<139792xf32, #tpu.memory_space<hbm>> -> memref<1024xf32, #tpu.memory_space<hbm>>
    tpu.enqueue_dma source(%dma_start3A_6 : memref<1024xf32, #tpu.memory_space<hbm>>) target(%dma_start3A_5 : memref<1024xf32, #tpu.memory_space<vmem>>) target_semaphore(%arg16 : memref<!tpu.dma_semaphore, #tpu.memory_space<semaphore_mem>>)
    %mul3A_7 = arith.constant 1024 : i32
    %mul3A_8 = arith.muli %arg1, %mul3A_7 : i32
    %add3A_9 = arith.constant 16384 : i32
    %add3A_10 = arith.addi %add3A_9, %mul3A_8 : i32
    %dma_start3A_11 = arith.constant 1024 : i32
    %dma_start3A_12 = tpu.memref_slice %arg4[%dma_start3A_11] : memref<5120xf32, #tpu.memory_space<vmem>> -> memref<1024xf32, #tpu.memory_space<vmem>>
    %dma_start3A_13 = tpu.memref_slice %arg2[%add3A_10] : memref<139792xf32, #tpu.memory_space<hbm>> -> memref<1024xf32, #tpu.memory_space<hbm>>
    %dma_start3A_14 = arith.constant 1024 : i32
    %dma_start3A_15 = tpu.memref_slice %arg4[%dma_start3A_14] : memref<5120xf32, #tpu.memory_space<vmem>> -> memref<1024xf32, #tpu.memory_space<vmem>>
    %dma_start3A_16 = tpu.memref_slice %arg2[%add3A_10] : memref<139792xf32, #tpu.memory_space<hbm>> -> memref<1024xf32, #tpu.memory_space<hbm>>
    tpu.enqueue_dma source(%dma_start3A_16 : memref<1024xf32, #tpu.memory_space<hbm>>) target(%dma_start3A_15 : memref<1024xf32, #tpu.memory_space<vmem>>) target_semaphore(%arg16 : memref<!tpu.dma_semaphore, #tpu.memory_space<semaphore_mem>>)
    %mul3A_17 = arith.constant 1024 : i32
    %mul3A_18 = arith.muli %arg1, %mul3A_17 : i32
    %add3A_19 = arith.constant 32768 : i32
    %add3A_20 = arith.addi %add3A_19, %mul3A_18 : i32
    %dma_start3A_21 = arith.constant 2048 : i32
    %dma_start3A_22 = tpu.memref_slice %arg4[%dma_start3A_21] : memref<5120xf32, #tpu.memory_space<vmem>> -> memref<1024xf32, #tpu.memory_space<vmem>>
    %dma_start3A_23 = tpu.memref_slice %arg2[%add3A_20] : memref<139792xf32, #tpu.memory_space<hbm>> -> memref<1024xf32, #tpu.memory_space<hbm>>
    %dma_start3A_24 = arith.constant 2048 : i32
    %dma_start3A_25 = tpu.memref_slice %arg4[%dma_start3A_24] : memref<5120xf32, #tpu.memory_space<vmem>> -> memref<1024xf32, #tpu.memory_space<vmem>>
    %dma_start3A_26 = tpu.memref_slice %arg2[%add3A_20] : memref<139792xf32, #tpu.memory_space<hbm>> -> memref<1024xf32, #tpu.memory_space<hbm>>
    tpu.enqueue_dma source(%dma_start3A_26 : memref<1024xf32, #tpu.memory_space<hbm>>) target(%dma_start3A_25 : memref<1024xf32, #tpu.memory_space<vmem>>) target_semaphore(%arg16 : memref<!tpu.dma_semaphore, #tpu.memory_space<semaphore_mem>>)
    %mul3A_27 = arith.constant 1024 : i32
    %mul3A_28 = arith.muli %arg1, %mul3A_27 : i32
    %add3A_29 = arith.constant 49152 : i32
    %add3A_30 = arith.addi %add3A_29, %mul3A_28 : i32
    %dma_start3A_31 = arith.constant 3072 : i32
    %dma_start3A_32 = tpu.memref_slice %arg4[%dma_start3A_31] : memref<5120xf32, #tpu.memory_space<vmem>> -> memref<1024xf32, #tpu.memory_space<vmem>>
    %dma_start3A_33 = tpu.memref_slice %arg2[%add3A_30] : memref<139792xf32, #tpu.memory_space<hbm>> -> memref<1024xf32, #tpu.memory_space<hbm>>
    %dma_start3A_34 = arith.constant 3072 : i32
    %dma_start3A_35 = tpu.memref_slice %arg4[%dma_start3A_34] : memref<5120xf32, #tpu.memory_space<vmem>> -> memref<1024xf32, #tpu.memory_space<vmem>>
    %dma_start3A_36 = tpu.memref_slice %arg2[%add3A_30] : memref<139792xf32, #tpu.memory_space<hbm>> -> memref<1024xf32, #tpu.memory_space<hbm>>
    tpu.enqueue_dma source(%dma_start3A_36 : memref<1024xf32, #tpu.memory_space<hbm>>) target(%dma_start3A_35 : memref<1024xf32, #tpu.memory_space<vmem>>) target_semaphore(%arg16 : memref<!tpu.dma_semaphore, #tpu.memory_space<semaphore_mem>>)
    %mul3A_37 = arith.constant 1024 : i32
    %mul3A_38 = arith.muli %arg1, %mul3A_37 : i32
    %add3A_39 = arith.constant 65536 : i32
    %add3A_40 = arith.addi %add3A_39, %mul3A_38 : i32
    %dma_start3A_41 = arith.constant 4096 : i32
    %dma_start3A_42 = tpu.memref_slice %arg4[%dma_start3A_41] : memref<5120xf32, #tpu.memory_space<vmem>> -> memref<1024xf32, #tpu.memory_space<vmem>>
    %dma_start3A_43 = tpu.memref_slice %arg2[%add3A_40] : memref<139792xf32, #tpu.memory_space<hbm>> -> memref<1024xf32, #tpu.memory_space<hbm>>
    %dma_start3A_44 = arith.constant 4096 : i32
    %dma_start3A_45 = tpu.memref_slice %arg4[%dma_start3A_44] : memref<5120xf32, #tpu.memory_space<vmem>> -> memref<1024xf32, #tpu.memory_space<vmem>>
    %dma_start3A_46 = tpu.memref_slice %arg2[%add3A_40] : memref<139792xf32, #tpu.memory_space<hbm>> -> memref<1024xf32, #tpu.memory_space<hbm>>
    tpu.enqueue_dma source(%dma_start3A_46 : memref<1024xf32, #tpu.memory_space<hbm>>) target(%dma_start3A_45 : memref<1024xf32, #tpu.memory_space<vmem>>) target_semaphore(%arg16 : memref<!tpu.dma_semaphore, #tpu.memory_space<semaphore_mem>>)
    %eq3A = arith.constant 0 : i32
    %eq3A_47 = arith.cmpi eq, %arg1, %eq3A : i32
    %convert_element_type3A = arith.extui %eq3A_47 : i1 to i32
    %cond3A = arith.constant 0 : i32
    %cond3A_48 = arith.cmpi ne, %convert_element_type3A, %cond3A : i32
    scf.if %cond3A_48 {
      %dma_start3A_150 = arith.constant 139776 : i32
      %dma_start3A_151 = tpu.memref_slice %arg2[%dma_start3A_150] : memref<139792xf32, #tpu.memory_space<hbm>> -> memref<16xf32, #tpu.memory_space<hbm>>
      %dma_start3A_152 = arith.constant 139776 : i32
      %dma_start3A_153 = tpu.memref_slice %arg2[%dma_start3A_152] : memref<139792xf32, #tpu.memory_space<hbm>> -> memref<16xf32, #tpu.memory_space<hbm>>
      tpu.enqueue_dma source(%dma_start3A_153 : memref<16xf32, #tpu.memory_space<hbm>>) target(%arg12 : memref<16xf32, #tpu.memory_space<vmem>>) target_semaphore(%arg18 : memref<!tpu.dma_semaphore, #tpu.memory_space<semaphore_mem>>)
    } else {
    }
    %lt3A = arith.constant 14 : i32
    %lt3A_49 = arith.cmpi slt, %arg1, %lt3A : i32
    %convert_element_type3A_50 = arith.extui %lt3A_49 : i1 to i32
    %cond3A_51 = arith.constant 0 : i32
    %cond3A_52 = arith.cmpi ne, %convert_element_type3A_50, %cond3A_51 : i32
    scf.if %cond3A_52 {
      %jit3A = arith.constant 2 : i32
      %div3A = arith.divsi %arg1, %jit3A : i32
      %sign3A = arith.constant 0 : i32
      %sign3A_150 = arith.cmpi sgt, %arg1, %sign3A : i32
      %sign3A_151 = arith.extui %sign3A_150 : i1 to i32
      %sign3A_152 = arith.constant 0 : i32
      %sign3A_153 = arith.cmpi slt, %arg1, %sign3A_152 : i32
      %sign3A_154 = arith.extui %sign3A_153 : i1 to i32
      %sign3A_155 = arith.subi %sign3A_151, %sign3A_154 : i32
      %sign3A_156 = arith.constant 0 : i32
      %sign3A_157 = arith.cmpi sgt, %jit3A, %sign3A_156 : i32
      %sign3A_158 = arith.extui %sign3A_157 : i1 to i32
      %sign3A_159 = arith.constant 0 : i32
      %sign3A_160 = arith.cmpi slt, %jit3A, %sign3A_159 : i32
      %sign3A_161 = arith.extui %sign3A_160 : i1 to i32
      %sign3A_162 = arith.subi %sign3A_158, %sign3A_161 : i32
      %ne3A = arith.cmpi ne, %sign3A_155, %sign3A_162 : i32
      %rem3A = arith.remsi %arg1, %jit3A : i32
      %ne3A_163 = arith.constant 0 : i32
      %ne3A_164 = arith.cmpi ne, %rem3A, %ne3A_163 : i32
      %and3A = arith.andi %ne3A, %ne3A_164 : i1
      %sub3A = arith.constant 1 : i32
      %sub3A_165 = arith.subi %div3A, %sub3A : i32
      %select_n3A = arith.select %and3A, %sub3A_165, %div3A : i32
      %jit3A_166 = arith.constant 2 : i32
      %eq3A_167 = arith.constant 0 : i32
      %eq3A_168 = arith.cmpi eq, %jit3A_166, %eq3A_167 : i32
      %jit3A_169 = arith.constant 1 : i32
      %select_n3A_170 = arith.select %eq3A_168, %jit3A_169, %jit3A_166 : i32
      %rem3A_171 = arith.remsi %arg1, %select_n3A_170 : i32
      %ne3A_172 = arith.constant 0 : i32
      %ne3A_173 = arith.cmpi ne, %rem3A_171, %ne3A_172 : i32
      %lt3A_174 = arith.constant 0 : i32
      %lt3A_175 = arith.cmpi slt, %rem3A_171, %lt3A_174 : i32
      %lt3A_176 = arith.constant 0 : i32
      %lt3A_177 = arith.cmpi slt, %select_n3A_170, %lt3A_176 : i32
      %ne3A_178 = arith.xori %lt3A_175, %lt3A_177 : i1
      %and3A_179 = arith.andi %ne3A_178, %ne3A_173 : i1
      %add3A_180 = arith.addi %rem3A_171, %select_n3A_170 : i32
      %select_n3A_181 = arith.select %and3A_179, %add3A_180, %rem3A_171 : i32
      %mul3A_182 = arith.constant 256 : i32
      %mul3A_183 = arith.muli %arg1, %mul3A_182 : i32
      %mul3A_184 = arith.constant 16 : i32
      %mul3A_185 = arith.muli %mul3A_183, %mul3A_184 : i32
      %add3A_186 = arith.constant 81920 : i32
      %add3A_187 = arith.addi %add3A_186, %mul3A_185 : i32
      %dma_start3A_188 = tpu.memref_slice %arg2[%add3A_187] : memref<139792xf32, #tpu.memory_space<hbm>> -> memref<4096xf32, #tpu.memory_space<hbm>>
      %dma_start3A_189 = tpu.memref_slice %arg2[%add3A_187] : memref<139792xf32, #tpu.memory_space<hbm>> -> memref<4096xf32, #tpu.memory_space<hbm>>
      tpu.enqueue_dma source(%dma_start3A_189 : memref<4096xf32, #tpu.memory_space<hbm>>) target(%arg5 : memref<4096xf32, #tpu.memory_space<vmem>>) target_semaphore(%arg17 : memref<!tpu.dma_semaphore, #tpu.memory_space<semaphore_mem>>)
      %mul3A_190 = arith.constant 256 : i32
      %mul3A_191 = arith.muli %select_n3A_181, %mul3A_190 : i32
      %add3A_192 = arith.constant 139264 : i32
      %add3A_193 = arith.addi %add3A_192, %mul3A_191 : i32
      %dma_start3A_194 = tpu.memref_slice %arg2[%add3A_193] : memref<139792xf32, #tpu.memory_space<hbm>> -> memref<256xf32, #tpu.memory_space<hbm>>
      %dma_start3A_195 = tpu.memref_slice %arg2[%add3A_193] : memref<139792xf32, #tpu.memory_space<hbm>> -> memref<256xf32, #tpu.memory_space<hbm>>
      tpu.enqueue_dma source(%dma_start3A_195 : memref<256xf32, #tpu.memory_space<hbm>>) target(%arg6 : memref<256xf32, #tpu.memory_space<vmem>>) target_semaphore(%arg17 : memref<!tpu.dma_semaphore, #tpu.memory_space<semaphore_mem>>)
      %dma_wait3A_196 = tpu.memref_slice %arg2[%add3A_187] : memref<139792xf32, #tpu.memory_space<hbm>> -> memref<4096xf32, #tpu.memory_space<hbm>>
      %dma_wait3A_197 = tpu.memref_slice %arg2[%add3A_187] : memref<139792xf32, #tpu.memory_space<hbm>> -> memref<4096xf32, #tpu.memory_space<hbm>>
      tpu.wait_dma2 semaphore(%arg17 : memref<!tpu.dma_semaphore, #tpu.memory_space<semaphore_mem>>) src(%dma_wait3A_197 : memref<4096xf32, #tpu.memory_space<hbm>>) dst(%arg5 : memref<4096xf32, #tpu.memory_space<vmem>>)
      %dma_wait3A_198 = tpu.memref_slice %arg2[%add3A_193] : memref<139792xf32, #tpu.memory_space<hbm>> -> memref<256xf32, #tpu.memory_space<hbm>>
      %dma_wait3A_199 = tpu.memref_slice %arg2[%add3A_193] : memref<139792xf32, #tpu.memory_space<hbm>> -> memref<256xf32, #tpu.memory_space<hbm>>
      tpu.wait_dma2 semaphore(%arg17 : memref<!tpu.dma_semaphore, #tpu.memory_space<semaphore_mem>>) src(%dma_wait3A_199 : memref<256xf32, #tpu.memory_space<hbm>>) dst(%arg6 : memref<256xf32, #tpu.memory_space<vmem>>)
      %broadcast_in_dim3A_200 = arith.constant 0.000000e+00 : f32
      %broadcast_in_dim3A_201 = vector.broadcast %broadcast_in_dim3A_200 : f32 to vector<16xf32>
      %get3A_202 = arith.constant 0 : index
      %get3A_203 = tpu.vector_load %arg6[%get3A_202] {strides = array<i32>} : memref<256xf32, #tpu.memory_space<vmem>>, vector<16xf32>,
      %slice3A_204 = vector.extract_strided_slice %get3A_203 {offsets = [0], sizes = [1], strides = [1]} : vector<16xf32> to vector<1xf32>
      %squeeze3A_205 = vector.extract %slice3A_204[0] : f32 from vector<1xf32>
      %get3A_206 = arith.constant 0 : index
      %get3A_207 = tpu.vector_load %arg5[%get3A_206] {strides = array<i32>} : memref<4096xf32, #tpu.memory_space<vmem>>, vector<16xf32>,
      %mul3A_208 = vector.broadcast %squeeze3A_205 : f32 to vector<16xf32>
      %mul3A_209 = arith.mulf %mul3A_208, %get3A_207 : vector<16xf32>
      %add3A_210 = arith.addf %broadcast_in_dim3A_201, %mul3A_209 : vector<16xf32>
      %slice3A_211 = vector.extract_strided_slice %get3A_203 {offsets = [1], sizes = [1], strides = [1]} : vector<16xf32> to vector<1xf32>
      %squeeze3A_212 = vector.extract %slice3A_211[0] : f32 from vector<1xf32>
      %get3A_213 = arith.constant 16 : index
      %get3A_214 = tpu.vector_load %arg5[%get3A_213] {strides = array<i32>} : memref<4096xf32, #tpu.memory_space<vmem>>, vector<16xf32>,
      %mul3A_215 = vector.broadcast %squeeze3A_212 : f32 to vector<16xf32>
      %mul3A_216 = arith.mulf %mul3A_215, %get3A_214 : vector<16xf32>
      %add3A_217 = arith.addf %add3A_210, %mul3A_216 : vector<16xf32>
      %slice3A_218 = vector.extract_strided_slice %get3A_203 {offsets = [2], sizes = [1], strides = [1]} : vector<16xf32> to vector<1xf32>
      %squeeze3A_219 = vector.extract %slice3A_218[0] : f32 from vector<1xf32>
      %get3A_220 = arith.constant 32 : index
      %get3A_221 = tpu.vector_load %arg5[%get3A_220] {strides = array<i32>} : memref<4096xf32, #tpu.memory_space<vmem>>, vector<16xf32>,
      %mul3A_222 = vector.broadcast %squeeze3A_219 : f32 to vector<16xf32>
      %mul3A_223 = arith.mulf %mul3A_222, %get3A_221 : vector<16xf32>
      %add3A_224 = arith.addf %add3A_217, %mul3A_223 : vector<16xf32>
      %slice3A_225 = vector.extract_strided_slice %get3A_203 {offsets = [3], sizes = [1], strides = [1]} : vector<16xf32> to vector<1xf32>
      %squeeze3A_226 = vector.extract %slice3A_225[0] : f32 from vector<1xf32>
      %get3A_227 = arith.constant 48 : index
      %get3A_228 = tpu.vector_load %arg5[%get3A_227] {strides = array<i32>} : memref<4096xf32, #tpu.memory_space<vmem>>, vector<16xf32>,
      %mul3A_229 = vector.broadcast %squeeze3A_226 : f32 to vector<16xf32>
      %mul3A_230 = arith.mulf %mul3A_229, %get3A_228 : vector<16xf32>
      %add3A_231 = arith.addf %add3A_224, %mul3A_230 : vector<16xf32>
      %slice3A_232 = vector.extract_strided_slice %get3A_203 {offsets = [4], sizes = [1], strides = [1]} : vector<16xf32> to vector<1xf32>
      %squeeze3A_233 = vector.extract %slice3A_232[0] : f32 from vector<1xf32>
      %get3A_234 = arith.constant 64 : index
      %get3A_235 = tpu.vector_load %arg5[%get3A_234] {strides = array<i32>} : memref<4096xf32, #tpu.memory_space<vmem>>, vector<16xf32>,
      %mul3A_236 = vector.broadcast %squeeze3A_233 : f32 to vector<16xf32>
      %mul3A_237 = arith.mulf %mul3A_236, %get3A_235 : vector<16xf32>
      %add3A_238 = arith.addf %add3A_231, %mul3A_237 : vector<16xf32>
      %slice3A_239 = vector.extract_strided_slice %get3A_203 {offsets = [5], sizes = [1], strides = [1]} : vector<16xf32> to vector<1xf32>
      %squeeze3A_240 = vector.extract %slice3A_239[0] : f32 from vector<1xf32>
      %get3A_241 = arith.constant 80 : index
      %get3A_242 = tpu.vector_load %arg5[%get3A_241] {strides = array<i32>} : memref<4096xf32, #tpu.memory_space<vmem>>, vector<16xf32>,
      %mul3A_243 = vector.broadcast %squeeze3A_240 : f32 to vector<16xf32>
      %mul3A_244 = arith.mulf %mul3A_243, %get3A_242 : vector<16xf32>
      %add3A_245 = arith.addf %add3A_238, %mul3A_244 : vector<16xf32>
      %slice3A_246 = vector.extract_strided_slice %get3A_203 {offsets = [6], sizes = [1], strides = [1]} : vector<16xf32> to vector<1xf32>
      %squeeze3A_247 = vector.extract %slice3A_246[0] : f32 from vector<1xf32>
      %get3A_248 = arith.constant 96 : index
      %get3A_249 = tpu.vector_load %arg5[%get3A_248] {strides = array<i32>} : memref<4096xf32, #tpu.memory_space<vmem>>, vector<16xf32>,
      %mul3A_250 = vector.broadcast %squeeze3A_247 : f32 to vector<16xf32>
      %mul3A_251 = arith.mulf %mul3A_250, %get3A_249 : vector<16xf32>
      %add3A_252 = arith.addf %add3A_245, %mul3A_251 : vector<16xf32>
      %slice3A_253 = vector.extract_strided_slice %get3A_203 {offsets = [7], sizes = [1], strides = [1]} : vector<16xf32> to vector<1xf32>
      %squeeze3A_254 = vector.extract %slice3A_253[0] : f32 from vector<1xf32>
      %get3A_255 = arith.constant 112 : index
      %get3A_256 = tpu.vector_load %arg5[%get3A_255] {strides = array<i32>} : memref<4096xf32, #tpu.memory_space<vmem>>, vector<16xf32>,
      %mul3A_257 = vector.broadcast %squeeze3A_254 : f32 to vector<16xf32>
      %mul3A_258 = arith.mulf %mul3A_257, %get3A_256 : vector<16xf32>
      %add3A_259 = arith.addf %add3A_252, %mul3A_258 : vector<16xf32>
      %slice3A_260 = vector.extract_strided_slice %get3A_203 {offsets = [8], sizes = [1], strides = [1]} : vector<16xf32> to vector<1xf32>
      %squeeze3A_261 = vector.extract %slice3A_260[0] : f32 from vector<1xf32>
      %get3A_262 = arith.constant 128 : index
      %get3A_263 = tpu.vector_load %arg5[%get3A_262] {strides = array<i32>} : memref<4096xf32, #tpu.memory_space<vmem>>, vector<16xf32>,
      %mul3A_264 = vector.broadcast %squeeze3A_261 : f32 to vector<16xf32>
      %mul3A_265 = arith.mulf %mul3A_264, %get3A_263 : vector<16xf32>
      %add3A_266 = arith.addf %add3A_259, %mul3A_265 : vector<16xf32>
      %slice3A_267 = vector.extract_strided_slice %get3A_203 {offsets = [9], sizes = [1], strides = [1]} : vector<16xf32> to vector<1xf32>
      %squeeze3A_268 = vector.extract %slice3A_267[0] : f32 from vector<1xf32>
      %get3A_269 = arith.constant 144 : index
      %get3A_270 = tpu.vector_load %arg5[%get3A_269] {strides = array<i32>} : memref<4096xf32, #tpu.memory_space<vmem>>, vector<16xf32>,
      %mul3A_271 = vector.broadcast %squeeze3A_268 : f32 to vector<16xf32>
      %mul3A_272 = arith.mulf %mul3A_271, %get3A_270 : vector<16xf32>
      %add3A_273 = arith.addf %add3A_266, %mul3A_272 : vector<16xf32>
      %slice3A_274 = vector.extract_strided_slice %get3A_203 {offsets = [10], sizes = [1], strides = [1]} : vector<16xf32> to vector<1xf32>
      %squeeze3A_275 = vector.extract %slice3A_274[0] : f32 from vector<1xf32>
      %get3A_276 = arith.constant 160 : index
      %get3A_277 = tpu.vector_load %arg5[%get3A_276] {strides = array<i32>} : memref<4096xf32, #tpu.memory_space<vmem>>, vector<16xf32>,
      %mul3A_278 = vector.broadcast %squeeze3A_275 : f32 to vector<16xf32>
      %mul3A_279 = arith.mulf %mul3A_278, %get3A_277 : vector<16xf32>
      %add3A_280 = arith.addf %add3A_273, %mul3A_279 : vector<16xf32>
      %slice3A_281 = vector.extract_strided_slice %get3A_203 {offsets = [11], sizes = [1], strides = [1]} : vector<16xf32> to vector<1xf32>
      %squeeze3A_282 = vector.extract %slice3A_281[0] : f32 from vector<1xf32>
      %get3A_283 = arith.constant 176 : index
      %get3A_284 = tpu.vector_load %arg5[%get3A_283] {strides = array<i32>} : memref<4096xf32, #tpu.memory_space<vmem>>, vector<16xf32>,
      %mul3A_285 = vector.broadcast %squeeze3A_282 : f32 to vector<16xf32>
      %mul3A_286 = arith.mulf %mul3A_285, %get3A_284 : vector<16xf32>
      %add3A_287 = arith.addf %add3A_280, %mul3A_286 : vector<16xf32>
      %slice3A_288 = vector.extract_strided_slice %get3A_203 {offsets = [12], sizes = [1], strides = [1]} : vector<16xf32> to vector<1xf32>
      %squeeze3A_289 = vector.extract %slice3A_288[0] : f32 from vector<1xf32>
      %get3A_290 = arith.constant 192 : index
      %get3A_291 = tpu.vector_load %arg5[%get3A_290] {strides = array<i32>} : memref<4096xf32, #tpu.memory_space<vmem>>, vector<16xf32>,
      %mul3A_292 = vector.broadcast %squeeze3A_289 : f32 to vector<16xf32>
      %mul3A_293 = arith.mulf %mul3A_292, %get3A_291 : vector<16xf32>
      %add3A_294 = arith.addf %add3A_287, %mul3A_293 : vector<16xf32>
      %slice3A_295 = vector.extract_strided_slice %get3A_203 {offsets = [13], sizes = [1], strides = [1]} : vector<16xf32> to vector<1xf32>
      %squeeze3A_296 = vector.extract %slice3A_295[0] : f32 from vector<1xf32>
      %get3A_297 = arith.constant 208 : index
      %get3A_298 = tpu.vector_load %arg5[%get3A_297] {strides = array<i32>} : memref<4096xf32, #tpu.memory_space<vmem>>, vector<16xf32>,
      %mul3A_299 = vector.broadcast %squeeze3A_296 : f32 to vector<16xf32>
      %mul3A_300 = arith.mulf %mul3A_299, %get3A_298 : vector<16xf32>
      %add3A_301 = arith.addf %add3A_294, %mul3A_300 : vector<16xf32>
      %slice3A_302 = vector.extract_strided_slice %get3A_203 {offsets = [14], sizes = [1], strides = [1]} : vector<16xf32> to vector<1xf32>
      %squeeze3A_303 = vector.extract %slice3A_302[0] : f32 from vector<1xf32>
      %get3A_304 = arith.constant 224 : index
      %get3A_305 = tpu.vector_load %arg5[%get3A_304] {strides = array<i32>} : memref<4096xf32, #tpu.memory_space<vmem>>, vector<16xf32>,
      %mul3A_306 = vector.broadcast %squeeze3A_303 : f32 to vector<16xf32>
      %mul3A_307 = arith.mulf %mul3A_306, %get3A_305 : vector<16xf32>
      %add3A_308 = arith.addf %add3A_301, %mul3A_307 : vector<16xf32>
      %slice3A_309 = vector.extract_strided_slice %get3A_203 {offsets = [15], sizes = [1], strides = [1]} : vector<16xf32> to vector<1xf32>
      %squeeze3A_310 = vector.extract %slice3A_309[0] : f32 from vector<1xf32>
      %get3A_311 = arith.constant 240 : index
      %get3A_312 = tpu.vector_load %arg5[%get3A_311] {strides = array<i32>} : memref<4096xf32, #tpu.memory_space<vmem>>, vector<16xf32>,
      %mul3A_313 = vector.broadcast %squeeze3A_310 : f32 to vector<16xf32>
      %mul3A_314 = arith.mulf %mul3A_313, %get3A_312 : vector<16xf32>
      %add3A_315 = arith.addf %add3A_308, %mul3A_314 : vector<16xf32>
      %get3A_316 = arith.constant 16 : index
      %get3A_317 = tpu.vector_load %arg6[%get3A_316] {strides = array<i32>} : memref<256xf32, #tpu.memory_space<vmem>>, vector<16xf32>,
      %slice3A_318 = vector.extract_strided_slice %get3A_317 {offsets = [0], sizes = [1], strides = [1]} : vector<16xf32> to vector<1xf32>
      %squeeze3A_319 = vector.extract %slice3A_318[0] : f32 from vector<1xf32>
      %get3A_320 = arith.constant 256 : index
      %get3A_321 = tpu.vector_load %arg5[%get3A_320] {strides = array<i32>} : memref<4096xf32, #tpu.memory_space<vmem>>, vector<16xf32>,
      %mul3A_322 = vector.broadcast %squeeze3A_319 : f32 to vector<16xf32>
      %mul3A_323 = arith.mulf %mul3A_322, %get3A_321 : vector<16xf32>
      %add3A_324 = arith.addf %add3A_315, %mul3A_323 : vector<16xf32>
      %slice3A_325 = vector.extract_strided_slice %get3A_317 {offsets = [1], sizes = [1], strides = [1]} : vector<16xf32> to vector<1xf32>
      %squeeze3A_326 = vector.extract %slice3A_325[0] : f32 from vector<1xf32>
      %get3A_327 = arith.constant 272 : index
      %get3A_328 = tpu.vector_load %arg5[%get3A_327] {strides = array<i32>} : memref<4096xf32, #tpu.memory_space<vmem>>, vector<16xf32>,
      %mul3A_329 = vector.broadcast %squeeze3A_326 : f32 to vector<16xf32>
      %mul3A_330 = arith.mulf %mul3A_329, %get3A_328 : vector<16xf32>
      %add3A_331 = arith.addf %add3A_324, %mul3A_330 : vector<16xf32>
      %slice3A_332 = vector.extract_strided_slice %get3A_317 {offsets = [2], sizes = [1], strides = [1]} : vector<16xf32> to vector<1xf32>
      %squeeze3A_333 = vector.extract %slice3A_332[0] : f32 from vector<1xf32>
      %get3A_334 = arith.constant 288 : index
      %get3A_335 = tpu.vector_load %arg5[%get3A_334] {strides = array<i32>} : memref<4096xf32, #tpu.memory_space<vmem>>, vector<16xf32>,
      %mul3A_336 = vector.broadcast %squeeze3A_333 : f32 to vector<16xf32>
      %mul3A_337 = arith.mulf %mul3A_336, %get3A_335 : vector<16xf32>
      %add3A_338 = arith.addf %add3A_331, %mul3A_337 : vector<16xf32>
      %slice3A_339 = vector.extract_strided_slice %get3A_317 {offsets = [3], sizes = [1], strides = [1]} : vector<16xf32> to vector<1xf32>
      %squeeze3A_340 = vector.extract %slice3A_339[0] : f32 from vector<1xf32>
      %get3A_341 = arith.constant 304 : index
      %get3A_342 = tpu.vector_load %arg5[%get3A_341] {strides = array<i32>} : memref<4096xf32, #tpu.memory_space<vmem>>, vector<16xf32>,
      %mul3A_343 = vector.broadcast %squeeze3A_340 : f32 to vector<16xf32>
      %mul3A_344 = arith.mulf %mul3A_343, %get3A_342 : vector<16xf32>
      %add3A_345 = arith.addf %add3A_338, %mul3A_344 : vector<16xf32>
      %slice3A_346 = vector.extract_strided_slice %get3A_317 {offsets = [4], sizes = [1], strides = [1]} : vector<16xf32> to vector<1xf32>
      %squeeze3A_347 = vector.extract %slice3A_346[0] : f32 from vector<1xf32>
      %get3A_348 = arith.constant 320 : index
      %get3A_349 = tpu.vector_load %arg5[%get3A_348] {strides = array<i32>} : memref<4096xf32, #tpu.memory_space<vmem>>, vector<16xf32>,
      %mul3A_350 = vector.broadcast %squeeze3A_347 : f32 to vector<16xf32>
      %mul3A_351 = arith.mulf %mul3A_350, %get3A_349 : vector<16xf32>
      %add3A_352 = arith.addf %add3A_345, %mul3A_351 : vector<16xf32>
      %slice3A_353 = vector.extract_strided_slice %get3A_317 {offsets = [5], sizes = [1], strides = [1]} : vector<16xf32> to vector<1xf32>
      %squeeze3A_354 = vector.extract %slice3A_353[0] : f32 from vector<1xf32>
      %get3A_355 = arith.constant 336 : index
      %get3A_356 = tpu.vector_load %arg5[%get3A_355] {strides = array<i32>} : memref<4096xf32, #tpu.memory_space<vmem>>, vector<16xf32>,
      %mul3A_357 = vector.broadcast %squeeze3A_354 : f32 to vector<16xf32>
      %mul3A_358 = arith.mulf %mul3A_357, %get3A_356 : vector<16xf32>
      %add3A_359 = arith.addf %add3A_352, %mul3A_358 : vector<16xf32>
      %slice3A_360 = vector.extract_strided_slice %get3A_317 {offsets = [6], sizes = [1], strides = [1]} : vector<16xf32> to vector<1xf32>
      %squeeze3A_361 = vector.extract %slice3A_360[0] : f32 from vector<1xf32>
      %get3A_362 = arith.constant 352 : index
      %get3A_363 = tpu.vector_load %arg5[%get3A_362] {strides = array<i32>} : memref<4096xf32, #tpu.memory_space<vmem>>, vector<16xf32>,
      %mul3A_364 = vector.broadcast %squeeze3A_361 : f32 to vector<16xf32>
      %mul3A_365 = arith.mulf %mul3A_364, %get3A_363 : vector<16xf32>
      %add3A_366 = arith.addf %add3A_359, %mul3A_365 : vector<16xf32>
      %slice3A_367 = vector.extract_strided_slice %get3A_317 {offsets = [7], sizes = [1], strides = [1]} : vector<16xf32> to vector<1xf32>
      %squeeze3A_368 = vector.extract %slice3A_367[0] : f32 from vector<1xf32>
      %get3A_369 = arith.constant 368 : index
      %get3A_370 = tpu.vector_load %arg5[%get3A_369] {strides = array<i32>} : memref<4096xf32, #tpu.memory_space<vmem>>, vector<16xf32>,
      %mul3A_371 = vector.broadcast %squeeze3A_368 : f32 to vector<16xf32>
      %mul3A_372 = arith.mulf %mul3A_371, %get3A_370 : vector<16xf32>
      %add3A_373 = arith.addf %add3A_366, %mul3A_372 : vector<16xf32>
      %slice3A_374 = vector.extract_strided_slice %get3A_317 {offsets = [8], sizes = [1], strides = [1]} : vector<16xf32> to vector<1xf32>
      %squeeze3A_375 = vector.extract %slice3A_374[0] : f32 from vector<1xf32>
      %get3A_376 = arith.constant 384 : index
      %get3A_377 = tpu.vector_load %arg5[%get3A_376] {strides = array<i32>} : memref<4096xf32, #tpu.memory_space<vmem>>, vector<16xf32>,
      %mul3A_378 = vector.broadcast %squeeze3A_375 : f32 to vector<16xf32>
      %mul3A_379 = arith.mulf %mul3A_378, %get3A_377 : vector<16xf32>
      %add3A_380 = arith.addf %add3A_373, %mul3A_379 : vector<16xf32>
      %slice3A_381 = vector.extract_strided_slice %get3A_317 {offsets = [9], sizes = [1], strides = [1]} : vector<16xf32> to vector<1xf32>
      %squeeze3A_382 = vector.extract %slice3A_381[0] : f32 from vector<1xf32>
      %get3A_383 = arith.constant 400 : index
      %get3A_384 = tpu.vector_load %arg5[%get3A_383] {strides = array<i32>} : memref<4096xf32, #tpu.memory_space<vmem>>, vector<16xf32>,
      %mul3A_385 = vector.broadcast %squeeze3A_382 : f32 to vector<16xf32>
      %mul3A_386 = arith.mulf %mul3A_385, %get3A_384 : vector<16xf32>
      %add3A_387 = arith.addf %add3A_380, %mul3A_386 : vector<16xf32>
      %slice3A_388 = vector.extract_strided_slice %get3A_317 {offsets = [10], sizes = [1], strides = [1]} : vector<16xf32> to vector<1xf32>
      %squeeze3A_389 = vector.extract %slice3A_388[0] : f32 from vector<1xf32>
      %get3A_390 = arith.constant 416 : index
      %get3A_391 = tpu.vector_load %arg5[%get3A_390] {strides = array<i32>} : memref<4096xf32, #tpu.memory_space<vmem>>, vector<16xf32>,
      %mul3A_392 = vector.broadcast %squeeze3A_389 : f32 to vector<16xf32>
      %mul3A_393 = arith.mulf %mul3A_392, %get3A_391 : vector<16xf32>
      %add3A_394 = arith.addf %add3A_387, %mul3A_393 : vector<16xf32>
      %slice3A_395 = vector.extract_strided_slice %get3A_317 {offsets = [11], sizes = [1], strides = [1]} : vector<16xf32> to vector<1xf32>
      %squeeze3A_396 = vector.extract %slice3A_395[0] : f32 from vector<1xf32>
      %get3A_397 = arith.constant 432 : index
      %get3A_398 = tpu.vector_load %arg5[%get3A_397] {strides = array<i32>} : memref<4096xf32, #tpu.memory_space<vmem>>, vector<16xf32>,
      %mul3A_399 = vector.broadcast %squeeze3A_396 : f32 to vector<16xf32>
      %mul3A_400 = arith.mulf %mul3A_399, %get3A_398 : vector<16xf32>
      %add3A_401 = arith.addf %add3A_394, %mul3A_400 : vector<16xf32>
      %slice3A_402 = vector.extract_strided_slice %get3A_317 {offsets = [12], sizes = [1], strides = [1]} : vector<16xf32> to vector<1xf32>
      %squeeze3A_403 = vector.extract %slice3A_402[0] : f32 from vector<1xf32>
      %get3A_404 = arith.constant 448 : index
      %get3A_405 = tpu.vector_load %arg5[%get3A_404] {strides = array<i32>} : memref<4096xf32, #tpu.memory_space<vmem>>, vector<16xf32>,
      %mul3A_406 = vector.broadcast %squeeze3A_403 : f32 to vector<16xf32>
      %mul3A_407 = arith.mulf %mul3A_406, %get3A_405 : vector<16xf32>
      %add3A_408 = arith.addf %add3A_401, %mul3A_407 : vector<16xf32>
      %slice3A_409 = vector.extract_strided_slice %get3A_317 {offsets = [13], sizes = [1], strides = [1]} : vector<16xf32> to vector<1xf32>
      %squeeze3A_410 = vector.extract %slice3A_409[0] : f32 from vector<1xf32>
      %get3A_411 = arith.constant 464 : index
      %get3A_412 = tpu.vector_load %arg5[%get3A_411] {strides = array<i32>} : memref<4096xf32, #tpu.memory_space<vmem>>, vector<16xf32>,
      %mul3A_413 = vector.broadcast %squeeze3A_410 : f32 to vector<16xf32>
      %mul3A_414 = arith.mulf %mul3A_413, %get3A_412 : vector<16xf32>
      %add3A_415 = arith.addf %add3A_408, %mul3A_414 : vector<16xf32>
      %slice3A_416 = vector.extract_strided_slice %get3A_317 {offsets = [14], sizes = [1], strides = [1]} : vector<16xf32> to vector<1xf32>
      %squeeze3A_417 = vector.extract %slice3A_416[0] : f32 from vector<1xf32>
      %get3A_418 = arith.constant 480 : index
      %get3A_419 = tpu.vector_load %arg5[%get3A_418] {strides = array<i32>} : memref<4096xf32, #tpu.memory_space<vmem>>, vector<16xf32>,
      %mul3A_420 = vector.broadcast %squeeze3A_417 : f32 to vector<16xf32>
      %mul3A_421 = arith.mulf %mul3A_420, %get3A_419 : vector<16xf32>
      %add3A_422 = arith.addf %add3A_415, %mul3A_421 : vector<16xf32>
      %slice3A_423 = vector.extract_strided_slice %get3A_317 {offsets = [15], sizes = [1], strides = [1]} : vector<16xf32> to vector<1xf32>
      %squeeze3A_424 = vector.extract %slice3A_423[0] : f32 from vector<1xf32>
      %get3A_425 = arith.constant 496 : index
      %get3A_426 = tpu.vector_load %arg5[%get3A_425] {strides = array<i32>} : memref<4096xf32, #tpu.memory_space<vmem>>, vector<16xf32>,
      %mul3A_427 = vector.broadcast %squeeze3A_424 : f32 to vector<16xf32>
      %mul3A_428 = arith.mulf %mul3A_427, %get3A_426 : vector<16xf32>
      %add3A_429 = arith.addf %add3A_422, %mul3A_428 : vector<16xf32>
      %get3A_430 = arith.constant 32 : index
      %get3A_431 = tpu.vector_load %arg6[%get3A_430] {strides = array<i32>} : memref<256xf32, #tpu.memory_space<vmem>>, vector<16xf32>,
      %slice3A_432 = vector.extract_strided_slice %get3A_431 {offsets = [0], sizes = [1], strides = [1]} : vector<16xf32> to vector<1xf32>
      %squeeze3A_433 = vector.extract %slice3A_432[0] : f32 from vector<1xf32>
      %get3A_434 = arith.constant 512 : index
      %get3A_435 = tpu.vector_load %arg5[%get3A_434] {strides = array<i32>} : memref<4096xf32, #tpu.memory_space<vmem>>, vector<16xf32>,
      %mul3A_436 = vector.broadcast %squeeze3A_433 : f32 to vector<16xf32>
      %mul3A_437 = arith.mulf %mul3A_436, %get3A_435 : vector<16xf32>
      %add3A_438 = arith.addf %add3A_429, %mul3A_437 : vector<16xf32>
      %slice3A_439 = vector.extract_strided_slice %get3A_431 {offsets = [1], sizes = [1], strides = [1]} : vector<16xf32> to vector<1xf32>
      %squeeze3A_440 = vector.extract %slice3A_439[0] : f32 from vector<1xf32>
      %get3A_441 = arith.constant 528 : index
      %get3A_442 = tpu.vector_load %arg5[%get3A_441] {strides = array<i32>} : memref<4096xf32, #tpu.memory_space<vmem>>, vector<16xf32>,
      %mul3A_443 = vector.broadcast %squeeze3A_440 : f32 to vector<16xf32>
      %mul3A_444 = arith.mulf %mul3A_443, %get3A_442 : vector<16xf32>
      %add3A_445 = arith.addf %add3A_438, %mul3A_444 : vector<16xf32>
      %slice3A_446 = vector.extract_strided_slice %get3A_431 {offsets = [2], sizes = [1], strides = [1]} : vector<16xf32> to vector<1xf32>
      %squeeze3A_447 = vector.extract %slice3A_446[0] : f32 from vector<1xf32>
      %get3A_448 = arith.constant 544 : index
      %get3A_449 = tpu.vector_load %arg5[%get3A_448] {strides = array<i32>} : memref<4096xf32, #tpu.memory_space<vmem>>, vector<16xf32>,
      %mul3A_450 = vector.broadcast %squeeze3A_447 : f32 to vector<16xf32>
      %mul3A_451 = arith.mulf %mul3A_450, %get3A_449 : vector<16xf32>
      %add3A_452 = arith.addf %add3A_445, %mul3A_451 : vector<16xf32>
      %slice3A_453 = vector.extract_strided_slice %get3A_431 {offsets = [3], sizes = [1], strides = [1]} : vector<16xf32> to vector<1xf32>
      %squeeze3A_454 = vector.extract %slice3A_453[0] : f32 from vector<1xf32>
      %get3A_455 = arith.constant 560 : index
      %get3A_456 = tpu.vector_load %arg5[%get3A_455] {strides = array<i32>} : memref<4096xf32, #tpu.memory_space<vmem>>, vector<16xf32>,
      %mul3A_457 = vector.broadcast %squeeze3A_454 : f32 to vector<16xf32>
      %mul3A_458 = arith.mulf %mul3A_457, %get3A_456 : vector<16xf32>
      %add3A_459 = arith.addf %add3A_452, %mul3A_458 : vector<16xf32>
      %slice3A_460 = vector.extract_strided_slice %get3A_431 {offsets = [4], sizes = [1], strides = [1]} : vector<16xf32> to vector<1xf32>
      %squeeze3A_461 = vector.extract %slice3A_460[0] : f32 from vector<1xf32>
      %get3A_462 = arith.constant 576 : index
      %get3A_463 = tpu.vector_load %arg5[%get3A_462] {strides = array<i32>} : memref<4096xf32, #tpu.memory_space<vmem>>, vector<16xf32>,
      %mul3A_464 = vector.broadcast %squeeze3A_461 : f32 to vector<16xf32>
      %mul3A_465 = arith.mulf %mul3A_464, %get3A_463 : vector<16xf32>
      %add3A_466 = arith.addf %add3A_459, %mul3A_465 : vector<16xf32>
      %slice3A_467 = vector.extract_strided_slice %get3A_431 {offsets = [5], sizes = [1], strides = [1]} : vector<16xf32> to vector<1xf32>
      %squeeze3A_468 = vector.extract %slice3A_467[0] : f32 from vector<1xf32>
      %get3A_469 = arith.constant 592 : index
      %get3A_470 = tpu.vector_load %arg5[%get3A_469] {strides = array<i32>} : memref<4096xf32, #tpu.memory_space<vmem>>, vector<16xf32>,
      %mul3A_471 = vector.broadcast %squeeze3A_468 : f32 to vector<16xf32>
      %mul3A_472 = arith.mulf %mul3A_471, %get3A_470 : vector<16xf32>
      %add3A_473 = arith.addf %add3A_466, %mul3A_472 : vector<16xf32>
      %slice3A_474 = vector.extract_strided_slice %get3A_431 {offsets = [6], sizes = [1], strides = [1]} : vector<16xf32> to vector<1xf32>
      %squeeze3A_475 = vector.extract %slice3A_474[0] : f32 from vector<1xf32>
      %get3A_476 = arith.constant 608 : index
      %get3A_477 = tpu.vector_load %arg5[%get3A_476] {strides = array<i32>} : memref<4096xf32, #tpu.memory_space<vmem>>, vector<16xf32>,
      %mul3A_478 = vector.broadcast %squeeze3A_475 : f32 to vector<16xf32>
      %mul3A_479 = arith.mulf %mul3A_478, %get3A_477 : vector<16xf32>
      %add3A_480 = arith.addf %add3A_473, %mul3A_479 : vector<16xf32>
      %slice3A_481 = vector.extract_strided_slice %get3A_431 {offsets = [7], sizes = [1], strides = [1]} : vector<16xf32> to vector<1xf32>
      %squeeze3A_482 = vector.extract %slice3A_481[0] : f32 from vector<1xf32>
      %get3A_483 = arith.constant 624 : index
      %get3A_484 = tpu.vector_load %arg5[%get3A_483] {strides = array<i32>} : memref<4096xf32, #tpu.memory_space<vmem>>, vector<16xf32>,
      %mul3A_485 = vector.broadcast %squeeze3A_482 : f32 to vector<16xf32>
      %mul3A_486 = arith.mulf %mul3A_485, %get3A_484 : vector<16xf32>
      %add3A_487 = arith.addf %add3A_480, %mul3A_486 : vector<16xf32>
      %slice3A_488 = vector.extract_strided_slice %get3A_431 {offsets = [8], sizes = [1], strides = [1]} : vector<16xf32> to vector<1xf32>
      %squeeze3A_489 = vector.extract %slice3A_488[0] : f32 from vector<1xf32>
      %get3A_490 = arith.constant 640 : index
      %get3A_491 = tpu.vector_load %arg5[%get3A_490] {strides = array<i32>} : memref<4096xf32, #tpu.memory_space<vmem>>, vector<16xf32>,
      %mul3A_492 = vector.broadcast %squeeze3A_489 : f32 to vector<16xf32>
      %mul3A_493 = arith.mulf %mul3A_492, %get3A_491 : vector<16xf32>
      %add3A_494 = arith.addf %add3A_487, %mul3A_493 : vector<16xf32>
      %slice3A_495 = vector.extract_strided_slice %get3A_431 {offsets = [9], sizes = [1], strides = [1]} : vector<16xf32> to vector<1xf32>
      %squeeze3A_496 = vector.extract %slice3A_495[0] : f32 from vector<1xf32>
      %get3A_497 = arith.constant 656 : index
      %get3A_498 = tpu.vector_load %arg5[%get3A_497] {strides = array<i32>} : memref<4096xf32, #tpu.memory_space<vmem>>, vector<16xf32>,
      %mul3A_499 = vector.broadcast %squeeze3A_496 : f32 to vector<16xf32>
      %mul3A_500 = arith.mulf %mul3A_499, %get3A_498 : vector<16xf32>
      %add3A_501 = arith.addf %add3A_494, %mul3A_500 : vector<16xf32>
      %slice3A_502 = vector.extract_strided_slice %get3A_431 {offsets = [10], sizes = [1], strides = [1]} : vector<16xf32> to vector<1xf32>
      %squeeze3A_503 = vector.extract %slice3A_502[0] : f32 from vector<1xf32>
      %get3A_504 = arith.constant 672 : index
      %get3A_505 = tpu.vector_load %arg5[%get3A_504] {strides = array<i32>} : memref<4096xf32, #tpu.memory_space<vmem>>, vector<16xf32>,
      %mul3A_506 = vector.broadcast %squeeze3A_503 : f32 to vector<16xf32>
      %mul3A_507 = arith.mulf %mul3A_506, %get3A_505 : vector<16xf32>
      %add3A_508 = arith.addf %add3A_501, %mul3A_507 : vector<16xf32>
      %slice3A_509 = vector.extract_strided_slice %get3A_431 {offsets = [11], sizes = [1], strides = [1]} : vector<16xf32> to vector<1xf32>
      %squeeze3A_510 = vector.extract %slice3A_509[0] : f32 from vector<1xf32>
      %get3A_511 = arith.constant 688 : index
      %get3A_512 = tpu.vector_load %arg5[%get3A_511] {strides = array<i32>} : memref<4096xf32, #tpu.memory_space<vmem>>, vector<16xf32>,
      %mul3A_513 = vector.broadcast %squeeze3A_510 : f32 to vector<16xf32>
      %mul3A_514 = arith.mulf %mul3A_513, %get3A_512 : vector<16xf32>
      %add3A_515 = arith.addf %add3A_508, %mul3A_514 : vector<16xf32>
      %slice3A_516 = vector.extract_strided_slice %get3A_431 {offsets = [12], sizes = [1], strides = [1]} : vector<16xf32> to vector<1xf32>
      %squeeze3A_517 = vector.extract %slice3A_516[0] : f32 from vector<1xf32>
      %get3A_518 = arith.constant 704 : index
      %get3A_519 = tpu.vector_load %arg5[%get3A_518] {strides = array<i32>} : memref<4096xf32, #tpu.memory_space<vmem>>, vector<16xf32>,
      %mul3A_520 = vector.broadcast %squeeze3A_517 : f32 to vector<16xf32>
      %mul3A_521 = arith.mulf %mul3A_520, %get3A_519 : vector<16xf32>
      %add3A_522 = arith.addf %add3A_515, %mul3A_521 : vector<16xf32>
      %slice3A_523 = vector.extract_strided_slice %get3A_431 {offsets = [13], sizes = [1], strides = [1]} : vector<16xf32> to vector<1xf32>
      %squeeze3A_524 = vector.extract %slice3A_523[0] : f32 from vector<1xf32>
      %get3A_525 = arith.constant 720 : index
      %get3A_526 = tpu.vector_load %arg5[%get3A_525] {strides = array<i32>} : memref<4096xf32, #tpu.memory_space<vmem>>, vector<16xf32>,
      %mul3A_527 = vector.broadcast %squeeze3A_524 : f32 to vector<16xf32>
      %mul3A_528 = arith.mulf %mul3A_527, %get3A_526 : vector<16xf32>
      %add3A_529 = arith.addf %add3A_522, %mul3A_528 : vector<16xf32>
      %slice3A_530 = vector.extract_strided_slice %get3A_431 {offsets = [14], sizes = [1], strides = [1]} : vector<16xf32> to vector<1xf32>
      %squeeze3A_531 = vector.extract %slice3A_530[0] : f32 from vector<1xf32>
      %get3A_532 = arith.constant 736 : index
      %get3A_533 = tpu.vector_load %arg5[%get3A_532] {strides = array<i32>} : memref<4096xf32, #tpu.memory_space<vmem>>, vector<16xf32>,
      %mul3A_534 = vector.broadcast %squeeze3A_531 : f32 to vector<16xf32>
      %mul3A_535 = arith.mulf %mul3A_534, %get3A_533 : vector<16xf32>
      %add3A_536 = arith.addf %add3A_529, %mul3A_535 : vector<16xf32>
      %slice3A_537 = vector.extract_strided_slice %get3A_431 {offsets = [15], sizes = [1], strides = [1]} : vector<16xf32> to vector<1xf32>
      %squeeze3A_538 = vector.extract %slice3A_537[0] : f32 from vector<1xf32>
      %get3A_539 = arith.constant 752 : index
      %get3A_540 = tpu.vector_load %arg5[%get3A_539] {strides = array<i32>} : memref<4096xf32, #tpu.memory_space<vmem>>, vector<16xf32>,
      %mul3A_541 = vector.broadcast %squeeze3A_538 : f32 to vector<16xf32>
      %mul3A_542 = arith.mulf %mul3A_541, %get3A_540 : vector<16xf32>
      %add3A_543 = arith.addf %add3A_536, %mul3A_542 : vector<16xf32>
      %get3A_544 = arith.constant 48 : index
      %get3A_545 = tpu.vector_load %arg6[%get3A_544] {strides = array<i32>} : memref<256xf32, #tpu.memory_space<vmem>>, vector<16xf32>,
      %slice3A_546 = vector.extract_strided_slice %get3A_545 {offsets = [0], sizes = [1], strides = [1]} : vector<16xf32> to vector<1xf32>
      %squeeze3A_547 = vector.extract %slice3A_546[0] : f32 from vector<1xf32>
      %get3A_548 = arith.constant 768 : index
      %get3A_549 = tpu.vector_load %arg5[%get3A_548] {strides = array<i32>} : memref<4096xf32, #tpu.memory_space<vmem>>, vector<16xf32>,
      %mul3A_550 = vector.broadcast %squeeze3A_547 : f32 to vector<16xf32>
      %mul3A_551 = arith.mulf %mul3A_550, %get3A_549 : vector<16xf32>
      %add3A_552 = arith.addf %add3A_543, %mul3A_551 : vector<16xf32>
      %slice3A_553 = vector.extract_strided_slice %get3A_545 {offsets = [1], sizes = [1], strides = [1]} : vector<16xf32> to vector<1xf32>
      %squeeze3A_554 = vector.extract %slice3A_553[0] : f32 from vector<1xf32>
      %get3A_555 = arith.constant 784 : index
      %get3A_556 = tpu.vector_load %arg5[%get3A_555] {strides = array<i32>} : memref<4096xf32, #tpu.memory_space<vmem>>, vector<16xf32>,
      %mul3A_557 = vector.broadcast %squeeze3A_554 : f32 to vector<16xf32>
      %mul3A_558 = arith.mulf %mul3A_557, %get3A_556 : vector<16xf32>
      %add3A_559 = arith.addf %add3A_552, %mul3A_558 : vector<16xf32>
      %slice3A_560 = vector.extract_strided_slice %get3A_545 {offsets = [2], sizes = [1], strides = [1]} : vector<16xf32> to vector<1xf32>
      %squeeze3A_561 = vector.extract %slice3A_560[0] : f32 from vector<1xf32>
      %get3A_562 = arith.constant 800 : index
      %get3A_563 = tpu.vector_load %arg5[%get3A_562] {strides = array<i32>} : memref<4096xf32, #tpu.memory_space<vmem>>, vector<16xf32>,
      %mul3A_564 = vector.broadcast %squeeze3A_561 : f32 to vector<16xf32>
      %mul3A_565 = arith.mulf %mul3A_564, %get3A_563 : vector<16xf32>
      %add3A_566 = arith.addf %add3A_559, %mul3A_565 : vector<16xf32>
      %slice3A_567 = vector.extract_strided_slice %get3A_545 {offsets = [3], sizes = [1], strides = [1]} : vector<16xf32> to vector<1xf32>
      %squeeze3A_568 = vector.extract %slice3A_567[0] : f32 from vector<1xf32>
      %get3A_569 = arith.constant 816 : index
      %get3A_570 = tpu.vector_load %arg5[%get3A_569] {strides = array<i32>} : memref<4096xf32, #tpu.memory_space<vmem>>, vector<16xf32>,
      %mul3A_571 = vector.broadcast %squeeze3A_568 : f32 to vector<16xf32>
      %mul3A_572 = arith.mulf %mul3A_571, %get3A_570 : vector<16xf32>
      %add3A_573 = arith.addf %add3A_566, %mul3A_572 : vector<16xf32>
      %slice3A_574 = vector.extract_strided_slice %get3A_545 {offsets = [4], sizes = [1], strides = [1]} : vector<16xf32> to vector<1xf32>
      %squeeze3A_575 = vector.extract %slice3A_574[0] : f32 from vector<1xf32>
      %get3A_576 = arith.constant 832 : index
      %get3A_577 = tpu.vector_load %arg5[%get3A_576] {strides = array<i32>} : memref<4096xf32, #tpu.memory_space<vmem>>, vector<16xf32>,
      %mul3A_578 = vector.broadcast %squeeze3A_575 : f32 to vector<16xf32>
      %mul3A_579 = arith.mulf %mul3A_578, %get3A_577 : vector<16xf32>
      %add3A_580 = arith.addf %add3A_573, %mul3A_579 : vector<16xf32>
      %slice3A_581 = vector.extract_strided_slice %get3A_545 {offsets = [5], sizes = [1], strides = [1]} : vector<16xf32> to vector<1xf32>
      %squeeze3A_582 = vector.extract %slice3A_581[0] : f32 from vector<1xf32>
      %get3A_583 = arith.constant 848 : index
      %get3A_584 = tpu.vector_load %arg5[%get3A_583] {strides = array<i32>} : memref<4096xf32, #tpu.memory_space<vmem>>, vector<16xf32>,
      %mul3A_585 = vector.broadcast %squeeze3A_582 : f32 to vector<16xf32>
      %mul3A_586 = arith.mulf %mul3A_585, %get3A_584 : vector<16xf32>
      %add3A_587 = arith.addf %add3A_580, %mul3A_586 : vector<16xf32>
      %slice3A_588 = vector.extract_strided_slice %get3A_545 {offsets = [6], sizes = [1], strides = [1]} : vector<16xf32> to vector<1xf32>
      %squeeze3A_589 = vector.extract %slice3A_588[0] : f32 from vector<1xf32>
      %get3A_590 = arith.constant 864 : index
      %get3A_591 = tpu.vector_load %arg5[%get3A_590] {strides = array<i32>} : memref<4096xf32, #tpu.memory_space<vmem>>, vector<16xf32>,
      %mul3A_592 = vector.broadcast %squeeze3A_589 : f32 to vector<16xf32>
      %mul3A_593 = arith.mulf %mul3A_592, %get3A_591 : vector<16xf32>
      %add3A_594 = arith.addf %add3A_587, %mul3A_593 : vector<16xf32>
      %slice3A_595 = vector.extract_strided_slice %get3A_545 {offsets = [7], sizes = [1], strides = [1]} : vector<16xf32> to vector<1xf32>
      %squeeze3A_596 = vector.extract %slice3A_595[0] : f32 from vector<1xf32>
      %get3A_597 = arith.constant 880 : index
      %get3A_598 = tpu.vector_load %arg5[%get3A_597] {strides = array<i32>} : memref<4096xf32, #tpu.memory_space<vmem>>, vector<16xf32>,
      %mul3A_599 = vector.broadcast %squeeze3A_596 : f32 to vector<16xf32>
      %mul3A_600 = arith.mulf %mul3A_599, %get3A_598 : vector<16xf32>
      %add3A_601 = arith.addf %add3A_594, %mul3A_600 : vector<16xf32>
      %slice3A_602 = vector.extract_strided_slice %get3A_545 {offsets = [8], sizes = [1], strides = [1]} : vector<16xf32> to vector<1xf32>
      %squeeze3A_603 = vector.extract %slice3A_602[0] : f32 from vector<1xf32>
      %get3A_604 = arith.constant 896 : index
      %get3A_605 = tpu.vector_load %arg5[%get3A_604] {strides = array<i32>} : memref<4096xf32, #tpu.memory_space<vmem>>, vector<16xf32>,
      %mul3A_606 = vector.broadcast %squeeze3A_603 : f32 to vector<16xf32>
      %mul3A_607 = arith.mulf %mul3A_606, %get3A_605 : vector<16xf32>
      %add3A_608 = arith.addf %add3A_601, %mul3A_607 : vector<16xf32>
      %slice3A_609 = vector.extract_strided_slice %get3A_545 {offsets = [9], sizes = [1], strides = [1]} : vector<16xf32> to vector<1xf32>
      %squeeze3A_610 = vector.extract %slice3A_609[0] : f32 from vector<1xf32>
      %get3A_611 = arith.constant 912 : index
      %get3A_612 = tpu.vector_load %arg5[%get3A_611] {strides = array<i32>} : memref<4096xf32, #tpu.memory_space<vmem>>, vector<16xf32>,
      %mul3A_613 = vector.broadcast %squeeze3A_610 : f32 to vector<16xf32>
      %mul3A_614 = arith.mulf %mul3A_613, %get3A_612 : vector<16xf32>
      %add3A_615 = arith.addf %add3A_608, %mul3A_614 : vector<16xf32>
      %slice3A_616 = vector.extract_strided_slice %get3A_545 {offsets = [10], sizes = [1], strides = [1]} : vector<16xf32> to vector<1xf32>
      %squeeze3A_617 = vector.extract %slice3A_616[0] : f32 from vector<1xf32>
      %get3A_618 = arith.constant 928 : index
      %get3A_619 = tpu.vector_load %arg5[%get3A_618] {strides = array<i32>} : memref<4096xf32, #tpu.memory_space<vmem>>, vector<16xf32>,
      %mul3A_620 = vector.broadcast %squeeze3A_617 : f32 to vector<16xf32>
      %mul3A_621 = arith.mulf %mul3A_620, %get3A_619 : vector<16xf32>
      %add3A_622 = arith.addf %add3A_615, %mul3A_621 : vector<16xf32>
      %slice3A_623 = vector.extract_strided_slice %get3A_545 {offsets = [11], sizes = [1], strides = [1]} : vector<16xf32> to vector<1xf32>
      %squeeze3A_624 = vector.extract %slice3A_623[0] : f32 from vector<1xf32>
      %get3A_625 = arith.constant 944 : index
      %get3A_626 = tpu.vector_load %arg5[%get3A_625] {strides = array<i32>} : memref<4096xf32, #tpu.memory_space<vmem>>, vector<16xf32>,
      %mul3A_627 = vector.broadcast %squeeze3A_624 : f32 to vector<16xf32>
      %mul3A_628 = arith.mulf %mul3A_627, %get3A_626 : vector<16xf32>
      %add3A_629 = arith.addf %add3A_622, %mul3A_628 : vector<16xf32>
      %slice3A_630 = vector.extract_strided_slice %get3A_545 {offsets = [12], sizes = [1], strides = [1]} : vector<16xf32> to vector<1xf32>
      %squeeze3A_631 = vector.extract %slice3A_630[0] : f32 from vector<1xf32>
      %get3A_632 = arith.constant 960 : index
      %get3A_633 = tpu.vector_load %arg5[%get3A_632] {strides = array<i32>} : memref<4096xf32, #tpu.memory_space<vmem>>, vector<16xf32>,
      %mul3A_634 = vector.broadcast %squeeze3A_631 : f32 to vector<16xf32>
      %mul3A_635 = arith.mulf %mul3A_634, %get3A_633 : vector<16xf32>
      %add3A_636 = arith.addf %add3A_629, %mul3A_635 : vector<16xf32>
      %slice3A_637 = vector.extract_strided_slice %get3A_545 {offsets = [13], sizes = [1], strides = [1]} : vector<16xf32> to vector<1xf32>
      %squeeze3A_638 = vector.extract %slice3A_637[0] : f32 from vector<1xf32>
      %get3A_639 = arith.constant 976 : index
      %get3A_640 = tpu.vector_load %arg5[%get3A_639] {strides = array<i32>} : memref<4096xf32, #tpu.memory_space<vmem>>, vector<16xf32>,
      %mul3A_641 = vector.broadcast %squeeze3A_638 : f32 to vector<16xf32>
      %mul3A_642 = arith.mulf %mul3A_641, %get3A_640 : vector<16xf32>
      %add3A_643 = arith.addf %add3A_636, %mul3A_642 : vector<16xf32>
      %slice3A_644 = vector.extract_strided_slice %get3A_545 {offsets = [14], sizes = [1], strides = [1]} : vector<16xf32> to vector<1xf32>
      %squeeze3A_645 = vector.extract %slice3A_644[0] : f32 from vector<1xf32>
      %get3A_646 = arith.constant 992 : index
      %get3A_647 = tpu.vector_load %arg5[%get3A_646] {strides = array<i32>} : memref<4096xf32, #tpu.memory_space<vmem>>, vector<16xf32>,
      %mul3A_648 = vector.broadcast %squeeze3A_645 : f32 to vector<16xf32>
      %mul3A_649 = arith.mulf %mul3A_648, %get3A_647 : vector<16xf32>
      %add3A_650 = arith.addf %add3A_643, %mul3A_649 : vector<16xf32>
      %slice3A_651 = vector.extract_strided_slice %get3A_545 {offsets = [15], sizes = [1], strides = [1]} : vector<16xf32> to vector<1xf32>
      %squeeze3A_652 = vector.extract %slice3A_651[0] : f32 from vector<1xf32>
      %get3A_653 = arith.constant 1008 : index
      %get3A_654 = tpu.vector_load %arg5[%get3A_653] {strides = array<i32>} : memref<4096xf32, #tpu.memory_space<vmem>>, vector<16xf32>,
      %mul3A_655 = vector.broadcast %squeeze3A_652 : f32 to vector<16xf32>
      %mul3A_656 = arith.mulf %mul3A_655, %get3A_654 : vector<16xf32>
      %add3A_657 = arith.addf %add3A_650, %mul3A_656 : vector<16xf32>
      %get3A_658 = arith.constant 64 : index
      %get3A_659 = tpu.vector_load %arg6[%get3A_658] {strides = array<i32>} : memref<256xf32, #tpu.memory_space<vmem>>, vector<16xf32>,
      %slice3A_660 = vector.extract_strided_slice %get3A_659 {offsets = [0], sizes = [1], strides = [1]} : vector<16xf32> to vector<1xf32>
      %squeeze3A_661 = vector.extract %slice3A_660[0] : f32 from vector<1xf32>
      %get3A_662 = arith.constant 1024 : index
      %get3A_663 = tpu.vector_load %arg5[%get3A_662] {strides = array<i32>} : memref<4096xf32, #tpu.memory_space<vmem>>, vector<16xf32>,
      %mul3A_664 = vector.broadcast %squeeze3A_661 : f32 to vector<16xf32>
      %mul3A_665 = arith.mulf %mul3A_664, %get3A_663 : vector<16xf32>
      %add3A_666 = arith.addf %add3A_657, %mul3A_665 : vector<16xf32>
      %slice3A_667 = vector.extract_strided_slice %get3A_659 {offsets = [1], sizes = [1], strides = [1]} : vector<16xf32> to vector<1xf32>
      %squeeze3A_668 = vector.extract %slice3A_667[0] : f32 from vector<1xf32>
      %get3A_669 = arith.constant 1040 : index
      %get3A_670 = tpu.vector_load %arg5[%get3A_669] {strides = array<i32>} : memref<4096xf32, #tpu.memory_space<vmem>>, vector<16xf32>,
      %mul3A_671 = vector.broadcast %squeeze3A_668 : f32 to vector<16xf32>
      %mul3A_672 = arith.mulf %mul3A_671, %get3A_670 : vector<16xf32>
      %add3A_673 = arith.addf %add3A_666, %mul3A_672 : vector<16xf32>
      %slice3A_674 = vector.extract_strided_slice %get3A_659 {offsets = [2], sizes = [1], strides = [1]} : vector<16xf32> to vector<1xf32>
      %squeeze3A_675 = vector.extract %slice3A_674[0] : f32 from vector<1xf32>
      %get3A_676 = arith.constant 1056 : index
      %get3A_677 = tpu.vector_load %arg5[%get3A_676] {strides = array<i32>} : memref<4096xf32, #tpu.memory_space<vmem>>, vector<16xf32>,
      %mul3A_678 = vector.broadcast %squeeze3A_675 : f32 to vector<16xf32>
      %mul3A_679 = arith.mulf %mul3A_678, %get3A_677 : vector<16xf32>
      %add3A_680 = arith.addf %add3A_673, %mul3A_679 : vector<16xf32>
      %slice3A_681 = vector.extract_strided_slice %get3A_659 {offsets = [3], sizes = [1], strides = [1]} : vector<16xf32> to vector<1xf32>
      %squeeze3A_682 = vector.extract %slice3A_681[0] : f32 from vector<1xf32>
      %get3A_683 = arith.constant 1072 : index
      %get3A_684 = tpu.vector_load %arg5[%get3A_683] {strides = array<i32>} : memref<4096xf32, #tpu.memory_space<vmem>>, vector<16xf32>,
      %mul3A_685 = vector.broadcast %squeeze3A_682 : f32 to vector<16xf32>
      %mul3A_686 = arith.mulf %mul3A_685, %get3A_684 : vector<16xf32>
      %add3A_687 = arith.addf %add3A_680, %mul3A_686 : vector<16xf32>
      %slice3A_688 = vector.extract_strided_slice %get3A_659 {offsets = [4], sizes = [1], strides = [1]} : vector<16xf32> to vector<1xf32>
      %squeeze3A_689 = vector.extract %slice3A_688[0] : f32 from vector<1xf32>
      %get3A_690 = arith.constant 1088 : index
      %get3A_691 = tpu.vector_load %arg5[%get3A_690] {strides = array<i32>} : memref<4096xf32, #tpu.memory_space<vmem>>, vector<16xf32>,
      %mul3A_692 = vector.broadcast %squeeze3A_689 : f32 to vector<16xf32>
      %mul3A_693 = arith.mulf %mul3A_692, %get3A_691 : vector<16xf32>
      %add3A_694 = arith.addf %add3A_687, %mul3A_693 : vector<16xf32>
      %slice3A_695 = vector.extract_strided_slice %get3A_659 {offsets = [5], sizes = [1], strides = [1]} : vector<16xf32> to vector<1xf32>
      %squeeze3A_696 = vector.extract %slice3A_695[0] : f32 from vector<1xf32>
      %get3A_697 = arith.constant 1104 : index
      %get3A_698 = tpu.vector_load %arg5[%get3A_697] {strides = array<i32>} : memref<4096xf32, #tpu.memory_space<vmem>>, vector<16xf32>,
      %mul3A_699 = vector.broadcast %squeeze3A_696 : f32 to vector<16xf32>
      %mul3A_700 = arith.mulf %mul3A_699, %get3A_698 : vector<16xf32>
      %add3A_701 = arith.addf %add3A_694, %mul3A_700 : vector<16xf32>
      %slice3A_702 = vector.extract_strided_slice %get3A_659 {offsets = [6], sizes = [1], strides = [1]} : vector<16xf32> to vector<1xf32>
      %squeeze3A_703 = vector.extract %slice3A_702[0] : f32 from vector<1xf32>
      %get3A_704 = arith.constant 1120 : index
      %get3A_705 = tpu.vector_load %arg5[%get3A_704] {strides = array<i32>} : memref<4096xf32, #tpu.memory_space<vmem>>, vector<16xf32>,
      %mul3A_706 = vector.broadcast %squeeze3A_703 : f32 to vector<16xf32>
      %mul3A_707 = arith.mulf %mul3A_706, %get3A_705 : vector<16xf32>
      %add3A_708 = arith.addf %add3A_701, %mul3A_707 : vector<16xf32>
      %slice3A_709 = vector.extract_strided_slice %get3A_659 {offsets = [7], sizes = [1], strides = [1]} : vector<16xf32> to vector<1xf32>
      %squeeze3A_710 = vector.extract %slice3A_709[0] : f32 from vector<1xf32>
      %get3A_711 = arith.constant 1136 : index
      %get3A_712 = tpu.vector_load %arg5[%get3A_711] {strides = array<i32>} : memref<4096xf32, #tpu.memory_space<vmem>>, vector<16xf32>,
      %mul3A_713 = vector.broadcast %squeeze3A_710 : f32 to vector<16xf32>
      %mul3A_714 = arith.mulf %mul3A_713, %get3A_712 : vector<16xf32>
      %add3A_715 = arith.addf %add3A_708, %mul3A_714 : vector<16xf32>
      %slice3A_716 = vector.extract_strided_slice %get3A_659 {offsets = [8], sizes = [1], strides = [1]} : vector<16xf32> to vector<1xf32>
      %squeeze3A_717 = vector.extract %slice3A_716[0] : f32 from vector<1xf32>
      %get3A_718 = arith.constant 1152 : index
      %get3A_719 = tpu.vector_load %arg5[%get3A_718] {strides = array<i32>} : memref<4096xf32, #tpu.memory_space<vmem>>, vector<16xf32>,
      %mul3A_720 = vector.broadcast %squeeze3A_717 : f32 to vector<16xf32>
      %mul3A_721 = arith.mulf %mul3A_720, %get3A_719 : vector<16xf32>
      %add3A_722 = arith.addf %add3A_715, %mul3A_721 : vector<16xf32>
      %slice3A_723 = vector.extract_strided_slice %get3A_659 {offsets = [9], sizes = [1], strides = [1]} : vector<16xf32> to vector<1xf32>
      %squeeze3A_724 = vector.extract %slice3A_723[0] : f32 from vector<1xf32>
      %get3A_725 = arith.constant 1168 : index
      %get3A_726 = tpu.vector_load %arg5[%get3A_725] {strides = array<i32>} : memref<4096xf32, #tpu.memory_space<vmem>>, vector<16xf32>,
      %mul3A_727 = vector.broadcast %squeeze3A_724 : f32 to vector<16xf32>
      %mul3A_728 = arith.mulf %mul3A_727, %get3A_726 : vector<16xf32>
      %add3A_729 = arith.addf %add3A_722, %mul3A_728 : vector<16xf32>
      %slice3A_730 = vector.extract_strided_slice %get3A_659 {offsets = [10], sizes = [1], strides = [1]} : vector<16xf32> to vector<1xf32>
      %squeeze3A_731 = vector.extract %slice3A_730[0] : f32 from vector<1xf32>
      %get3A_732 = arith.constant 1184 : index
      %get3A_733 = tpu.vector_load %arg5[%get3A_732] {strides = array<i32>} : memref<4096xf32, #tpu.memory_space<vmem>>, vector<16xf32>,
      %mul3A_734 = vector.broadcast %squeeze3A_731 : f32 to vector<16xf32>
      %mul3A_735 = arith.mulf %mul3A_734, %get3A_733 : vector<16xf32>
      %add3A_736 = arith.addf %add3A_729, %mul3A_735 : vector<16xf32>
      %slice3A_737 = vector.extract_strided_slice %get3A_659 {offsets = [11], sizes = [1], strides = [1]} : vector<16xf32> to vector<1xf32>
      %squeeze3A_738 = vector.extract %slice3A_737[0] : f32 from vector<1xf32>
      %get3A_739 = arith.constant 1200 : index
      %get3A_740 = tpu.vector_load %arg5[%get3A_739] {strides = array<i32>} : memref<4096xf32, #tpu.memory_space<vmem>>, vector<16xf32>,
      %mul3A_741 = vector.broadcast %squeeze3A_738 : f32 to vector<16xf32>
      %mul3A_742 = arith.mulf %mul3A_741, %get3A_740 : vector<16xf32>
      %add3A_743 = arith.addf %add3A_736, %mul3A_742 : vector<16xf32>
      %slice3A_744 = vector.extract_strided_slice %get3A_659 {offsets = [12], sizes = [1], strides = [1]} : vector<16xf32> to vector<1xf32>
      %squeeze3A_745 = vector.extract %slice3A_744[0] : f32 from vector<1xf32>
      %get3A_746 = arith.constant 1216 : index
      %get3A_747 = tpu.vector_load %arg5[%get3A_746] {strides = array<i32>} : memref<4096xf32, #tpu.memory_space<vmem>>, vector<16xf32>,
      %mul3A_748 = vector.broadcast %squeeze3A_745 : f32 to vector<16xf32>
      %mul3A_749 = arith.mulf %mul3A_748, %get3A_747 : vector<16xf32>
      %add3A_750 = arith.addf %add3A_743, %mul3A_749 : vector<16xf32>
      %slice3A_751 = vector.extract_strided_slice %get3A_659 {offsets = [13], sizes = [1], strides = [1]} : vector<16xf32> to vector<1xf32>
      %squeeze3A_752 = vector.extract %slice3A_751[0] : f32 from vector<1xf32>
      %get3A_753 = arith.constant 1232 : index
      %get3A_754 = tpu.vector_load %arg5[%get3A_753] {strides = array<i32>} : memref<4096xf32, #tpu.memory_space<vmem>>, vector<16xf32>,
      %mul3A_755 = vector.broadcast %squeeze3A_752 : f32 to vector<16xf32>
      %mul3A_756 = arith.mulf %mul3A_755, %get3A_754 : vector<16xf32>
      %add3A_757 = arith.addf %add3A_750, %mul3A_756 : vector<16xf32>
      %slice3A_758 = vector.extract_strided_slice %get3A_659 {offsets = [14], sizes = [1], strides = [1]} : vector<16xf32> to vector<1xf32>
      %squeeze3A_759 = vector.extract %slice3A_758[0] : f32 from vector<1xf32>
      %get3A_760 = arith.constant 1248 : index
      %get3A_761 = tpu.vector_load %arg5[%get3A_760] {strides = array<i32>} : memref<4096xf32, #tpu.memory_space<vmem>>, vector<16xf32>,
      %mul3A_762 = vector.broadcast %squeeze3A_759 : f32 to vector<16xf32>
      %mul3A_763 = arith.mulf %mul3A_762, %get3A_761 : vector<16xf32>
      %add3A_764 = arith.addf %add3A_757, %mul3A_763 : vector<16xf32>
      %slice3A_765 = vector.extract_strided_slice %get3A_659 {offsets = [15], sizes = [1], strides = [1]} : vector<16xf32> to vector<1xf32>
      %squeeze3A_766 = vector.extract %slice3A_765[0] : f32 from vector<1xf32>
      %get3A_767 = arith.constant 1264 : index
      %get3A_768 = tpu.vector_load %arg5[%get3A_767] {strides = array<i32>} : memref<4096xf32, #tpu.memory_space<vmem>>, vector<16xf32>,
      %mul3A_769 = vector.broadcast %squeeze3A_766 : f32 to vector<16xf32>
      %mul3A_770 = arith.mulf %mul3A_769, %get3A_768 : vector<16xf32>
      %add3A_771 = arith.addf %add3A_764, %mul3A_770 : vector<16xf32>
      %get3A_772 = arith.constant 80 : index
      %get3A_773 = tpu.vector_load %arg6[%get3A_772] {strides = array<i32>} : memref<256xf32, #tpu.memory_space<vmem>>, vector<16xf32>,
      %slice3A_774 = vector.extract_strided_slice %get3A_773 {offsets = [0], sizes = [1], strides = [1]} : vector<16xf32> to vector<1xf32>
      %squeeze3A_775 = vector.extract %slice3A_774[0] : f32 from vector<1xf32>
      %get3A_776 = arith.constant 1280 : index
      %get3A_777 = tpu.vector_load %arg5[%get3A_776] {strides = array<i32>} : memref<4096xf32, #tpu.memory_space<vmem>>, vector<16xf32>,
      %mul3A_778 = vector.broadcast %squeeze3A_775 : f32 to vector<16xf32>
      %mul3A_779 = arith.mulf %mul3A_778, %get3A_777 : vector<16xf32>
      %add3A_780 = arith.addf %add3A_771, %mul3A_779 : vector<16xf32>
      %slice3A_781 = vector.extract_strided_slice %get3A_773 {offsets = [1], sizes = [1], strides = [1]} : vector<16xf32> to vector<1xf32>
      %squeeze3A_782 = vector.extract %slice3A_781[0] : f32 from vector<1xf32>
      %get3A_783 = arith.constant 1296 : index
      %get3A_784 = tpu.vector_load %arg5[%get3A_783] {strides = array<i32>} : memref<4096xf32, #tpu.memory_space<vmem>>, vector<16xf32>,
      %mul3A_785 = vector.broadcast %squeeze3A_782 : f32 to vector<16xf32>
      %mul3A_786 = arith.mulf %mul3A_785, %get3A_784 : vector<16xf32>
      %add3A_787 = arith.addf %add3A_780, %mul3A_786 : vector<16xf32>
      %slice3A_788 = vector.extract_strided_slice %get3A_773 {offsets = [2], sizes = [1], strides = [1]} : vector<16xf32> to vector<1xf32>
      %squeeze3A_789 = vector.extract %slice3A_788[0] : f32 from vector<1xf32>
      %get3A_790 = arith.constant 1312 : index
      %get3A_791 = tpu.vector_load %arg5[%get3A_790] {strides = array<i32>} : memref<4096xf32, #tpu.memory_space<vmem>>, vector<16xf32>,
      %mul3A_792 = vector.broadcast %squeeze3A_789 : f32 to vector<16xf32>
      %mul3A_793 = arith.mulf %mul3A_792, %get3A_791 : vector<16xf32>
      %add3A_794 = arith.addf %add3A_787, %mul3A_793 : vector<16xf32>
      %slice3A_795 = vector.extract_strided_slice %get3A_773 {offsets = [3], sizes = [1], strides = [1]} : vector<16xf32> to vector<1xf32>
      %squeeze3A_796 = vector.extract %slice3A_795[0] : f32 from vector<1xf32>
      %get3A_797 = arith.constant 1328 : index
      %get3A_798 = tpu.vector_load %arg5[%get3A_797] {strides = array<i32>} : memref<4096xf32, #tpu.memory_space<vmem>>, vector<16xf32>,
      %mul3A_799 = vector.broadcast %squeeze3A_796 : f32 to vector<16xf32>
      %mul3A_800 = arith.mulf %mul3A_799, %get3A_798 : vector<16xf32>
      %add3A_801 = arith.addf %add3A_794, %mul3A_800 : vector<16xf32>
      %slice3A_802 = vector.extract_strided_slice %get3A_773 {offsets = [4], sizes = [1], strides = [1]} : vector<16xf32> to vector<1xf32>
      %squeeze3A_803 = vector.extract %slice3A_802[0] : f32 from vector<1xf32>
      %get3A_804 = arith.constant 1344 : index
      %get3A_805 = tpu.vector_load %arg5[%get3A_804] {strides = array<i32>} : memref<4096xf32, #tpu.memory_space<vmem>>, vector<16xf32>,
      %mul3A_806 = vector.broadcast %squeeze3A_803 : f32 to vector<16xf32>
      %mul3A_807 = arith.mulf %mul3A_806, %get3A_805 : vector<16xf32>
      %add3A_808 = arith.addf %add3A_801, %mul3A_807 : vector<16xf32>
      %slice3A_809 = vector.extract_strided_slice %get3A_773 {offsets = [5], sizes = [1], strides = [1]} : vector<16xf32> to vector<1xf32>
      %squeeze3A_810 = vector.extract %slice3A_809[0] : f32 from vector<1xf32>
      %get3A_811 = arith.constant 1360 : index
      %get3A_812 = tpu.vector_load %arg5[%get3A_811] {strides = array<i32>} : memref<4096xf32, #tpu.memory_space<vmem>>, vector<16xf32>,
      %mul3A_813 = vector.broadcast %squeeze3A_810 : f32 to vector<16xf32>
      %mul3A_814 = arith.mulf %mul3A_813, %get3A_812 : vector<16xf32>
      %add3A_815 = arith.addf %add3A_808, %mul3A_814 : vector<16xf32>
      %slice3A_816 = vector.extract_strided_slice %get3A_773 {offsets = [6], sizes = [1], strides = [1]} : vector<16xf32> to vector<1xf32>
      %squeeze3A_817 = vector.extract %slice3A_816[0] : f32 from vector<1xf32>
      %get3A_818 = arith.constant 1376 : index
      %get3A_819 = tpu.vector_load %arg5[%get3A_818] {strides = array<i32>} : memref<4096xf32, #tpu.memory_space<vmem>>, vector<16xf32>,
      %mul3A_820 = vector.broadcast %squeeze3A_817 : f32 to vector<16xf32>
      %mul3A_821 = arith.mulf %mul3A_820, %get3A_819 : vector<16xf32>
      %add3A_822 = arith.addf %add3A_815, %mul3A_821 : vector<16xf32>
      %slice3A_823 = vector.extract_strided_slice %get3A_773 {offsets = [7], sizes = [1], strides = [1]} : vector<16xf32> to vector<1xf32>
      %squeeze3A_824 = vector.extract %slice3A_823[0] : f32 from vector<1xf32>
      %get3A_825 = arith.constant 1392 : index
      %get3A_826 = tpu.vector_load %arg5[%get3A_825] {strides = array<i32>} : memref<4096xf32, #tpu.memory_space<vmem>>, vector<16xf32>,
      %mul3A_827 = vector.broadcast %squeeze3A_824 : f32 to vector<16xf32>
      %mul3A_828 = arith.mulf %mul3A_827, %get3A_826 : vector<16xf32>
      %add3A_829 = arith.addf %add3A_822, %mul3A_828 : vector<16xf32>
      %slice3A_830 = vector.extract_strided_slice %get3A_773 {offsets = [8], sizes = [1], strides = [1]} : vector<16xf32> to vector<1xf32>
      %squeeze3A_831 = vector.extract %slice3A_830[0] : f32 from vector<1xf32>
      %get3A_832 = arith.constant 1408 : index
      %get3A_833 = tpu.vector_load %arg5[%get3A_832] {strides = array<i32>} : memref<4096xf32, #tpu.memory_space<vmem>>, vector<16xf32>,
      %mul3A_834 = vector.broadcast %squeeze3A_831 : f32 to vector<16xf32>
      %mul3A_835 = arith.mulf %mul3A_834, %get3A_833 : vector<16xf32>
      %add3A_836 = arith.addf %add3A_829, %mul3A_835 : vector<16xf32>
      %slice3A_837 = vector.extract_strided_slice %get3A_773 {offsets = [9], sizes = [1], strides = [1]} : vector<16xf32> to vector<1xf32>
      %squeeze3A_838 = vector.extract %slice3A_837[0] : f32 from vector<1xf32>
      %get3A_839 = arith.constant 1424 : index
      %get3A_840 = tpu.vector_load %arg5[%get3A_839] {strides = array<i32>} : memref<4096xf32, #tpu.memory_space<vmem>>, vector<16xf32>,
      %mul3A_841 = vector.broadcast %squeeze3A_838 : f32 to vector<16xf32>
      %mul3A_842 = arith.mulf %mul3A_841, %get3A_840 : vector<16xf32>
      %add3A_843 = arith.addf %add3A_836, %mul3A_842 : vector<16xf32>
      %slice3A_844 = vector.extract_strided_slice %get3A_773 {offsets = [10], sizes = [1], strides = [1]} : vector<16xf32> to vector<1xf32>
      %squeeze3A_845 = vector.extract %slice3A_844[0] : f32 from vector<1xf32>
      %get3A_846 = arith.constant 1440 : index
      %get3A_847 = tpu.vector_load %arg5[%get3A_846] {strides = array<i32>} : memref<4096xf32, #tpu.memory_space<vmem>>, vector<16xf32>,
      %mul3A_848 = vector.broadcast %squeeze3A_845 : f32 to vector<16xf32>
      %mul3A_849 = arith.mulf %mul3A_848, %get3A_847 : vector<16xf32>
      %add3A_850 = arith.addf %add3A_843, %mul3A_849 : vector<16xf32>
      %slice3A_851 = vector.extract_strided_slice %get3A_773 {offsets = [11], sizes = [1], strides = [1]} : vector<16xf32> to vector<1xf32>
      %squeeze3A_852 = vector.extract %slice3A_851[0] : f32 from vector<1xf32>
      %get3A_853 = arith.constant 1456 : index
      %get3A_854 = tpu.vector_load %arg5[%get3A_853] {strides = array<i32>} : memref<4096xf32, #tpu.memory_space<vmem>>, vector<16xf32>,
      %mul3A_855 = vector.broadcast %squeeze3A_852 : f32 to vector<16xf32>
      %mul3A_856 = arith.mulf %mul3A_855, %get3A_854 : vector<16xf32>
      %add3A_857 = arith.addf %add3A_850, %mul3A_856 : vector<16xf32>
      %slice3A_858 = vector.extract_strided_slice %get3A_773 {offsets = [12], sizes = [1], strides = [1]} : vector<16xf32> to vector<1xf32>
      %squeeze3A_859 = vector.extract %slice3A_858[0] : f32 from vector<1xf32>
      %get3A_860 = arith.constant 1472 : index
      %get3A_861 = tpu.vector_load %arg5[%get3A_860] {strides = array<i32>} : memref<4096xf32, #tpu.memory_space<vmem>>, vector<16xf32>,
      %mul3A_862 = vector.broadcast %squeeze3A_859 : f32 to vector<16xf32>
      %mul3A_863 = arith.mulf %mul3A_862, %get3A_861 : vector<16xf32>
      %add3A_864 = arith.addf %add3A_857, %mul3A_863 : vector<16xf32>
      %slice3A_865 = vector.extract_strided_slice %get3A_773 {offsets = [13], sizes = [1], strides = [1]} : vector<16xf32> to vector<1xf32>
      %squeeze3A_866 = vector.extract %slice3A_865[0] : f32 from vector<1xf32>
      %get3A_867 = arith.constant 1488 : index
      %get3A_868 = tpu.vector_load %arg5[%get3A_867] {strides = array<i32>} : memref<4096xf32, #tpu.memory_space<vmem>>, vector<16xf32>,
      %mul3A_869 = vector.broadcast %squeeze3A_866 : f32 to vector<16xf32>
      %mul3A_870 = arith.mulf %mul3A_869, %get3A_868 : vector<16xf32>
      %add3A_871 = arith.addf %add3A_864, %mul3A_870 : vector<16xf32>
      %slice3A_872 = vector.extract_strided_slice %get3A_773 {offsets = [14], sizes = [1], strides = [1]} : vector<16xf32> to vector<1xf32>
      %squeeze3A_873 = vector.extract %slice3A_872[0] : f32 from vector<1xf32>
      %get3A_874 = arith.constant 1504 : index
      %get3A_875 = tpu.vector_load %arg5[%get3A_874] {strides = array<i32>} : memref<4096xf32, #tpu.memory_space<vmem>>, vector<16xf32>,
      %mul3A_876 = vector.broadcast %squeeze3A_873 : f32 to vector<16xf32>
      %mul3A_877 = arith.mulf %mul3A_876, %get3A_875 : vector<16xf32>
      %add3A_878 = arith.addf %add3A_871, %mul3A_877 : vector<16xf32>
      %slice3A_879 = vector.extract_strided_slice %get3A_773 {offsets = [15], sizes = [1], strides = [1]} : vector<16xf32> to vector<1xf32>
      %squeeze3A_880 = vector.extract %slice3A_879[0] : f32 from vector<1xf32>
      %get3A_881 = arith.constant 1520 : index
      %get3A_882 = tpu.vector_load %arg5[%get3A_881] {strides = array<i32>} : memref<4096xf32, #tpu.memory_space<vmem>>, vector<16xf32>,
      %mul3A_883 = vector.broadcast %squeeze3A_880 : f32 to vector<16xf32>
      %mul3A_884 = arith.mulf %mul3A_883, %get3A_882 : vector<16xf32>
      %add3A_885 = arith.addf %add3A_878, %mul3A_884 : vector<16xf32>
      %get3A_886 = arith.constant 96 : index
      %get3A_887 = tpu.vector_load %arg6[%get3A_886] {strides = array<i32>} : memref<256xf32, #tpu.memory_space<vmem>>, vector<16xf32>,
      %slice3A_888 = vector.extract_strided_slice %get3A_887 {offsets = [0], sizes = [1], strides = [1]} : vector<16xf32> to vector<1xf32>
      %squeeze3A_889 = vector.extract %slice3A_888[0] : f32 from vector<1xf32>
      %get3A_890 = arith.constant 1536 : index
      %get3A_891 = tpu.vector_load %arg5[%get3A_890] {strides = array<i32>} : memref<4096xf32, #tpu.memory_space<vmem>>, vector<16xf32>,
      %mul3A_892 = vector.broadcast %squeeze3A_889 : f32 to vector<16xf32>
      %mul3A_893 = arith.mulf %mul3A_892, %get3A_891 : vector<16xf32>
      %add3A_894 = arith.addf %add3A_885, %mul3A_893 : vector<16xf32>
      %slice3A_895 = vector.extract_strided_slice %get3A_887 {offsets = [1], sizes = [1], strides = [1]} : vector<16xf32> to vector<1xf32>
      %squeeze3A_896 = vector.extract %slice3A_895[0] : f32 from vector<1xf32>
      %get3A_897 = arith.constant 1552 : index
      %get3A_898 = tpu.vector_load %arg5[%get3A_897] {strides = array<i32>} : memref<4096xf32, #tpu.memory_space<vmem>>, vector<16xf32>,
      %mul3A_899 = vector.broadcast %squeeze3A_896 : f32 to vector<16xf32>
      %mul3A_900 = arith.mulf %mul3A_899, %get3A_898 : vector<16xf32>
      %add3A_901 = arith.addf %add3A_894, %mul3A_900 : vector<16xf32>
      %slice3A_902 = vector.extract_strided_slice %get3A_887 {offsets = [2], sizes = [1], strides = [1]} : vector<16xf32> to vector<1xf32>
      %squeeze3A_903 = vector.extract %slice3A_902[0] : f32 from vector<1xf32>
      %get3A_904 = arith.constant 1568 : index
      %get3A_905 = tpu.vector_load %arg5[%get3A_904] {strides = array<i32>} : memref<4096xf32, #tpu.memory_space<vmem>>, vector<16xf32>,
      %mul3A_906 = vector.broadcast %squeeze3A_903 : f32 to vector<16xf32>
      %mul3A_907 = arith.mulf %mul3A_906, %get3A_905 : vector<16xf32>
      %add3A_908 = arith.addf %add3A_901, %mul3A_907 : vector<16xf32>
      %slice3A_909 = vector.extract_strided_slice %get3A_887 {offsets = [3], sizes = [1], strides = [1]} : vector<16xf32> to vector<1xf32>
      %squeeze3A_910 = vector.extract %slice3A_909[0] : f32 from vector<1xf32>
      %get3A_911 = arith.constant 1584 : index
      %get3A_912 = tpu.vector_load %arg5[%get3A_911] {strides = array<i32>} : memref<4096xf32, #tpu.memory_space<vmem>>, vector<16xf32>,
      %mul3A_913 = vector.broadcast %squeeze3A_910 : f32 to vector<16xf32>
      %mul3A_914 = arith.mulf %mul3A_913, %get3A_912 : vector<16xf32>
      %add3A_915 = arith.addf %add3A_908, %mul3A_914 : vector<16xf32>
      %slice3A_916 = vector.extract_strided_slice %get3A_887 {offsets = [4], sizes = [1], strides = [1]} : vector<16xf32> to vector<1xf32>
      %squeeze3A_917 = vector.extract %slice3A_916[0] : f32 from vector<1xf32>
      %get3A_918 = arith.constant 1600 : index
      %get3A_919 = tpu.vector_load %arg5[%get3A_918] {strides = array<i32>} : memref<4096xf32, #tpu.memory_space<vmem>>, vector<16xf32>,
      %mul3A_920 = vector.broadcast %squeeze3A_917 : f32 to vector<16xf32>
      %mul3A_921 = arith.mulf %mul3A_920, %get3A_919 : vector<16xf32>
      %add3A_922 = arith.addf %add3A_915, %mul3A_921 : vector<16xf32>
      %slice3A_923 = vector.extract_strided_slice %get3A_887 {offsets = [5], sizes = [1], strides = [1]} : vector<16xf32> to vector<1xf32>
      %squeeze3A_924 = vector.extract %slice3A_923[0] : f32 from vector<1xf32>
      %get3A_925 = arith.constant 1616 : index
      %get3A_926 = tpu.vector_load %arg5[%get3A_925] {strides = array<i32>} : memref<4096xf32, #tpu.memory_space<vmem>>, vector<16xf32>,
      %mul3A_927 = vector.broadcast %squeeze3A_924 : f32 to vector<16xf32>
      %mul3A_928 = arith.mulf %mul3A_927, %get3A_926 : vector<16xf32>
      %add3A_929 = arith.addf %add3A_922, %mul3A_928 : vector<16xf32>
      %slice3A_930 = vector.extract_strided_slice %get3A_887 {offsets = [6], sizes = [1], strides = [1]} : vector<16xf32> to vector<1xf32>
      %squeeze3A_931 = vector.extract %slice3A_930[0] : f32 from vector<1xf32>
      %get3A_932 = arith.constant 1632 : index
      %get3A_933 = tpu.vector_load %arg5[%get3A_932] {strides = array<i32>} : memref<4096xf32, #tpu.memory_space<vmem>>, vector<16xf32>,
      %mul3A_934 = vector.broadcast %squeeze3A_931 : f32 to vector<16xf32>
      %mul3A_935 = arith.mulf %mul3A_934, %get3A_933 : vector<16xf32>
      %add3A_936 = arith.addf %add3A_929, %mul3A_935 : vector<16xf32>
      %slice3A_937 = vector.extract_strided_slice %get3A_887 {offsets = [7], sizes = [1], strides = [1]} : vector<16xf32> to vector<1xf32>
      %squeeze3A_938 = vector.extract %slice3A_937[0] : f32 from vector<1xf32>
      %get3A_939 = arith.constant 1648 : index
      %get3A_940 = tpu.vector_load %arg5[%get3A_939] {strides = array<i32>} : memref<4096xf32, #tpu.memory_space<vmem>>, vector<16xf32>,
      %mul3A_941 = vector.broadcast %squeeze3A_938 : f32 to vector<16xf32>
      %mul3A_942 = arith.mulf %mul3A_941, %get3A_940 : vector<16xf32>
      %add3A_943 = arith.addf %add3A_936, %mul3A_942 : vector<16xf32>
      %slice3A_944 = vector.extract_strided_slice %get3A_887 {offsets = [8], sizes = [1], strides = [1]} : vector<16xf32> to vector<1xf32>
      %squeeze3A_945 = vector.extract %slice3A_944[0] : f32 from vector<1xf32>
      %get3A_946 = arith.constant 1664 : index
      %get3A_947 = tpu.vector_load %arg5[%get3A_946] {strides = array<i32>} : memref<4096xf32, #tpu.memory_space<vmem>>, vector<16xf32>,
      %mul3A_948 = vector.broadcast %squeeze3A_945 : f32 to vector<16xf32>
      %mul3A_949 = arith.mulf %mul3A_948, %get3A_947 : vector<16xf32>
      %add3A_950 = arith.addf %add3A_943, %mul3A_949 : vector<16xf32>
      %slice3A_951 = vector.extract_strided_slice %get3A_887 {offsets = [9], sizes = [1], strides = [1]} : vector<16xf32> to vector<1xf32>
      %squeeze3A_952 = vector.extract %slice3A_951[0] : f32 from vector<1xf32>
      %get3A_953 = arith.constant 1680 : index
      %get3A_954 = tpu.vector_load %arg5[%get3A_953] {strides = array<i32>} : memref<4096xf32, #tpu.memory_space<vmem>>, vector<16xf32>,
      %mul3A_955 = vector.broadcast %squeeze3A_952 : f32 to vector<16xf32>
      %mul3A_956 = arith.mulf %mul3A_955, %get3A_954 : vector<16xf32>
      %add3A_957 = arith.addf %add3A_950, %mul3A_956 : vector<16xf32>
      %slice3A_958 = vector.extract_strided_slice %get3A_887 {offsets = [10], sizes = [1], strides = [1]} : vector<16xf32> to vector<1xf32>
      %squeeze3A_959 = vector.extract %slice3A_958[0] : f32 from vector<1xf32>
      %get3A_960 = arith.constant 1696 : index
      %get3A_961 = tpu.vector_load %arg5[%get3A_960] {strides = array<i32>} : memref<4096xf32, #tpu.memory_space<vmem>>, vector<16xf32>,
      %mul3A_962 = vector.broadcast %squeeze3A_959 : f32 to vector<16xf32>
      %mul3A_963 = arith.mulf %mul3A_962, %get3A_961 : vector<16xf32>
      %add3A_964 = arith.addf %add3A_957, %mul3A_963 : vector<16xf32>
      %slice3A_965 = vector.extract_strided_slice %get3A_887 {offsets = [11], sizes = [1], strides = [1]} : vector<16xf32> to vector<1xf32>
      %squeeze3A_966 = vector.extract %slice3A_965[0] : f32 from vector<1xf32>
      %get3A_967 = arith.constant 1712 : index
      %get3A_968 = tpu.vector_load %arg5[%get3A_967] {strides = array<i32>} : memref<4096xf32, #tpu.memory_space<vmem>>, vector<16xf32>,
      %mul3A_969 = vector.broadcast %squeeze3A_966 : f32 to vector<16xf32>
      %mul3A_970 = arith.mulf %mul3A_969, %get3A_968 : vector<16xf32>
      %add3A_971 = arith.addf %add3A_964, %mul3A_970 : vector<16xf32>
      %slice3A_972 = vector.extract_strided_slice %get3A_887 {offsets = [12], sizes = [1], strides = [1]} : vector<16xf32> to vector<1xf32>
      %squeeze3A_973 = vector.extract %slice3A_972[0] : f32 from vector<1xf32>
      %get3A_974 = arith.constant 1728 : index
      %get3A_975 = tpu.vector_load %arg5[%get3A_974] {strides = array<i32>} : memref<4096xf32, #tpu.memory_space<vmem>>, vector<16xf32>,
      %mul3A_976 = vector.broadcast %squeeze3A_973 : f32 to vector<16xf32>
      %mul3A_977 = arith.mulf %mul3A_976, %get3A_975 : vector<16xf32>
      %add3A_978 = arith.addf %add3A_971, %mul3A_977 : vector<16xf32>
      %slice3A_979 = vector.extract_strided_slice %get3A_887 {offsets = [13], sizes = [1], strides = [1]} : vector<16xf32> to vector<1xf32>
      %squeeze3A_980 = vector.extract %slice3A_979[0] : f32 from vector<1xf32>
      %get3A_981 = arith.constant 1744 : index
      %get3A_982 = tpu.vector_load %arg5[%get3A_981] {strides = array<i32>} : memref<4096xf32, #tpu.memory_space<vmem>>, vector<16xf32>,
      %mul3A_983 = vector.broadcast %squeeze3A_980 : f32 to vector<16xf32>
      %mul3A_984 = arith.mulf %mul3A_983, %get3A_982 : vector<16xf32>
      %add3A_985 = arith.addf %add3A_978, %mul3A_984 : vector<16xf32>
      %slice3A_986 = vector.extract_strided_slice %get3A_887 {offsets = [14], sizes = [1], strides = [1]} : vector<16xf32> to vector<1xf32>
      %squeeze3A_987 = vector.extract %slice3A_986[0] : f32 from vector<1xf32>
      %get3A_988 = arith.constant 1760 : index
      %get3A_989 = tpu.vector_load %arg5[%get3A_988] {strides = array<i32>} : memref<4096xf32, #tpu.memory_space<vmem>>, vector<16xf32>,
      %mul3A_990 = vector.broadcast %squeeze3A_987 : f32 to vector<16xf32>
      %mul3A_991 = arith.mulf %mul3A_990, %get3A_989 : vector<16xf32>
      %add3A_992 = arith.addf %add3A_985, %mul3A_991 : vector<16xf32>
      %slice3A_993 = vector.extract_strided_slice %get3A_887 {offsets = [15], sizes = [1], strides = [1]} : vector<16xf32> to vector<1xf32>
      %squeeze3A_994 = vector.extract %slice3A_993[0] : f32 from vector<1xf32>
      %get3A_995 = arith.constant 1776 : index
      %get3A_996 = tpu.vector_load %arg5[%get3A_995] {strides = array<i32>} : memref<4096xf32, #tpu.memory_space<vmem>>, vector<16xf32>,
      %mul3A_997 = vector.broadcast %squeeze3A_994 : f32 to vector<16xf32>
      %mul3A_998 = arith.mulf %mul3A_997, %get3A_996 : vector<16xf32>
      %add3A_999 = arith.addf %add3A_992, %mul3A_998 : vector<16xf32>
      %get3A_1000 = arith.constant 112 : index
      %get3A_1001 = tpu.vector_load %arg6[%get3A_1000] {strides = array<i32>} : memref<256xf32, #tpu.memory_space<vmem>>, vector<16xf32>,
      %slice3A_1002 = vector.extract_strided_slice %get3A_1001 {offsets = [0], sizes = [1], strides = [1]} : vector<16xf32> to vector<1xf32>
      %squeeze3A_1003 = vector.extract %slice3A_1002[0] : f32 from vector<1xf32>
      %get3A_1004 = arith.constant 1792 : index
      %get3A_1005 = tpu.vector_load %arg5[%get3A_1004] {strides = array<i32>} : memref<4096xf32, #tpu.memory_space<vmem>>, vector<16xf32>,
      %mul3A_1006 = vector.broadcast %squeeze3A_1003 : f32 to vector<16xf32>
      %mul3A_1007 = arith.mulf %mul3A_1006, %get3A_1005 : vector<16xf32>
      %add3A_1008 = arith.addf %add3A_999, %mul3A_1007 : vector<16xf32>
      %slice3A_1009 = vector.extract_strided_slice %get3A_1001 {offsets = [1], sizes = [1], strides = [1]} : vector<16xf32> to vector<1xf32>
      %squeeze3A_1010 = vector.extract %slice3A_1009[0] : f32 from vector<1xf32>
      %get3A_1011 = arith.constant 1808 : index
      %get3A_1012 = tpu.vector_load %arg5[%get3A_1011] {strides = array<i32>} : memref<4096xf32, #tpu.memory_space<vmem>>, vector<16xf32>,
      %mul3A_1013 = vector.broadcast %squeeze3A_1010 : f32 to vector<16xf32>
      %mul3A_1014 = arith.mulf %mul3A_1013, %get3A_1012 : vector<16xf32>
      %add3A_1015 = arith.addf %add3A_1008, %mul3A_1014 : vector<16xf32>
      %slice3A_1016 = vector.extract_strided_slice %get3A_1001 {offsets = [2], sizes = [1], strides = [1]} : vector<16xf32> to vector<1xf32>
      %squeeze3A_1017 = vector.extract %slice3A_1016[0] : f32 from vector<1xf32>
      %get3A_1018 = arith.constant 1824 : index
      %get3A_1019 = tpu.vector_load %arg5[%get3A_1018] {strides = array<i32>} : memref<4096xf32, #tpu.memory_space<vmem>>, vector<16xf32>,
      %mul3A_1020 = vector.broadcast %squeeze3A_1017 : f32 to vector<16xf32>
      %mul3A_1021 = arith.mulf %mul3A_1020, %get3A_1019 : vector<16xf32>
      %add3A_1022 = arith.addf %add3A_1015, %mul3A_1021 : vector<16xf32>
      %slice3A_1023 = vector.extract_strided_slice %get3A_1001 {offsets = [3], sizes = [1], strides = [1]} : vector<16xf32> to vector<1xf32>
      %squeeze3A_1024 = vector.extract %slice3A_1023[0] : f32 from vector<1xf32>
      %get3A_1025 = arith.constant 1840 : index
      %get3A_1026 = tpu.vector_load %arg5[%get3A_1025] {strides = array<i32>} : memref<4096xf32, #tpu.memory_space<vmem>>, vector<16xf32>,
      %mul3A_1027 = vector.broadcast %squeeze3A_1024 : f32 to vector<16xf32>
      %mul3A_1028 = arith.mulf %mul3A_1027, %get3A_1026 : vector<16xf32>
      %add3A_1029 = arith.addf %add3A_1022, %mul3A_1028 : vector<16xf32>
      %slice3A_1030 = vector.extract_strided_slice %get3A_1001 {offsets = [4], sizes = [1], strides = [1]} : vector<16xf32> to vector<1xf32>
      %squeeze3A_1031 = vector.extract %slice3A_1030[0] : f32 from vector<1xf32>
      %get3A_1032 = arith.constant 1856 : index
      %get3A_1033 = tpu.vector_load %arg5[%get3A_1032] {strides = array<i32>} : memref<4096xf32, #tpu.memory_space<vmem>>, vector<16xf32>,
      %mul3A_1034 = vector.broadcast %squeeze3A_1031 : f32 to vector<16xf32>
      %mul3A_1035 = arith.mulf %mul3A_1034, %get3A_1033 : vector<16xf32>
      %add3A_1036 = arith.addf %add3A_1029, %mul3A_1035 : vector<16xf32>
      %slice3A_1037 = vector.extract_strided_slice %get3A_1001 {offsets = [5], sizes = [1], strides = [1]} : vector<16xf32> to vector<1xf32>
      %squeeze3A_1038 = vector.extract %slice3A_1037[0] : f32 from vector<1xf32>
      %get3A_1039 = arith.constant 1872 : index
      %get3A_1040 = tpu.vector_load %arg5[%get3A_1039] {strides = array<i32>} : memref<4096xf32, #tpu.memory_space<vmem>>, vector<16xf32>,
      %mul3A_1041 = vector.broadcast %squeeze3A_1038 : f32 to vector<16xf32>
      %mul3A_1042 = arith.mulf %mul3A_1041, %get3A_1040 : vector<16xf32>
      %add3A_1043 = arith.addf %add3A_1036, %mul3A_1042 : vector<16xf32>
      %slice3A_1044 = vector.extract_strided_slice %get3A_1001 {offsets = [6], sizes = [1], strides = [1]} : vector<16xf32> to vector<1xf32>
      %squeeze3A_1045 = vector.extract %slice3A_1044[0] : f32 from vector<1xf32>
      %get3A_1046 = arith.constant 1888 : index
      %get3A_1047 = tpu.vector_load %arg5[%get3A_1046] {strides = array<i32>} : memref<4096xf32, #tpu.memory_space<vmem>>, vector<16xf32>,
      %mul3A_1048 = vector.broadcast %squeeze3A_1045 : f32 to vector<16xf32>
      %mul3A_1049 = arith.mulf %mul3A_1048, %get3A_1047 : vector<16xf32>
      %add3A_1050 = arith.addf %add3A_1043, %mul3A_1049 : vector<16xf32>
      %slice3A_1051 = vector.extract_strided_slice %get3A_1001 {offsets = [7], sizes = [1], strides = [1]} : vector<16xf32> to vector<1xf32>
      %squeeze3A_1052 = vector.extract %slice3A_1051[0] : f32 from vector<1xf32>
      %get3A_1053 = arith.constant 1904 : index
      %get3A_1054 = tpu.vector_load %arg5[%get3A_1053] {strides = array<i32>} : memref<4096xf32, #tpu.memory_space<vmem>>, vector<16xf32>,
      %mul3A_1055 = vector.broadcast %squeeze3A_1052 : f32 to vector<16xf32>
      %mul3A_1056 = arith.mulf %mul3A_1055, %get3A_1054 : vector<16xf32>
      %add3A_1057 = arith.addf %add3A_1050, %mul3A_1056 : vector<16xf32>
      %slice3A_1058 = vector.extract_strided_slice %get3A_1001 {offsets = [8], sizes = [1], strides = [1]} : vector<16xf32> to vector<1xf32>
      %squeeze3A_1059 = vector.extract %slice3A_1058[0] : f32 from vector<1xf32>
      %get3A_1060 = arith.constant 1920 : index
      %get3A_1061 = tpu.vector_load %arg5[%get3A_1060] {strides = array<i32>} : memref<4096xf32, #tpu.memory_space<vmem>>, vector<16xf32>,
      %mul3A_1062 = vector.broadcast %squeeze3A_1059 : f32 to vector<16xf32>
      %mul3A_1063 = arith.mulf %mul3A_1062, %get3A_1061 : vector<16xf32>
      %add3A_1064 = arith.addf %add3A_1057, %mul3A_1063 : vector<16xf32>
      %slice3A_1065 = vector.extract_strided_slice %get3A_1001 {offsets = [9], sizes = [1], strides = [1]} : vector<16xf32> to vector<1xf32>
      %squeeze3A_1066 = vector.extract %slice3A_1065[0] : f32 from vector<1xf32>
      %get3A_1067 = arith.constant 1936 : index
      %get3A_1068 = tpu.vector_load %arg5[%get3A_1067] {strides = array<i32>} : memref<4096xf32, #tpu.memory_space<vmem>>, vector<16xf32>,
      %mul3A_1069 = vector.broadcast %squeeze3A_1066 : f32 to vector<16xf32>
      %mul3A_1070 = arith.mulf %mul3A_1069, %get3A_1068 : vector<16xf32>
      %add3A_1071 = arith.addf %add3A_1064, %mul3A_1070 : vector<16xf32>
      %slice3A_1072 = vector.extract_strided_slice %get3A_1001 {offsets = [10], sizes = [1], strides = [1]} : vector<16xf32> to vector<1xf32>
      %squeeze3A_1073 = vector.extract %slice3A_1072[0] : f32 from vector<1xf32>
      %get3A_1074 = arith.constant 1952 : index
      %get3A_1075 = tpu.vector_load %arg5[%get3A_1074] {strides = array<i32>} : memref<4096xf32, #tpu.memory_space<vmem>>, vector<16xf32>,
      %mul3A_1076 = vector.broadcast %squeeze3A_1073 : f32 to vector<16xf32>
      %mul3A_1077 = arith.mulf %mul3A_1076, %get3A_1075 : vector<16xf32>
      %add3A_1078 = arith.addf %add3A_1071, %mul3A_1077 : vector<16xf32>
      %slice3A_1079 = vector.extract_strided_slice %get3A_1001 {offsets = [11], sizes = [1], strides = [1]} : vector<16xf32> to vector<1xf32>
      %squeeze3A_1080 = vector.extract %slice3A_1079[0] : f32 from vector<1xf32>
      %get3A_1081 = arith.constant 1968 : index
      %get3A_1082 = tpu.vector_load %arg5[%get3A_1081] {strides = array<i32>} : memref<4096xf32, #tpu.memory_space<vmem>>, vector<16xf32>,
      %mul3A_1083 = vector.broadcast %squeeze3A_1080 : f32 to vector<16xf32>
      %mul3A_1084 = arith.mulf %mul3A_1083, %get3A_1082 : vector<16xf32>
      %add3A_1085 = arith.addf %add3A_1078, %mul3A_1084 : vector<16xf32>
      %slice3A_1086 = vector.extract_strided_slice %get3A_1001 {offsets = [12], sizes = [1], strides = [1]} : vector<16xf32> to vector<1xf32>
      %squeeze3A_1087 = vector.extract %slice3A_1086[0] : f32 from vector<1xf32>
      %get3A_1088 = arith.constant 1984 : index
      %get3A_1089 = tpu.vector_load %arg5[%get3A_1088] {strides = array<i32>} : memref<4096xf32, #tpu.memory_space<vmem>>, vector<16xf32>,
      %mul3A_1090 = vector.broadcast %squeeze3A_1087 : f32 to vector<16xf32>
      %mul3A_1091 = arith.mulf %mul3A_1090, %get3A_1089 : vector<16xf32>
      %add3A_1092 = arith.addf %add3A_1085, %mul3A_1091 : vector<16xf32>
      %slice3A_1093 = vector.extract_strided_slice %get3A_1001 {offsets = [13], sizes = [1], strides = [1]} : vector<16xf32> to vector<1xf32>
      %squeeze3A_1094 = vector.extract %slice3A_1093[0] : f32 from vector<1xf32>
      %get3A_1095 = arith.constant 2000 : index
      %get3A_1096 = tpu.vector_load %arg5[%get3A_1095] {strides = array<i32>} : memref<4096xf32, #tpu.memory_space<vmem>>, vector<16xf32>,
      %mul3A_1097 = vector.broadcast %squeeze3A_1094 : f32 to vector<16xf32>
      %mul3A_1098 = arith.mulf %mul3A_1097, %get3A_1096 : vector<16xf32>
      %add3A_1099 = arith.addf %add3A_1092, %mul3A_1098 : vector<16xf32>
      %slice3A_1100 = vector.extract_strided_slice %get3A_1001 {offsets = [14], sizes = [1], strides = [1]} : vector<16xf32> to vector<1xf32>
      %squeeze3A_1101 = vector.extract %slice3A_1100[0] : f32 from vector<1xf32>
      %get3A_1102 = arith.constant 2016 : index
      %get3A_1103 = tpu.vector_load %arg5[%get3A_1102] {strides = array<i32>} : memref<4096xf32, #tpu.memory_space<vmem>>, vector<16xf32>,
      %mul3A_1104 = vector.broadcast %squeeze3A_1101 : f32 to vector<16xf32>
      %mul3A_1105 = arith.mulf %mul3A_1104, %get3A_1103 : vector<16xf32>
      %add3A_1106 = arith.addf %add3A_1099, %mul3A_1105 : vector<16xf32>
      %slice3A_1107 = vector.extract_strided_slice %get3A_1001 {offsets = [15], sizes = [1], strides = [1]} : vector<16xf32> to vector<1xf32>
      %squeeze3A_1108 = vector.extract %slice3A_1107[0] : f32 from vector<1xf32>
      %get3A_1109 = arith.constant 2032 : index
      %get3A_1110 = tpu.vector_load %arg5[%get3A_1109] {strides = array<i32>} : memref<4096xf32, #tpu.memory_space<vmem>>, vector<16xf32>,
      %mul3A_1111 = vector.broadcast %squeeze3A_1108 : f32 to vector<16xf32>
      %mul3A_1112 = arith.mulf %mul3A_1111, %get3A_1110 : vector<16xf32>
      %add3A_1113 = arith.addf %add3A_1106, %mul3A_1112 : vector<16xf32>
      %get3A_1114 = arith.constant 128 : index
      %get3A_1115 = tpu.vector_load %arg6[%get3A_1114] {strides = array<i32>} : memref<256xf32, #tpu.memory_space<vmem>>, vector<16xf32>,
      %slice3A_1116 = vector.extract_strided_slice %get3A_1115 {offsets = [0], sizes = [1], strides = [1]} : vector<16xf32> to vector<1xf32>
      %squeeze3A_1117 = vector.extract %slice3A_1116[0] : f32 from vector<1xf32>
      %get3A_1118 = arith.constant 2048 : index
      %get3A_1119 = tpu.vector_load %arg5[%get3A_1118] {strides = array<i32>} : memref<4096xf32, #tpu.memory_space<vmem>>, vector<16xf32>,
      %mul3A_1120 = vector.broadcast %squeeze3A_1117 : f32 to vector<16xf32>
      %mul3A_1121 = arith.mulf %mul3A_1120, %get3A_1119 : vector<16xf32>
      %add3A_1122 = arith.addf %add3A_1113, %mul3A_1121 : vector<16xf32>
      %slice3A_1123 = vector.extract_strided_slice %get3A_1115 {offsets = [1], sizes = [1], strides = [1]} : vector<16xf32> to vector<1xf32>
      %squeeze3A_1124 = vector.extract %slice3A_1123[0] : f32 from vector<1xf32>
      %get3A_1125 = arith.constant 2064 : index
      %get3A_1126 = tpu.vector_load %arg5[%get3A_1125] {strides = array<i32>} : memref<4096xf32, #tpu.memory_space<vmem>>, vector<16xf32>,
      %mul3A_1127 = vector.broadcast %squeeze3A_1124 : f32 to vector<16xf32>
      %mul3A_1128 = arith.mulf %mul3A_1127, %get3A_1126 : vector<16xf32>
      %add3A_1129 = arith.addf %add3A_1122, %mul3A_1128 : vector<16xf32>
      %slice3A_1130 = vector.extract_strided_slice %get3A_1115 {offsets = [2], sizes = [1], strides = [1]} : vector<16xf32> to vector<1xf32>
      %squeeze3A_1131 = vector.extract %slice3A_1130[0] : f32 from vector<1xf32>
      %get3A_1132 = arith.constant 2080 : index
      %get3A_1133 = tpu.vector_load %arg5[%get3A_1132] {strides = array<i32>} : memref<4096xf32, #tpu.memory_space<vmem>>, vector<16xf32>,
      %mul3A_1134 = vector.broadcast %squeeze3A_1131 : f32 to vector<16xf32>
      %mul3A_1135 = arith.mulf %mul3A_1134, %get3A_1133 : vector<16xf32>
      %add3A_1136 = arith.addf %add3A_1129, %mul3A_1135 : vector<16xf32>
      %slice3A_1137 = vector.extract_strided_slice %get3A_1115 {offsets = [3], sizes = [1], strides = [1]} : vector<16xf32> to vector<1xf32>
      %squeeze3A_1138 = vector.extract %slice3A_1137[0] : f32 from vector<1xf32>
      %get3A_1139 = arith.constant 2096 : index
      %get3A_1140 = tpu.vector_load %arg5[%get3A_1139] {strides = array<i32>} : memref<4096xf32, #tpu.memory_space<vmem>>, vector<16xf32>,
      %mul3A_1141 = vector.broadcast %squeeze3A_1138 : f32 to vector<16xf32>
      %mul3A_1142 = arith.mulf %mul3A_1141, %get3A_1140 : vector<16xf32>
      %add3A_1143 = arith.addf %add3A_1136, %mul3A_1142 : vector<16xf32>
      %slice3A_1144 = vector.extract_strided_slice %get3A_1115 {offsets = [4], sizes = [1], strides = [1]} : vector<16xf32> to vector<1xf32>
      %squeeze3A_1145 = vector.extract %slice3A_1144[0] : f32 from vector<1xf32>
      %get3A_1146 = arith.constant 2112 : index
      %get3A_1147 = tpu.vector_load %arg5[%get3A_1146] {strides = array<i32>} : memref<4096xf32, #tpu.memory_space<vmem>>, vector<16xf32>,
      %mul3A_1148 = vector.broadcast %squeeze3A_1145 : f32 to vector<16xf32>
      %mul3A_1149 = arith.mulf %mul3A_1148, %get3A_1147 : vector<16xf32>
      %add3A_1150 = arith.addf %add3A_1143, %mul3A_1149 : vector<16xf32>
      %slice3A_1151 = vector.extract_strided_slice %get3A_1115 {offsets = [5], sizes = [1], strides = [1]} : vector<16xf32> to vector<1xf32>
      %squeeze3A_1152 = vector.extract %slice3A_1151[0] : f32 from vector<1xf32>
      %get3A_1153 = arith.constant 2128 : index
      %get3A_1154 = tpu.vector_load %arg5[%get3A_1153] {strides = array<i32>} : memref<4096xf32, #tpu.memory_space<vmem>>, vector<16xf32>,
      %mul3A_1155 = vector.broadcast %squeeze3A_1152 : f32 to vector<16xf32>
      %mul3A_1156 = arith.mulf %mul3A_1155, %get3A_1154 : vector<16xf32>
      %add3A_1157 = arith.addf %add3A_1150, %mul3A_1156 : vector<16xf32>
      %slice3A_1158 = vector.extract_strided_slice %get3A_1115 {offsets = [6], sizes = [1], strides = [1]} : vector<16xf32> to vector<1xf32>
      %squeeze3A_1159 = vector.extract %slice3A_1158[0] : f32 from vector<1xf32>
      %get3A_1160 = arith.constant 2144 : index
      %get3A_1161 = tpu.vector_load %arg5[%get3A_1160] {strides = array<i32>} : memref<4096xf32, #tpu.memory_space<vmem>>, vector<16xf32>,
      %mul3A_1162 = vector.broadcast %squeeze3A_1159 : f32 to vector<16xf32>
      %mul3A_1163 = arith.mulf %mul3A_1162, %get3A_1161 : vector<16xf32>
      %add3A_1164 = arith.addf %add3A_1157, %mul3A_1163 : vector<16xf32>
      %slice3A_1165 = vector.extract_strided_slice %get3A_1115 {offsets = [7], sizes = [1], strides = [1]} : vector<16xf32> to vector<1xf32>
      %squeeze3A_1166 = vector.extract %slice3A_1165[0] : f32 from vector<1xf32>
      %get3A_1167 = arith.constant 2160 : index
      %get3A_1168 = tpu.vector_load %arg5[%get3A_1167] {strides = array<i32>} : memref<4096xf32, #tpu.memory_space<vmem>>, vector<16xf32>,
      %mul3A_1169 = vector.broadcast %squeeze3A_1166 : f32 to vector<16xf32>
      %mul3A_1170 = arith.mulf %mul3A_1169, %get3A_1168 : vector<16xf32>
      %add3A_1171 = arith.addf %add3A_1164, %mul3A_1170 : vector<16xf32>
      %slice3A_1172 = vector.extract_strided_slice %get3A_1115 {offsets = [8], sizes = [1], strides = [1]} : vector<16xf32> to vector<1xf32>
      %squeeze3A_1173 = vector.extract %slice3A_1172[0] : f32 from vector<1xf32>
      %get3A_1174 = arith.constant 2176 : index
      %get3A_1175 = tpu.vector_load %arg5[%get3A_1174] {strides = array<i32>} : memref<4096xf32, #tpu.memory_space<vmem>>, vector<16xf32>,
      %mul3A_1176 = vector.broadcast %squeeze3A_1173 : f32 to vector<16xf32>
      %mul3A_1177 = arith.mulf %mul3A_1176, %get3A_1175 : vector<16xf32>
      %add3A_1178 = arith.addf %add3A_1171, %mul3A_1177 : vector<16xf32>
      %slice3A_1179 = vector.extract_strided_slice %get3A_1115 {offsets = [9], sizes = [1], strides = [1]} : vector<16xf32> to vector<1xf32>
      %squeeze3A_1180 = vector.extract %slice3A_1179[0] : f32 from vector<1xf32>
      %get3A_1181 = arith.constant 2192 : index
      %get3A_1182 = tpu.vector_load %arg5[%get3A_1181] {strides = array<i32>} : memref<4096xf32, #tpu.memory_space<vmem>>, vector<16xf32>,
      %mul3A_1183 = vector.broadcast %squeeze3A_1180 : f32 to vector<16xf32>
      %mul3A_1184 = arith.mulf %mul3A_1183, %get3A_1182 : vector<16xf32>
      %add3A_1185 = arith.addf %add3A_1178, %mul3A_1184 : vector<16xf32>
      %slice3A_1186 = vector.extract_strided_slice %get3A_1115 {offsets = [10], sizes = [1], strides = [1]} : vector<16xf32> to vector<1xf32>
      %squeeze3A_1187 = vector.extract %slice3A_1186[0] : f32 from vector<1xf32>
      %get3A_1188 = arith.constant 2208 : index
      %get3A_1189 = tpu.vector_load %arg5[%get3A_1188] {strides = array<i32>} : memref<4096xf32, #tpu.memory_space<vmem>>, vector<16xf32>,
      %mul3A_1190 = vector.broadcast %squeeze3A_1187 : f32 to vector<16xf32>
      %mul3A_1191 = arith.mulf %mul3A_1190, %get3A_1189 : vector<16xf32>
      %add3A_1192 = arith.addf %add3A_1185, %mul3A_1191 : vector<16xf32>
      %slice3A_1193 = vector.extract_strided_slice %get3A_1115 {offsets = [11], sizes = [1], strides = [1]} : vector<16xf32> to vector<1xf32>
      %squeeze3A_1194 = vector.extract %slice3A_1193[0] : f32 from vector<1xf32>
      %get3A_1195 = arith.constant 2224 : index
      %get3A_1196 = tpu.vector_load %arg5[%get3A_1195] {strides = array<i32>} : memref<4096xf32, #tpu.memory_space<vmem>>, vector<16xf32>,
      %mul3A_1197 = vector.broadcast %squeeze3A_1194 : f32 to vector<16xf32>
      %mul3A_1198 = arith.mulf %mul3A_1197, %get3A_1196 : vector<16xf32>
      %add3A_1199 = arith.addf %add3A_1192, %mul3A_1198 : vector<16xf32>
      %slice3A_1200 = vector.extract_strided_slice %get3A_1115 {offsets = [12], sizes = [1], strides = [1]} : vector<16xf32> to vector<1xf32>
      %squeeze3A_1201 = vector.extract %slice3A_1200[0] : f32 from vector<1xf32>
      %get3A_1202 = arith.constant 2240 : index
      %get3A_1203 = tpu.vector_load %arg5[%get3A_1202] {strides = array<i32>} : memref<4096xf32, #tpu.memory_space<vmem>>, vector<16xf32>,
      %mul3A_1204 = vector.broadcast %squeeze3A_1201 : f32 to vector<16xf32>
      %mul3A_1205 = arith.mulf %mul3A_1204, %get3A_1203 : vector<16xf32>
      %add3A_1206 = arith.addf %add3A_1199, %mul3A_1205 : vector<16xf32>
      %slice3A_1207 = vector.extract_strided_slice %get3A_1115 {offsets = [13], sizes = [1], strides = [1]} : vector<16xf32> to vector<1xf32>
      %squeeze3A_1208 = vector.extract %slice3A_1207[0] : f32 from vector<1xf32>
      %get3A_1209 = arith.constant 2256 : index
      %get3A_1210 = tpu.vector_load %arg5[%get3A_1209] {strides = array<i32>} : memref<4096xf32, #tpu.memory_space<vmem>>, vector<16xf32>,
      %mul3A_1211 = vector.broadcast %squeeze3A_1208 : f32 to vector<16xf32>
      %mul3A_1212 = arith.mulf %mul3A_1211, %get3A_1210 : vector<16xf32>
      %add3A_1213 = arith.addf %add3A_1206, %mul3A_1212 : vector<16xf32>
      %slice3A_1214 = vector.extract_strided_slice %get3A_1115 {offsets = [14], sizes = [1], strides = [1]} : vector<16xf32> to vector<1xf32>
      %squeeze3A_1215 = vector.extract %slice3A_1214[0] : f32 from vector<1xf32>
      %get3A_1216 = arith.constant 2272 : index
      %get3A_1217 = tpu.vector_load %arg5[%get3A_1216] {strides = array<i32>} : memref<4096xf32, #tpu.memory_space<vmem>>, vector<16xf32>,
      %mul3A_1218 = vector.broadcast %squeeze3A_1215 : f32 to vector<16xf32>
      %mul3A_1219 = arith.mulf %mul3A_1218, %get3A_1217 : vector<16xf32>
      %add3A_1220 = arith.addf %add3A_1213, %mul3A_1219 : vector<16xf32>
      %slice3A_1221 = vector.extract_strided_slice %get3A_1115 {offsets = [15], sizes = [1], strides = [1]} : vector<16xf32> to vector<1xf32>
      %squeeze3A_1222 = vector.extract %slice3A_1221[0] : f32 from vector<1xf32>
      %get3A_1223 = arith.constant 2288 : index
      %get3A_1224 = tpu.vector_load %arg5[%get3A_1223] {strides = array<i32>} : memref<4096xf32, #tpu.memory_space<vmem>>, vector<16xf32>,
      %mul3A_1225 = vector.broadcast %squeeze3A_1222 : f32 to vector<16xf32>
      %mul3A_1226 = arith.mulf %mul3A_1225, %get3A_1224 : vector<16xf32>
      %add3A_1227 = arith.addf %add3A_1220, %mul3A_1226 : vector<16xf32>
      %get3A_1228 = arith.constant 144 : index
      %get3A_1229 = tpu.vector_load %arg6[%get3A_1228] {strides = array<i32>} : memref<256xf32, #tpu.memory_space<vmem>>, vector<16xf32>,
      %slice3A_1230 = vector.extract_strided_slice %get3A_1229 {offsets = [0], sizes = [1], strides = [1]} : vector<16xf32> to vector<1xf32>
      %squeeze3A_1231 = vector.extract %slice3A_1230[0] : f32 from vector<1xf32>
      %get3A_1232 = arith.constant 2304 : index
      %get3A_1233 = tpu.vector_load %arg5[%get3A_1232] {strides = array<i32>} : memref<4096xf32, #tpu.memory_space<vmem>>, vector<16xf32>,
      %mul3A_1234 = vector.broadcast %squeeze3A_1231 : f32 to vector<16xf32>
      %mul3A_1235 = arith.mulf %mul3A_1234, %get3A_1233 : vector<16xf32>
      %add3A_1236 = arith.addf %add3A_1227, %mul3A_1235 : vector<16xf32>
      %slice3A_1237 = vector.extract_strided_slice %get3A_1229 {offsets = [1], sizes = [1], strides = [1]} : vector<16xf32> to vector<1xf32>
      %squeeze3A_1238 = vector.extract %slice3A_1237[0] : f32 from vector<1xf32>
      %get3A_1239 = arith.constant 2320 : index
      %get3A_1240 = tpu.vector_load %arg5[%get3A_1239] {strides = array<i32>} : memref<4096xf32, #tpu.memory_space<vmem>>, vector<16xf32>,
      %mul3A_1241 = vector.broadcast %squeeze3A_1238 : f32 to vector<16xf32>
      %mul3A_1242 = arith.mulf %mul3A_1241, %get3A_1240 : vector<16xf32>
      %add3A_1243 = arith.addf %add3A_1236, %mul3A_1242 : vector<16xf32>
      %slice3A_1244 = vector.extract_strided_slice %get3A_1229 {offsets = [2], sizes = [1], strides = [1]} : vector<16xf32> to vector<1xf32>
      %squeeze3A_1245 = vector.extract %slice3A_1244[0] : f32 from vector<1xf32>
      %get3A_1246 = arith.constant 2336 : index
      %get3A_1247 = tpu.vector_load %arg5[%get3A_1246] {strides = array<i32>} : memref<4096xf32, #tpu.memory_space<vmem>>, vector<16xf32>,
      %mul3A_1248 = vector.broadcast %squeeze3A_1245 : f32 to vector<16xf32>
      %mul3A_1249 = arith.mulf %mul3A_1248, %get3A_1247 : vector<16xf32>
      %add3A_1250 = arith.addf %add3A_1243, %mul3A_1249 : vector<16xf32>
      %slice3A_1251 = vector.extract_strided_slice %get3A_1229 {offsets = [3], sizes = [1], strides = [1]} : vector<16xf32> to vector<1xf32>
      %squeeze3A_1252 = vector.extract %slice3A_1251[0] : f32 from vector<1xf32>
      %get3A_1253 = arith.constant 2352 : index
      %get3A_1254 = tpu.vector_load %arg5[%get3A_1253] {strides = array<i32>} : memref<4096xf32, #tpu.memory_space<vmem>>, vector<16xf32>,
      %mul3A_1255 = vector.broadcast %squeeze3A_1252 : f32 to vector<16xf32>
      %mul3A_1256 = arith.mulf %mul3A_1255, %get3A_1254 : vector<16xf32>
      %add3A_1257 = arith.addf %add3A_1250, %mul3A_1256 : vector<16xf32>
      %slice3A_1258 = vector.extract_strided_slice %get3A_1229 {offsets = [4], sizes = [1], strides = [1]} : vector<16xf32> to vector<1xf32>
      %squeeze3A_1259 = vector.extract %slice3A_1258[0] : f32 from vector<1xf32>
      %get3A_1260 = arith.constant 2368 : index
      %get3A_1261 = tpu.vector_load %arg5[%get3A_1260] {strides = array<i32>} : memref<4096xf32, #tpu.memory_space<vmem>>, vector<16xf32>,
      %mul3A_1262 = vector.broadcast %squeeze3A_1259 : f32 to vector<16xf32>
      %mul3A_1263 = arith.mulf %mul3A_1262, %get3A_1261 : vector<16xf32>
      %add3A_1264 = arith.addf %add3A_1257, %mul3A_1263 : vector<16xf32>
      %slice3A_1265 = vector.extract_strided_slice %get3A_1229 {offsets = [5], sizes = [1], strides = [1]} : vector<16xf32> to vector<1xf32>
      %squeeze3A_1266 = vector.extract %slice3A_1265[0] : f32 from vector<1xf32>
      %get3A_1267 = arith.constant 2384 : index
      %get3A_1268 = tpu.vector_load %arg5[%get3A_1267] {strides = array<i32>} : memref<4096xf32, #tpu.memory_space<vmem>>, vector<16xf32>,
      %mul3A_1269 = vector.broadcast %squeeze3A_1266 : f32 to vector<16xf32>
      %mul3A_1270 = arith.mulf %mul3A_1269, %get3A_1268 : vector<16xf32>
      %add3A_1271 = arith.addf %add3A_1264, %mul3A_1270 : vector<16xf32>
      %slice3A_1272 = vector.extract_strided_slice %get3A_1229 {offsets = [6], sizes = [1], strides = [1]} : vector<16xf32> to vector<1xf32>
      %squeeze3A_1273 = vector.extract %slice3A_1272[0] : f32 from vector<1xf32>
      %get3A_1274 = arith.constant 2400 : index
      %get3A_1275 = tpu.vector_load %arg5[%get3A_1274] {strides = array<i32>} : memref<4096xf32, #tpu.memory_space<vmem>>, vector<16xf32>,
      %mul3A_1276 = vector.broadcast %squeeze3A_1273 : f32 to vector<16xf32>
      %mul3A_1277 = arith.mulf %mul3A_1276, %get3A_1275 : vector<16xf32>
      %add3A_1278 = arith.addf %add3A_1271, %mul3A_1277 : vector<16xf32>
      %slice3A_1279 = vector.extract_strided_slice %get3A_1229 {offsets = [7], sizes = [1], strides = [1]} : vector<16xf32> to vector<1xf32>
      %squeeze3A_1280 = vector.extract %slice3A_1279[0] : f32 from vector<1xf32>
      %get3A_1281 = arith.constant 2416 : index
      %get3A_1282 = tpu.vector_load %arg5[%get3A_1281] {strides = array<i32>} : memref<4096xf32, #tpu.memory_space<vmem>>, vector<16xf32>,
      %mul3A_1283 = vector.broadcast %squeeze3A_1280 : f32 to vector<16xf32>
      %mul3A_1284 = arith.mulf %mul3A_1283, %get3A_1282 : vector<16xf32>
      %add3A_1285 = arith.addf %add3A_1278, %mul3A_1284 : vector<16xf32>
      %slice3A_1286 = vector.extract_strided_slice %get3A_1229 {offsets = [8], sizes = [1], strides = [1]} : vector<16xf32> to vector<1xf32>
      %squeeze3A_1287 = vector.extract %slice3A_1286[0] : f32 from vector<1xf32>
      %get3A_1288 = arith.constant 2432 : index
      %get3A_1289 = tpu.vector_load %arg5[%get3A_1288] {strides = array<i32>} : memref<4096xf32, #tpu.memory_space<vmem>>, vector<16xf32>,
      %mul3A_1290 = vector.broadcast %squeeze3A_1287 : f32 to vector<16xf32>
      %mul3A_1291 = arith.mulf %mul3A_1290, %get3A_1289 : vector<16xf32>
      %add3A_1292 = arith.addf %add3A_1285, %mul3A_1291 : vector<16xf32>
      %slice3A_1293 = vector.extract_strided_slice %get3A_1229 {offsets = [9], sizes = [1], strides = [1]} : vector<16xf32> to vector<1xf32>
      %squeeze3A_1294 = vector.extract %slice3A_1293[0] : f32 from vector<1xf32>
      %get3A_1295 = arith.constant 2448 : index
      %get3A_1296 = tpu.vector_load %arg5[%get3A_1295] {strides = array<i32>} : memref<4096xf32, #tpu.memory_space<vmem>>, vector<16xf32>,
      %mul3A_1297 = vector.broadcast %squeeze3A_1294 : f32 to vector<16xf32>
      %mul3A_1298 = arith.mulf %mul3A_1297, %get3A_1296 : vector<16xf32>
      %add3A_1299 = arith.addf %add3A_1292, %mul3A_1298 : vector<16xf32>
      %slice3A_1300 = vector.extract_strided_slice %get3A_1229 {offsets = [10], sizes = [1], strides = [1]} : vector<16xf32> to vector<1xf32>
      %squeeze3A_1301 = vector.extract %slice3A_1300[0] : f32 from vector<1xf32>
      %get3A_1302 = arith.constant 2464 : index
      %get3A_1303 = tpu.vector_load %arg5[%get3A_1302] {strides = array<i32>} : memref<4096xf32, #tpu.memory_space<vmem>>, vector<16xf32>,
      %mul3A_1304 = vector.broadcast %squeeze3A_1301 : f32 to vector<16xf32>
      %mul3A_1305 = arith.mulf %mul3A_1304, %get3A_1303 : vector<16xf32>
      %add3A_1306 = arith.addf %add3A_1299, %mul3A_1305 : vector<16xf32>
      %slice3A_1307 = vector.extract_strided_slice %get3A_1229 {offsets = [11], sizes = [1], strides = [1]} : vector<16xf32> to vector<1xf32>
      %squeeze3A_1308 = vector.extract %slice3A_1307[0] : f32 from vector<1xf32>
      %get3A_1309 = arith.constant 2480 : index
      %get3A_1310 = tpu.vector_load %arg5[%get3A_1309] {strides = array<i32>} : memref<4096xf32, #tpu.memory_space<vmem>>, vector<16xf32>,
      %mul3A_1311 = vector.broadcast %squeeze3A_1308 : f32 to vector<16xf32>
      %mul3A_1312 = arith.mulf %mul3A_1311, %get3A_1310 : vector<16xf32>
      %add3A_1313 = arith.addf %add3A_1306, %mul3A_1312 : vector<16xf32>
      %slice3A_1314 = vector.extract_strided_slice %get3A_1229 {offsets = [12], sizes = [1], strides = [1]} : vector<16xf32> to vector<1xf32>
      %squeeze3A_1315 = vector.extract %slice3A_1314[0] : f32 from vector<1xf32>
      %get3A_1316 = arith.constant 2496 : index
      %get3A_1317 = tpu.vector_load %arg5[%get3A_1316] {strides = array<i32>} : memref<4096xf32, #tpu.memory_space<vmem>>, vector<16xf32>,
      %mul3A_1318 = vector.broadcast %squeeze3A_1315 : f32 to vector<16xf32>
      %mul3A_1319 = arith.mulf %mul3A_1318, %get3A_1317 : vector<16xf32>
      %add3A_1320 = arith.addf %add3A_1313, %mul3A_1319 : vector<16xf32>
      %slice3A_1321 = vector.extract_strided_slice %get3A_1229 {offsets = [13], sizes = [1], strides = [1]} : vector<16xf32> to vector<1xf32>
      %squeeze3A_1322 = vector.extract %slice3A_1321[0] : f32 from vector<1xf32>
      %get3A_1323 = arith.constant 2512 : index
      %get3A_1324 = tpu.vector_load %arg5[%get3A_1323] {strides = array<i32>} : memref<4096xf32, #tpu.memory_space<vmem>>, vector<16xf32>,
      %mul3A_1325 = vector.broadcast %squeeze3A_1322 : f32 to vector<16xf32>
      %mul3A_1326 = arith.mulf %mul3A_1325, %get3A_1324 : vector<16xf32>
      %add3A_1327 = arith.addf %add3A_1320, %mul3A_1326 : vector<16xf32>
      %slice3A_1328 = vector.extract_strided_slice %get3A_1229 {offsets = [14], sizes = [1], strides = [1]} : vector<16xf32> to vector<1xf32>
      %squeeze3A_1329 = vector.extract %slice3A_1328[0] : f32 from vector<1xf32>
      %get3A_1330 = arith.constant 2528 : index
      %get3A_1331 = tpu.vector_load %arg5[%get3A_1330] {strides = array<i32>} : memref<4096xf32, #tpu.memory_space<vmem>>, vector<16xf32>,
      %mul3A_1332 = vector.broadcast %squeeze3A_1329 : f32 to vector<16xf32>
      %mul3A_1333 = arith.mulf %mul3A_1332, %get3A_1331 : vector<16xf32>
      %add3A_1334 = arith.addf %add3A_1327, %mul3A_1333 : vector<16xf32>
      %slice3A_1335 = vector.extract_strided_slice %get3A_1229 {offsets = [15], sizes = [1], strides = [1]} : vector<16xf32> to vector<1xf32>
      %squeeze3A_1336 = vector.extract %slice3A_1335[0] : f32 from vector<1xf32>
      %get3A_1337 = arith.constant 2544 : index
      %get3A_1338 = tpu.vector_load %arg5[%get3A_1337] {strides = array<i32>} : memref<4096xf32, #tpu.memory_space<vmem>>, vector<16xf32>,
      %mul3A_1339 = vector.broadcast %squeeze3A_1336 : f32 to vector<16xf32>
      %mul3A_1340 = arith.mulf %mul3A_1339, %get3A_1338 : vector<16xf32>
      %add3A_1341 = arith.addf %add3A_1334, %mul3A_1340 : vector<16xf32>
      %get3A_1342 = arith.constant 160 : index
      %get3A_1343 = tpu.vector_load %arg6[%get3A_1342] {strides = array<i32>} : memref<256xf32, #tpu.memory_space<vmem>>, vector<16xf32>,
      %slice3A_1344 = vector.extract_strided_slice %get3A_1343 {offsets = [0], sizes = [1], strides = [1]} : vector<16xf32> to vector<1xf32>
      %squeeze3A_1345 = vector.extract %slice3A_1344[0] : f32 from vector<1xf32>
      %get3A_1346 = arith.constant 2560 : index
      %get3A_1347 = tpu.vector_load %arg5[%get3A_1346] {strides = array<i32>} : memref<4096xf32, #tpu.memory_space<vmem>>, vector<16xf32>,
      %mul3A_1348 = vector.broadcast %squeeze3A_1345 : f32 to vector<16xf32>
      %mul3A_1349 = arith.mulf %mul3A_1348, %get3A_1347 : vector<16xf32>
      %add3A_1350 = arith.addf %add3A_1341, %mul3A_1349 : vector<16xf32>
      %slice3A_1351 = vector.extract_strided_slice %get3A_1343 {offsets = [1], sizes = [1], strides = [1]} : vector<16xf32> to vector<1xf32>
      %squeeze3A_1352 = vector.extract %slice3A_1351[0] : f32 from vector<1xf32>
      %get3A_1353 = arith.constant 2576 : index
      %get3A_1354 = tpu.vector_load %arg5[%get3A_1353] {strides = array<i32>} : memref<4096xf32, #tpu.memory_space<vmem>>, vector<16xf32>,
      %mul3A_1355 = vector.broadcast %squeeze3A_1352 : f32 to vector<16xf32>
      %mul3A_1356 = arith.mulf %mul3A_1355, %get3A_1354 : vector<16xf32>
      %add3A_1357 = arith.addf %add3A_1350, %mul3A_1356 : vector<16xf32>
      %slice3A_1358 = vector.extract_strided_slice %get3A_1343 {offsets = [2], sizes = [1], strides = [1]} : vector<16xf32> to vector<1xf32>
      %squeeze3A_1359 = vector.extract %slice3A_1358[0] : f32 from vector<1xf32>
      %get3A_1360 = arith.constant 2592 : index
      %get3A_1361 = tpu.vector_load %arg5[%get3A_1360] {strides = array<i32>} : memref<4096xf32, #tpu.memory_space<vmem>>, vector<16xf32>,
      %mul3A_1362 = vector.broadcast %squeeze3A_1359 : f32 to vector<16xf32>
      %mul3A_1363 = arith.mulf %mul3A_1362, %get3A_1361 : vector<16xf32>
      %add3A_1364 = arith.addf %add3A_1357, %mul3A_1363 : vector<16xf32>
      %slice3A_1365 = vector.extract_strided_slice %get3A_1343 {offsets = [3], sizes = [1], strides = [1]} : vector<16xf32> to vector<1xf32>
      %squeeze3A_1366 = vector.extract %slice3A_1365[0] : f32 from vector<1xf32>
      %get3A_1367 = arith.constant 2608 : index
      %get3A_1368 = tpu.vector_load %arg5[%get3A_1367] {strides = array<i32>} : memref<4096xf32, #tpu.memory_space<vmem>>, vector<16xf32>,
      %mul3A_1369 = vector.broadcast %squeeze3A_1366 : f32 to vector<16xf32>
      %mul3A_1370 = arith.mulf %mul3A_1369, %get3A_1368 : vector<16xf32>
      %add3A_1371 = arith.addf %add3A_1364, %mul3A_1370 : vector<16xf32>
      %slice3A_1372 = vector.extract_strided_slice %get3A_1343 {offsets = [4], sizes = [1], strides = [1]} : vector<16xf32> to vector<1xf32>
      %squeeze3A_1373 = vector.extract %slice3A_1372[0] : f32 from vector<1xf32>
      %get3A_1374 = arith.constant 2624 : index
      %get3A_1375 = tpu.vector_load %arg5[%get3A_1374] {strides = array<i32>} : memref<4096xf32, #tpu.memory_space<vmem>>, vector<16xf32>,
      %mul3A_1376 = vector.broadcast %squeeze3A_1373 : f32 to vector<16xf32>
      %mul3A_1377 = arith.mulf %mul3A_1376, %get3A_1375 : vector<16xf32>
      %add3A_1378 = arith.addf %add3A_1371, %mul3A_1377 : vector<16xf32>
      %slice3A_1379 = vector.extract_strided_slice %get3A_1343 {offsets = [5], sizes = [1], strides = [1]} : vector<16xf32> to vector<1xf32>
      %squeeze3A_1380 = vector.extract %slice3A_1379[0] : f32 from vector<1xf32>
      %get3A_1381 = arith.constant 2640 : index
      %get3A_1382 = tpu.vector_load %arg5[%get3A_1381] {strides = array<i32>} : memref<4096xf32, #tpu.memory_space<vmem>>, vector<16xf32>,
      %mul3A_1383 = vector.broadcast %squeeze3A_1380 : f32 to vector<16xf32>
      %mul3A_1384 = arith.mulf %mul3A_1383, %get3A_1382 : vector<16xf32>
      %add3A_1385 = arith.addf %add3A_1378, %mul3A_1384 : vector<16xf32>
      %slice3A_1386 = vector.extract_strided_slice %get3A_1343 {offsets = [6], sizes = [1], strides = [1]} : vector<16xf32> to vector<1xf32>
      %squeeze3A_1387 = vector.extract %slice3A_1386[0] : f32 from vector<1xf32>
      %get3A_1388 = arith.constant 2656 : index
      %get3A_1389 = tpu.vector_load %arg5[%get3A_1388] {strides = array<i32>} : memref<4096xf32, #tpu.memory_space<vmem>>, vector<16xf32>,
      %mul3A_1390 = vector.broadcast %squeeze3A_1387 : f32 to vector<16xf32>
      %mul3A_1391 = arith.mulf %mul3A_1390, %get3A_1389 : vector<16xf32>
      %add3A_1392 = arith.addf %add3A_1385, %mul3A_1391 : vector<16xf32>
      %slice3A_1393 = vector.extract_strided_slice %get3A_1343 {offsets = [7], sizes = [1], strides = [1]} : vector<16xf32> to vector<1xf32>
      %squeeze3A_1394 = vector.extract %slice3A_1393[0] : f32 from vector<1xf32>
      %get3A_1395 = arith.constant 2672 : index
      %get3A_1396 = tpu.vector_load %arg5[%get3A_1395] {strides = array<i32>} : memref<4096xf32, #tpu.memory_space<vmem>>, vector<16xf32>,
      %mul3A_1397 = vector.broadcast %squeeze3A_1394 : f32 to vector<16xf32>
      %mul3A_1398 = arith.mulf %mul3A_1397, %get3A_1396 : vector<16xf32>
      %add3A_1399 = arith.addf %add3A_1392, %mul3A_1398 : vector<16xf32>
      %slice3A_1400 = vector.extract_strided_slice %get3A_1343 {offsets = [8], sizes = [1], strides = [1]} : vector<16xf32> to vector<1xf32>
      %squeeze3A_1401 = vector.extract %slice3A_1400[0] : f32 from vector<1xf32>
      %get3A_1402 = arith.constant 2688 : index
      %get3A_1403 = tpu.vector_load %arg5[%get3A_1402] {strides = array<i32>} : memref<4096xf32, #tpu.memory_space<vmem>>, vector<16xf32>,
      %mul3A_1404 = vector.broadcast %squeeze3A_1401 : f32 to vector<16xf32>
      %mul3A_1405 = arith.mulf %mul3A_1404, %get3A_1403 : vector<16xf32>
      %add3A_1406 = arith.addf %add3A_1399, %mul3A_1405 : vector<16xf32>
      %slice3A_1407 = vector.extract_strided_slice %get3A_1343 {offsets = [9], sizes = [1], strides = [1]} : vector<16xf32> to vector<1xf32>
      %squeeze3A_1408 = vector.extract %slice3A_1407[0] : f32 from vector<1xf32>
      %get3A_1409 = arith.constant 2704 : index
      %get3A_1410 = tpu.vector_load %arg5[%get3A_1409] {strides = array<i32>} : memref<4096xf32, #tpu.memory_space<vmem>>, vector<16xf32>,
      %mul3A_1411 = vector.broadcast %squeeze3A_1408 : f32 to vector<16xf32>
      %mul3A_1412 = arith.mulf %mul3A_1411, %get3A_1410 : vector<16xf32>
      %add3A_1413 = arith.addf %add3A_1406, %mul3A_1412 : vector<16xf32>
      %slice3A_1414 = vector.extract_strided_slice %get3A_1343 {offsets = [10], sizes = [1], strides = [1]} : vector<16xf32> to vector<1xf32>
      %squeeze3A_1415 = vector.extract %slice3A_1414[0] : f32 from vector<1xf32>
      %get3A_1416 = arith.constant 2720 : index
      %get3A_1417 = tpu.vector_load %arg5[%get3A_1416] {strides = array<i32>} : memref<4096xf32, #tpu.memory_space<vmem>>, vector<16xf32>,
      %mul3A_1418 = vector.broadcast %squeeze3A_1415 : f32 to vector<16xf32>
      %mul3A_1419 = arith.mulf %mul3A_1418, %get3A_1417 : vector<16xf32>
      %add3A_1420 = arith.addf %add3A_1413, %mul3A_1419 : vector<16xf32>
      %slice3A_1421 = vector.extract_strided_slice %get3A_1343 {offsets = [11], sizes = [1], strides = [1]} : vector<16xf32> to vector<1xf32>
      %squeeze3A_1422 = vector.extract %slice3A_1421[0] : f32 from vector<1xf32>
      %get3A_1423 = arith.constant 2736 : index
      %get3A_1424 = tpu.vector_load %arg5[%get3A_1423] {strides = array<i32>} : memref<4096xf32, #tpu.memory_space<vmem>>, vector<16xf32>,
      %mul3A_1425 = vector.broadcast %squeeze3A_1422 : f32 to vector<16xf32>
      %mul3A_1426 = arith.mulf %mul3A_1425, %get3A_1424 : vector<16xf32>
      %add3A_1427 = arith.addf %add3A_1420, %mul3A_1426 : vector<16xf32>
      %slice3A_1428 = vector.extract_strided_slice %get3A_1343 {offsets = [12], sizes = [1], strides = [1]} : vector<16xf32> to vector<1xf32>
      %squeeze3A_1429 = vector.extract %slice3A_1428[0] : f32 from vector<1xf32>
      %get3A_1430 = arith.constant 2752 : index
      %get3A_1431 = tpu.vector_load %arg5[%get3A_1430] {strides = array<i32>} : memref<4096xf32, #tpu.memory_space<vmem>>, vector<16xf32>,
      %mul3A_1432 = vector.broadcast %squeeze3A_1429 : f32 to vector<16xf32>
      %mul3A_1433 = arith.mulf %mul3A_1432, %get3A_1431 : vector<16xf32>
      %add3A_1434 = arith.addf %add3A_1427, %mul3A_1433 : vector<16xf32>
      %slice3A_1435 = vector.extract_strided_slice %get3A_1343 {offsets = [13], sizes = [1], strides = [1]} : vector<16xf32> to vector<1xf32>
      %squeeze3A_1436 = vector.extract %slice3A_1435[0] : f32 from vector<1xf32>
      %get3A_1437 = arith.constant 2768 : index
      %get3A_1438 = tpu.vector_load %arg5[%get3A_1437] {strides = array<i32>} : memref<4096xf32, #tpu.memory_space<vmem>>, vector<16xf32>,
      %mul3A_1439 = vector.broadcast %squeeze3A_1436 : f32 to vector<16xf32>
      %mul3A_1440 = arith.mulf %mul3A_1439, %get3A_1438 : vector<16xf32>
      %add3A_1441 = arith.addf %add3A_1434, %mul3A_1440 : vector<16xf32>
      %slice3A_1442 = vector.extract_strided_slice %get3A_1343 {offsets = [14], sizes = [1], strides = [1]} : vector<16xf32> to vector<1xf32>
      %squeeze3A_1443 = vector.extract %slice3A_1442[0] : f32 from vector<1xf32>
      %get3A_1444 = arith.constant 2784 : index
      %get3A_1445 = tpu.vector_load %arg5[%get3A_1444] {strides = array<i32>} : memref<4096xf32, #tpu.memory_space<vmem>>, vector<16xf32>,
      %mul3A_1446 = vector.broadcast %squeeze3A_1443 : f32 to vector<16xf32>
      %mul3A_1447 = arith.mulf %mul3A_1446, %get3A_1445 : vector<16xf32>
      %add3A_1448 = arith.addf %add3A_1441, %mul3A_1447 : vector<16xf32>
      %slice3A_1449 = vector.extract_strided_slice %get3A_1343 {offsets = [15], sizes = [1], strides = [1]} : vector<16xf32> to vector<1xf32>
      %squeeze3A_1450 = vector.extract %slice3A_1449[0] : f32 from vector<1xf32>
      %get3A_1451 = arith.constant 2800 : index
      %get3A_1452 = tpu.vector_load %arg5[%get3A_1451] {strides = array<i32>} : memref<4096xf32, #tpu.memory_space<vmem>>, vector<16xf32>,
      %mul3A_1453 = vector.broadcast %squeeze3A_1450 : f32 to vector<16xf32>
      %mul3A_1454 = arith.mulf %mul3A_1453, %get3A_1452 : vector<16xf32>
      %add3A_1455 = arith.addf %add3A_1448, %mul3A_1454 : vector<16xf32>
      %get3A_1456 = arith.constant 176 : index
      %get3A_1457 = tpu.vector_load %arg6[%get3A_1456] {strides = array<i32>} : memref<256xf32, #tpu.memory_space<vmem>>, vector<16xf32>,
      %slice3A_1458 = vector.extract_strided_slice %get3A_1457 {offsets = [0], sizes = [1], strides = [1]} : vector<16xf32> to vector<1xf32>
      %squeeze3A_1459 = vector.extract %slice3A_1458[0] : f32 from vector<1xf32>
      %get3A_1460 = arith.constant 2816 : index
      %get3A_1461 = tpu.vector_load %arg5[%get3A_1460] {strides = array<i32>} : memref<4096xf32, #tpu.memory_space<vmem>>, vector<16xf32>,
      %mul3A_1462 = vector.broadcast %squeeze3A_1459 : f32 to vector<16xf32>
      %mul3A_1463 = arith.mulf %mul3A_1462, %get3A_1461 : vector<16xf32>
      %add3A_1464 = arith.addf %add3A_1455, %mul3A_1463 : vector<16xf32>
      %slice3A_1465 = vector.extract_strided_slice %get3A_1457 {offsets = [1], sizes = [1], strides = [1]} : vector<16xf32> to vector<1xf32>
      %squeeze3A_1466 = vector.extract %slice3A_1465[0] : f32 from vector<1xf32>
      %get3A_1467 = arith.constant 2832 : index
      %get3A_1468 = tpu.vector_load %arg5[%get3A_1467] {strides = array<i32>} : memref<4096xf32, #tpu.memory_space<vmem>>, vector<16xf32>,
      %mul3A_1469 = vector.broadcast %squeeze3A_1466 : f32 to vector<16xf32>
      %mul3A_1470 = arith.mulf %mul3A_1469, %get3A_1468 : vector<16xf32>
      %add3A_1471 = arith.addf %add3A_1464, %mul3A_1470 : vector<16xf32>
      %slice3A_1472 = vector.extract_strided_slice %get3A_1457 {offsets = [2], sizes = [1], strides = [1]} : vector<16xf32> to vector<1xf32>
      %squeeze3A_1473 = vector.extract %slice3A_1472[0] : f32 from vector<1xf32>
      %get3A_1474 = arith.constant 2848 : index
      %get3A_1475 = tpu.vector_load %arg5[%get3A_1474] {strides = array<i32>} : memref<4096xf32, #tpu.memory_space<vmem>>, vector<16xf32>,
      %mul3A_1476 = vector.broadcast %squeeze3A_1473 : f32 to vector<16xf32>
      %mul3A_1477 = arith.mulf %mul3A_1476, %get3A_1475 : vector<16xf32>
      %add3A_1478 = arith.addf %add3A_1471, %mul3A_1477 : vector<16xf32>
      %slice3A_1479 = vector.extract_strided_slice %get3A_1457 {offsets = [3], sizes = [1], strides = [1]} : vector<16xf32> to vector<1xf32>
      %squeeze3A_1480 = vector.extract %slice3A_1479[0] : f32 from vector<1xf32>
      %get3A_1481 = arith.constant 2864 : index
      %get3A_1482 = tpu.vector_load %arg5[%get3A_1481] {strides = array<i32>} : memref<4096xf32, #tpu.memory_space<vmem>>, vector<16xf32>,
      %mul3A_1483 = vector.broadcast %squeeze3A_1480 : f32 to vector<16xf32>
      %mul3A_1484 = arith.mulf %mul3A_1483, %get3A_1482 : vector<16xf32>
      %add3A_1485 = arith.addf %add3A_1478, %mul3A_1484 : vector<16xf32>
      %slice3A_1486 = vector.extract_strided_slice %get3A_1457 {offsets = [4], sizes = [1], strides = [1]} : vector<16xf32> to vector<1xf32>
      %squeeze3A_1487 = vector.extract %slice3A_1486[0] : f32 from vector<1xf32>
      %get3A_1488 = arith.constant 2880 : index
      %get3A_1489 = tpu.vector_load %arg5[%get3A_1488] {strides = array<i32>} : memref<4096xf32, #tpu.memory_space<vmem>>, vector<16xf32>,
      %mul3A_1490 = vector.broadcast %squeeze3A_1487 : f32 to vector<16xf32>
      %mul3A_1491 = arith.mulf %mul3A_1490, %get3A_1489 : vector<16xf32>
      %add3A_1492 = arith.addf %add3A_1485, %mul3A_1491 : vector<16xf32>
      %slice3A_1493 = vector.extract_strided_slice %get3A_1457 {offsets = [5], sizes = [1], strides = [1]} : vector<16xf32> to vector<1xf32>
      %squeeze3A_1494 = vector.extract %slice3A_1493[0] : f32 from vector<1xf32>
      %get3A_1495 = arith.constant 2896 : index
      %get3A_1496 = tpu.vector_load %arg5[%get3A_1495] {strides = array<i32>} : memref<4096xf32, #tpu.memory_space<vmem>>, vector<16xf32>,
      %mul3A_1497 = vector.broadcast %squeeze3A_1494 : f32 to vector<16xf32>
      %mul3A_1498 = arith.mulf %mul3A_1497, %get3A_1496 : vector<16xf32>
      %add3A_1499 = arith.addf %add3A_1492, %mul3A_1498 : vector<16xf32>
      %slice3A_1500 = vector.extract_strided_slice %get3A_1457 {offsets = [6], sizes = [1], strides = [1]} : vector<16xf32> to vector<1xf32>
      %squeeze3A_1501 = vector.extract %slice3A_1500[0] : f32 from vector<1xf32>
      %get3A_1502 = arith.constant 2912 : index
      %get3A_1503 = tpu.vector_load %arg5[%get3A_1502] {strides = array<i32>} : memref<4096xf32, #tpu.memory_space<vmem>>, vector<16xf32>,
      %mul3A_1504 = vector.broadcast %squeeze3A_1501 : f32 to vector<16xf32>
      %mul3A_1505 = arith.mulf %mul3A_1504, %get3A_1503 : vector<16xf32>
      %add3A_1506 = arith.addf %add3A_1499, %mul3A_1505 : vector<16xf32>
      %slice3A_1507 = vector.extract_strided_slice %get3A_1457 {offsets = [7], sizes = [1], strides = [1]} : vector<16xf32> to vector<1xf32>
      %squeeze3A_1508 = vector.extract %slice3A_1507[0] : f32 from vector<1xf32>
      %get3A_1509 = arith.constant 2928 : index
      %get3A_1510 = tpu.vector_load %arg5[%get3A_1509] {strides = array<i32>} : memref<4096xf32, #tpu.memory_space<vmem>>, vector<16xf32>,
      %mul3A_1511 = vector.broadcast %squeeze3A_1508 : f32 to vector<16xf32>
      %mul3A_1512 = arith.mulf %mul3A_1511, %get3A_1510 : vector<16xf32>
      %add3A_1513 = arith.addf %add3A_1506, %mul3A_1512 : vector<16xf32>
      %slice3A_1514 = vector.extract_strided_slice %get3A_1457 {offsets = [8], sizes = [1], strides = [1]} : vector<16xf32> to vector<1xf32>
      %squeeze3A_1515 = vector.extract %slice3A_1514[0] : f32 from vector<1xf32>
      %get3A_1516 = arith.constant 2944 : index
      %get3A_1517 = tpu.vector_load %arg5[%get3A_1516] {strides = array<i32>} : memref<4096xf32, #tpu.memory_space<vmem>>, vector<16xf32>,
      %mul3A_1518 = vector.broadcast %squeeze3A_1515 : f32 to vector<16xf32>
      %mul3A_1519 = arith.mulf %mul3A_1518, %get3A_1517 : vector<16xf32>
      %add3A_1520 = arith.addf %add3A_1513, %mul3A_1519 : vector<16xf32>
      %slice3A_1521 = vector.extract_strided_slice %get3A_1457 {offsets = [9], sizes = [1], strides = [1]} : vector<16xf32> to vector<1xf32>
      %squeeze3A_1522 = vector.extract %slice3A_1521[0] : f32 from vector<1xf32>
      %get3A_1523 = arith.constant 2960 : index
      %get3A_1524 = tpu.vector_load %arg5[%get3A_1523] {strides = array<i32>} : memref<4096xf32, #tpu.memory_space<vmem>>, vector<16xf32>,
      %mul3A_1525 = vector.broadcast %squeeze3A_1522 : f32 to vector<16xf32>
      %mul3A_1526 = arith.mulf %mul3A_1525, %get3A_1524 : vector<16xf32>
      %add3A_1527 = arith.addf %add3A_1520, %mul3A_1526 : vector<16xf32>
      %slice3A_1528 = vector.extract_strided_slice %get3A_1457 {offsets = [10], sizes = [1], strides = [1]} : vector<16xf32> to vector<1xf32>
      %squeeze3A_1529 = vector.extract %slice3A_1528[0] : f32 from vector<1xf32>
      %get3A_1530 = arith.constant 2976 : index
      %get3A_1531 = tpu.vector_load %arg5[%get3A_1530] {strides = array<i32>} : memref<4096xf32, #tpu.memory_space<vmem>>, vector<16xf32>,
      %mul3A_1532 = vector.broadcast %squeeze3A_1529 : f32 to vector<16xf32>
      %mul3A_1533 = arith.mulf %mul3A_1532, %get3A_1531 : vector<16xf32>
      %add3A_1534 = arith.addf %add3A_1527, %mul3A_1533 : vector<16xf32>
      %slice3A_1535 = vector.extract_strided_slice %get3A_1457 {offsets = [11], sizes = [1], strides = [1]} : vector<16xf32> to vector<1xf32>
      %squeeze3A_1536 = vector.extract %slice3A_1535[0] : f32 from vector<1xf32>
      %get3A_1537 = arith.constant 2992 : index
      %get3A_1538 = tpu.vector_load %arg5[%get3A_1537] {strides = array<i32>} : memref<4096xf32, #tpu.memory_space<vmem>>, vector<16xf32>,
      %mul3A_1539 = vector.broadcast %squeeze3A_1536 : f32 to vector<16xf32>
      %mul3A_1540 = arith.mulf %mul3A_1539, %get3A_1538 : vector<16xf32>
      %add3A_1541 = arith.addf %add3A_1534, %mul3A_1540 : vector<16xf32>
      %slice3A_1542 = vector.extract_strided_slice %get3A_1457 {offsets = [12], sizes = [1], strides = [1]} : vector<16xf32> to vector<1xf32>
      %squeeze3A_1543 = vector.extract %slice3A_1542[0] : f32 from vector<1xf32>
      %get3A_1544 = arith.constant 3008 : index
      %get3A_1545 = tpu.vector_load %arg5[%get3A_1544] {strides = array<i32>} : memref<4096xf32, #tpu.memory_space<vmem>>, vector<16xf32>,
      %mul3A_1546 = vector.broadcast %squeeze3A_1543 : f32 to vector<16xf32>
      %mul3A_1547 = arith.mulf %mul3A_1546, %get3A_1545 : vector<16xf32>
      %add3A_1548 = arith.addf %add3A_1541, %mul3A_1547 : vector<16xf32>
      %slice3A_1549 = vector.extract_strided_slice %get3A_1457 {offsets = [13], sizes = [1], strides = [1]} : vector<16xf32> to vector<1xf32>
      %squeeze3A_1550 = vector.extract %slice3A_1549[0] : f32 from vector<1xf32>
      %get3A_1551 = arith.constant 3024 : index
      %get3A_1552 = tpu.vector_load %arg5[%get3A_1551] {strides = array<i32>} : memref<4096xf32, #tpu.memory_space<vmem>>, vector<16xf32>,
      %mul3A_1553 = vector.broadcast %squeeze3A_1550 : f32 to vector<16xf32>
      %mul3A_1554 = arith.mulf %mul3A_1553, %get3A_1552 : vector<16xf32>
      %add3A_1555 = arith.addf %add3A_1548, %mul3A_1554 : vector<16xf32>
      %slice3A_1556 = vector.extract_strided_slice %get3A_1457 {offsets = [14], sizes = [1], strides = [1]} : vector<16xf32> to vector<1xf32>
      %squeeze3A_1557 = vector.extract %slice3A_1556[0] : f32 from vector<1xf32>
      %get3A_1558 = arith.constant 3040 : index
      %get3A_1559 = tpu.vector_load %arg5[%get3A_1558] {strides = array<i32>} : memref<4096xf32, #tpu.memory_space<vmem>>, vector<16xf32>,
      %mul3A_1560 = vector.broadcast %squeeze3A_1557 : f32 to vector<16xf32>
      %mul3A_1561 = arith.mulf %mul3A_1560, %get3A_1559 : vector<16xf32>
      %add3A_1562 = arith.addf %add3A_1555, %mul3A_1561 : vector<16xf32>
      %slice3A_1563 = vector.extract_strided_slice %get3A_1457 {offsets = [15], sizes = [1], strides = [1]} : vector<16xf32> to vector<1xf32>
      %squeeze3A_1564 = vector.extract %slice3A_1563[0] : f32 from vector<1xf32>
      %get3A_1565 = arith.constant 3056 : index
      %get3A_1566 = tpu.vector_load %arg5[%get3A_1565] {strides = array<i32>} : memref<4096xf32, #tpu.memory_space<vmem>>, vector<16xf32>,
      %mul3A_1567 = vector.broadcast %squeeze3A_1564 : f32 to vector<16xf32>
      %mul3A_1568 = arith.mulf %mul3A_1567, %get3A_1566 : vector<16xf32>
      %add3A_1569 = arith.addf %add3A_1562, %mul3A_1568 : vector<16xf32>
      %get3A_1570 = arith.constant 192 : index
      %get3A_1571 = tpu.vector_load %arg6[%get3A_1570] {strides = array<i32>} : memref<256xf32, #tpu.memory_space<vmem>>, vector<16xf32>,
      %slice3A_1572 = vector.extract_strided_slice %get3A_1571 {offsets = [0], sizes = [1], strides = [1]} : vector<16xf32> to vector<1xf32>
      %squeeze3A_1573 = vector.extract %slice3A_1572[0] : f32 from vector<1xf32>
      %get3A_1574 = arith.constant 3072 : index
      %get3A_1575 = tpu.vector_load %arg5[%get3A_1574] {strides = array<i32>} : memref<4096xf32, #tpu.memory_space<vmem>>, vector<16xf32>,
      %mul3A_1576 = vector.broadcast %squeeze3A_1573 : f32 to vector<16xf32>
      %mul3A_1577 = arith.mulf %mul3A_1576, %get3A_1575 : vector<16xf32>
      %add3A_1578 = arith.addf %add3A_1569, %mul3A_1577 : vector<16xf32>
      %slice3A_1579 = vector.extract_strided_slice %get3A_1571 {offsets = [1], sizes = [1], strides = [1]} : vector<16xf32> to vector<1xf32>
      %squeeze3A_1580 = vector.extract %slice3A_1579[0] : f32 from vector<1xf32>
      %get3A_1581 = arith.constant 3088 : index
      %get3A_1582 = tpu.vector_load %arg5[%get3A_1581] {strides = array<i32>} : memref<4096xf32, #tpu.memory_space<vmem>>, vector<16xf32>,
      %mul3A_1583 = vector.broadcast %squeeze3A_1580 : f32 to vector<16xf32>
      %mul3A_1584 = arith.mulf %mul3A_1583, %get3A_1582 : vector<16xf32>
      %add3A_1585 = arith.addf %add3A_1578, %mul3A_1584 : vector<16xf32>
      %slice3A_1586 = vector.extract_strided_slice %get3A_1571 {offsets = [2], sizes = [1], strides = [1]} : vector<16xf32> to vector<1xf32>
      %squeeze3A_1587 = vector.extract %slice3A_1586[0] : f32 from vector<1xf32>
      %get3A_1588 = arith.constant 3104 : index
      %get3A_1589 = tpu.vector_load %arg5[%get3A_1588] {strides = array<i32>} : memref<4096xf32, #tpu.memory_space<vmem>>, vector<16xf32>,
      %mul3A_1590 = vector.broadcast %squeeze3A_1587 : f32 to vector<16xf32>
      %mul3A_1591 = arith.mulf %mul3A_1590, %get3A_1589 : vector<16xf32>
      %add3A_1592 = arith.addf %add3A_1585, %mul3A_1591 : vector<16xf32>
      %slice3A_1593 = vector.extract_strided_slice %get3A_1571 {offsets = [3], sizes = [1], strides = [1]} : vector<16xf32> to vector<1xf32>
      %squeeze3A_1594 = vector.extract %slice3A_1593[0] : f32 from vector<1xf32>
      %get3A_1595 = arith.constant 3120 : index
      %get3A_1596 = tpu.vector_load %arg5[%get3A_1595] {strides = array<i32>} : memref<4096xf32, #tpu.memory_space<vmem>>, vector<16xf32>,
      %mul3A_1597 = vector.broadcast %squeeze3A_1594 : f32 to vector<16xf32>
      %mul3A_1598 = arith.mulf %mul3A_1597, %get3A_1596 : vector<16xf32>
      %add3A_1599 = arith.addf %add3A_1592, %mul3A_1598 : vector<16xf32>
      %slice3A_1600 = vector.extract_strided_slice %get3A_1571 {offsets = [4], sizes = [1], strides = [1]} : vector<16xf32> to vector<1xf32>
      %squeeze3A_1601 = vector.extract %slice3A_1600[0] : f32 from vector<1xf32>
      %get3A_1602 = arith.constant 3136 : index
      %get3A_1603 = tpu.vector_load %arg5[%get3A_1602] {strides = array<i32>} : memref<4096xf32, #tpu.memory_space<vmem>>, vector<16xf32>,
      %mul3A_1604 = vector.broadcast %squeeze3A_1601 : f32 to vector<16xf32>
      %mul3A_1605 = arith.mulf %mul3A_1604, %get3A_1603 : vector<16xf32>
      %add3A_1606 = arith.addf %add3A_1599, %mul3A_1605 : vector<16xf32>
      %slice3A_1607 = vector.extract_strided_slice %get3A_1571 {offsets = [5], sizes = [1], strides = [1]} : vector<16xf32> to vector<1xf32>
      %squeeze3A_1608 = vector.extract %slice3A_1607[0] : f32 from vector<1xf32>
      %get3A_1609 = arith.constant 3152 : index
      %get3A_1610 = tpu.vector_load %arg5[%get3A_1609] {strides = array<i32>} : memref<4096xf32, #tpu.memory_space<vmem>>, vector<16xf32>,
      %mul3A_1611 = vector.broadcast %squeeze3A_1608 : f32 to vector<16xf32>
      %mul3A_1612 = arith.mulf %mul3A_1611, %get3A_1610 : vector<16xf32>
      %add3A_1613 = arith.addf %add3A_1606, %mul3A_1612 : vector<16xf32>
      %slice3A_1614 = vector.extract_strided_slice %get3A_1571 {offsets = [6], sizes = [1], strides = [1]} : vector<16xf32> to vector<1xf32>
      %squeeze3A_1615 = vector.extract %slice3A_1614[0] : f32 from vector<1xf32>
      %get3A_1616 = arith.constant 3168 : index
      %get3A_1617 = tpu.vector_load %arg5[%get3A_1616] {strides = array<i32>} : memref<4096xf32, #tpu.memory_space<vmem>>, vector<16xf32>,
      %mul3A_1618 = vector.broadcast %squeeze3A_1615 : f32 to vector<16xf32>
      %mul3A_1619 = arith.mulf %mul3A_1618, %get3A_1617 : vector<16xf32>
      %add3A_1620 = arith.addf %add3A_1613, %mul3A_1619 : vector<16xf32>
      %slice3A_1621 = vector.extract_strided_slice %get3A_1571 {offsets = [7], sizes = [1], strides = [1]} : vector<16xf32> to vector<1xf32>
      %squeeze3A_1622 = vector.extract %slice3A_1621[0] : f32 from vector<1xf32>
      %get3A_1623 = arith.constant 3184 : index
      %get3A_1624 = tpu.vector_load %arg5[%get3A_1623] {strides = array<i32>} : memref<4096xf32, #tpu.memory_space<vmem>>, vector<16xf32>,
      %mul3A_1625 = vector.broadcast %squeeze3A_1622 : f32 to vector<16xf32>
      %mul3A_1626 = arith.mulf %mul3A_1625, %get3A_1624 : vector<16xf32>
      %add3A_1627 = arith.addf %add3A_1620, %mul3A_1626 : vector<16xf32>
      %slice3A_1628 = vector.extract_strided_slice %get3A_1571 {offsets = [8], sizes = [1], strides = [1]} : vector<16xf32> to vector<1xf32>
      %squeeze3A_1629 = vector.extract %slice3A_1628[0] : f32 from vector<1xf32>
      %get3A_1630 = arith.constant 3200 : index
      %get3A_1631 = tpu.vector_load %arg5[%get3A_1630] {strides = array<i32>} : memref<4096xf32, #tpu.memory_space<vmem>>, vector<16xf32>,
      %mul3A_1632 = vector.broadcast %squeeze3A_1629 : f32 to vector<16xf32>
      %mul3A_1633 = arith.mulf %mul3A_1632, %get3A_1631 : vector<16xf32>
      %add3A_1634 = arith.addf %add3A_1627, %mul3A_1633 : vector<16xf32>
      %slice3A_1635 = vector.extract_strided_slice %get3A_1571 {offsets = [9], sizes = [1], strides = [1]} : vector<16xf32> to vector<1xf32>
      %squeeze3A_1636 = vector.extract %slice3A_1635[0] : f32 from vector<1xf32>
      %get3A_1637 = arith.constant 3216 : index
      %get3A_1638 = tpu.vector_load %arg5[%get3A_1637] {strides = array<i32>} : memref<4096xf32, #tpu.memory_space<vmem>>, vector<16xf32>,
      %mul3A_1639 = vector.broadcast %squeeze3A_1636 : f32 to vector<16xf32>
      %mul3A_1640 = arith.mulf %mul3A_1639, %get3A_1638 : vector<16xf32>
      %add3A_1641 = arith.addf %add3A_1634, %mul3A_1640 : vector<16xf32>
      %slice3A_1642 = vector.extract_strided_slice %get3A_1571 {offsets = [10], sizes = [1], strides = [1]} : vector<16xf32> to vector<1xf32>
      %squeeze3A_1643 = vector.extract %slice3A_1642[0] : f32 from vector<1xf32>
      %get3A_1644 = arith.constant 3232 : index
      %get3A_1645 = tpu.vector_load %arg5[%get3A_1644] {strides = array<i32>} : memref<4096xf32, #tpu.memory_space<vmem>>, vector<16xf32>,
      %mul3A_1646 = vector.broadcast %squeeze3A_1643 : f32 to vector<16xf32>
      %mul3A_1647 = arith.mulf %mul3A_1646, %get3A_1645 : vector<16xf32>
      %add3A_1648 = arith.addf %add3A_1641, %mul3A_1647 : vector<16xf32>
      %slice3A_1649 = vector.extract_strided_slice %get3A_1571 {offsets = [11], sizes = [1], strides = [1]} : vector<16xf32> to vector<1xf32>
      %squeeze3A_1650 = vector.extract %slice3A_1649[0] : f32 from vector<1xf32>
      %get3A_1651 = arith.constant 3248 : index
      %get3A_1652 = tpu.vector_load %arg5[%get3A_1651] {strides = array<i32>} : memref<4096xf32, #tpu.memory_space<vmem>>, vector<16xf32>,
      %mul3A_1653 = vector.broadcast %squeeze3A_1650 : f32 to vector<16xf32>
      %mul3A_1654 = arith.mulf %mul3A_1653, %get3A_1652 : vector<16xf32>
      %add3A_1655 = arith.addf %add3A_1648, %mul3A_1654 : vector<16xf32>
      %slice3A_1656 = vector.extract_strided_slice %get3A_1571 {offsets = [12], sizes = [1], strides = [1]} : vector<16xf32> to vector<1xf32>
      %squeeze3A_1657 = vector.extract %slice3A_1656[0] : f32 from vector<1xf32>
      %get3A_1658 = arith.constant 3264 : index
      %get3A_1659 = tpu.vector_load %arg5[%get3A_1658] {strides = array<i32>} : memref<4096xf32, #tpu.memory_space<vmem>>, vector<16xf32>,
      %mul3A_1660 = vector.broadcast %squeeze3A_1657 : f32 to vector<16xf32>
      %mul3A_1661 = arith.mulf %mul3A_1660, %get3A_1659 : vector<16xf32>
      %add3A_1662 = arith.addf %add3A_1655, %mul3A_1661 : vector<16xf32>
      %slice3A_1663 = vector.extract_strided_slice %get3A_1571 {offsets = [13], sizes = [1], strides = [1]} : vector<16xf32> to vector<1xf32>
      %squeeze3A_1664 = vector.extract %slice3A_1663[0] : f32 from vector<1xf32>
      %get3A_1665 = arith.constant 3280 : index
      %get3A_1666 = tpu.vector_load %arg5[%get3A_1665] {strides = array<i32>} : memref<4096xf32, #tpu.memory_space<vmem>>, vector<16xf32>,
      %mul3A_1667 = vector.broadcast %squeeze3A_1664 : f32 to vector<16xf32>
      %mul3A_1668 = arith.mulf %mul3A_1667, %get3A_1666 : vector<16xf32>
      %add3A_1669 = arith.addf %add3A_1662, %mul3A_1668 : vector<16xf32>
      %slice3A_1670 = vector.extract_strided_slice %get3A_1571 {offsets = [14], sizes = [1], strides = [1]} : vector<16xf32> to vector<1xf32>
      %squeeze3A_1671 = vector.extract %slice3A_1670[0] : f32 from vector<1xf32>
      %get3A_1672 = arith.constant 3296 : index
      %get3A_1673 = tpu.vector_load %arg5[%get3A_1672] {strides = array<i32>} : memref<4096xf32, #tpu.memory_space<vmem>>, vector<16xf32>,
      %mul3A_1674 = vector.broadcast %squeeze3A_1671 : f32 to vector<16xf32>
      %mul3A_1675 = arith.mulf %mul3A_1674, %get3A_1673 : vector<16xf32>
      %add3A_1676 = arith.addf %add3A_1669, %mul3A_1675 : vector<16xf32>
      %slice3A_1677 = vector.extract_strided_slice %get3A_1571 {offsets = [15], sizes = [1], strides = [1]} : vector<16xf32> to vector<1xf32>
      %squeeze3A_1678 = vector.extract %slice3A_1677[0] : f32 from vector<1xf32>
      %get3A_1679 = arith.constant 3312 : index
      %get3A_1680 = tpu.vector_load %arg5[%get3A_1679] {strides = array<i32>} : memref<4096xf32, #tpu.memory_space<vmem>>, vector<16xf32>,
      %mul3A_1681 = vector.broadcast %squeeze3A_1678 : f32 to vector<16xf32>
      %mul3A_1682 = arith.mulf %mul3A_1681, %get3A_1680 : vector<16xf32>
      %add3A_1683 = arith.addf %add3A_1676, %mul3A_1682 : vector<16xf32>
      %get3A_1684 = arith.constant 208 : index
      %get3A_1685 = tpu.vector_load %arg6[%get3A_1684] {strides = array<i32>} : memref<256xf32, #tpu.memory_space<vmem>>, vector<16xf32>,
      %slice3A_1686 = vector.extract_strided_slice %get3A_1685 {offsets = [0], sizes = [1], strides = [1]} : vector<16xf32> to vector<1xf32>
      %squeeze3A_1687 = vector.extract %slice3A_1686[0] : f32 from vector<1xf32>
      %get3A_1688 = arith.constant 3328 : index
      %get3A_1689 = tpu.vector_load %arg5[%get3A_1688] {strides = array<i32>} : memref<4096xf32, #tpu.memory_space<vmem>>, vector<16xf32>,
      %mul3A_1690 = vector.broadcast %squeeze3A_1687 : f32 to vector<16xf32>
      %mul3A_1691 = arith.mulf %mul3A_1690, %get3A_1689 : vector<16xf32>
      %add3A_1692 = arith.addf %add3A_1683, %mul3A_1691 : vector<16xf32>
      %slice3A_1693 = vector.extract_strided_slice %get3A_1685 {offsets = [1], sizes = [1], strides = [1]} : vector<16xf32> to vector<1xf32>
      %squeeze3A_1694 = vector.extract %slice3A_1693[0] : f32 from vector<1xf32>
      %get3A_1695 = arith.constant 3344 : index
      %get3A_1696 = tpu.vector_load %arg5[%get3A_1695] {strides = array<i32>} : memref<4096xf32, #tpu.memory_space<vmem>>, vector<16xf32>,
      %mul3A_1697 = vector.broadcast %squeeze3A_1694 : f32 to vector<16xf32>
      %mul3A_1698 = arith.mulf %mul3A_1697, %get3A_1696 : vector<16xf32>
      %add3A_1699 = arith.addf %add3A_1692, %mul3A_1698 : vector<16xf32>
      %slice3A_1700 = vector.extract_strided_slice %get3A_1685 {offsets = [2], sizes = [1], strides = [1]} : vector<16xf32> to vector<1xf32>
      %squeeze3A_1701 = vector.extract %slice3A_1700[0] : f32 from vector<1xf32>
      %get3A_1702 = arith.constant 3360 : index
      %get3A_1703 = tpu.vector_load %arg5[%get3A_1702] {strides = array<i32>} : memref<4096xf32, #tpu.memory_space<vmem>>, vector<16xf32>,
      %mul3A_1704 = vector.broadcast %squeeze3A_1701 : f32 to vector<16xf32>
      %mul3A_1705 = arith.mulf %mul3A_1704, %get3A_1703 : vector<16xf32>
      %add3A_1706 = arith.addf %add3A_1699, %mul3A_1705 : vector<16xf32>
      %slice3A_1707 = vector.extract_strided_slice %get3A_1685 {offsets = [3], sizes = [1], strides = [1]} : vector<16xf32> to vector<1xf32>
      %squeeze3A_1708 = vector.extract %slice3A_1707[0] : f32 from vector<1xf32>
      %get3A_1709 = arith.constant 3376 : index
      %get3A_1710 = tpu.vector_load %arg5[%get3A_1709] {strides = array<i32>} : memref<4096xf32, #tpu.memory_space<vmem>>, vector<16xf32>,
      %mul3A_1711 = vector.broadcast %squeeze3A_1708 : f32 to vector<16xf32>
      %mul3A_1712 = arith.mulf %mul3A_1711, %get3A_1710 : vector<16xf32>
      %add3A_1713 = arith.addf %add3A_1706, %mul3A_1712 : vector<16xf32>
      %slice3A_1714 = vector.extract_strided_slice %get3A_1685 {offsets = [4], sizes = [1], strides = [1]} : vector<16xf32> to vector<1xf32>
      %squeeze3A_1715 = vector.extract %slice3A_1714[0] : f32 from vector<1xf32>
      %get3A_1716 = arith.constant 3392 : index
      %get3A_1717 = tpu.vector_load %arg5[%get3A_1716] {strides = array<i32>} : memref<4096xf32, #tpu.memory_space<vmem>>, vector<16xf32>,
      %mul3A_1718 = vector.broadcast %squeeze3A_1715 : f32 to vector<16xf32>
      %mul3A_1719 = arith.mulf %mul3A_1718, %get3A_1717 : vector<16xf32>
      %add3A_1720 = arith.addf %add3A_1713, %mul3A_1719 : vector<16xf32>
      %slice3A_1721 = vector.extract_strided_slice %get3A_1685 {offsets = [5], sizes = [1], strides = [1]} : vector<16xf32> to vector<1xf32>
      %squeeze3A_1722 = vector.extract %slice3A_1721[0] : f32 from vector<1xf32>
      %get3A_1723 = arith.constant 3408 : index
      %get3A_1724 = tpu.vector_load %arg5[%get3A_1723] {strides = array<i32>} : memref<4096xf32, #tpu.memory_space<vmem>>, vector<16xf32>,
      %mul3A_1725 = vector.broadcast %squeeze3A_1722 : f32 to vector<16xf32>
      %mul3A_1726 = arith.mulf %mul3A_1725, %get3A_1724 : vector<16xf32>
      %add3A_1727 = arith.addf %add3A_1720, %mul3A_1726 : vector<16xf32>
      %slice3A_1728 = vector.extract_strided_slice %get3A_1685 {offsets = [6], sizes = [1], strides = [1]} : vector<16xf32> to vector<1xf32>
      %squeeze3A_1729 = vector.extract %slice3A_1728[0] : f32 from vector<1xf32>
      %get3A_1730 = arith.constant 3424 : index
      %get3A_1731 = tpu.vector_load %arg5[%get3A_1730] {strides = array<i32>} : memref<4096xf32, #tpu.memory_space<vmem>>, vector<16xf32>,
      %mul3A_1732 = vector.broadcast %squeeze3A_1729 : f32 to vector<16xf32>
      %mul3A_1733 = arith.mulf %mul3A_1732, %get3A_1731 : vector<16xf32>
      %add3A_1734 = arith.addf %add3A_1727, %mul3A_1733 : vector<16xf32>
      %slice3A_1735 = vector.extract_strided_slice %get3A_1685 {offsets = [7], sizes = [1], strides = [1]} : vector<16xf32> to vector<1xf32>
      %squeeze3A_1736 = vector.extract %slice3A_1735[0] : f32 from vector<1xf32>
      %get3A_1737 = arith.constant 3440 : index
      %get3A_1738 = tpu.vector_load %arg5[%get3A_1737] {strides = array<i32>} : memref<4096xf32, #tpu.memory_space<vmem>>, vector<16xf32>,
      %mul3A_1739 = vector.broadcast %squeeze3A_1736 : f32 to vector<16xf32>
      %mul3A_1740 = arith.mulf %mul3A_1739, %get3A_1738 : vector<16xf32>
      %add3A_1741 = arith.addf %add3A_1734, %mul3A_1740 : vector<16xf32>
      %slice3A_1742 = vector.extract_strided_slice %get3A_1685 {offsets = [8], sizes = [1], strides = [1]} : vector<16xf32> to vector<1xf32>
      %squeeze3A_1743 = vector.extract %slice3A_1742[0] : f32 from vector<1xf32>
      %get3A_1744 = arith.constant 3456 : index
      %get3A_1745 = tpu.vector_load %arg5[%get3A_1744] {strides = array<i32>} : memref<4096xf32, #tpu.memory_space<vmem>>, vector<16xf32>,
      %mul3A_1746 = vector.broadcast %squeeze3A_1743 : f32 to vector<16xf32>
      %mul3A_1747 = arith.mulf %mul3A_1746, %get3A_1745 : vector<16xf32>
      %add3A_1748 = arith.addf %add3A_1741, %mul3A_1747 : vector<16xf32>
      %slice3A_1749 = vector.extract_strided_slice %get3A_1685 {offsets = [9], sizes = [1], strides = [1]} : vector<16xf32> to vector<1xf32>
      %squeeze3A_1750 = vector.extract %slice3A_1749[0] : f32 from vector<1xf32>
      %get3A_1751 = arith.constant 3472 : index
      %get3A_1752 = tpu.vector_load %arg5[%get3A_1751] {strides = array<i32>} : memref<4096xf32, #tpu.memory_space<vmem>>, vector<16xf32>,
      %mul3A_1753 = vector.broadcast %squeeze3A_1750 : f32 to vector<16xf32>
      %mul3A_1754 = arith.mulf %mul3A_1753, %get3A_1752 : vector<16xf32>
      %add3A_1755 = arith.addf %add3A_1748, %mul3A_1754 : vector<16xf32>
      %slice3A_1756 = vector.extract_strided_slice %get3A_1685 {offsets = [10], sizes = [1], strides = [1]} : vector<16xf32> to vector<1xf32>
      %squeeze3A_1757 = vector.extract %slice3A_1756[0] : f32 from vector<1xf32>
      %get3A_1758 = arith.constant 3488 : index
      %get3A_1759 = tpu.vector_load %arg5[%get3A_1758] {strides = array<i32>} : memref<4096xf32, #tpu.memory_space<vmem>>, vector<16xf32>,
      %mul3A_1760 = vector.broadcast %squeeze3A_1757 : f32 to vector<16xf32>
      %mul3A_1761 = arith.mulf %mul3A_1760, %get3A_1759 : vector<16xf32>
      %add3A_1762 = arith.addf %add3A_1755, %mul3A_1761 : vector<16xf32>
      %slice3A_1763 = vector.extract_strided_slice %get3A_1685 {offsets = [11], sizes = [1], strides = [1]} : vector<16xf32> to vector<1xf32>
      %squeeze3A_1764 = vector.extract %slice3A_1763[0] : f32 from vector<1xf32>
      %get3A_1765 = arith.constant 3504 : index
      %get3A_1766 = tpu.vector_load %arg5[%get3A_1765] {strides = array<i32>} : memref<4096xf32, #tpu.memory_space<vmem>>, vector<16xf32>,
      %mul3A_1767 = vector.broadcast %squeeze3A_1764 : f32 to vector<16xf32>
      %mul3A_1768 = arith.mulf %mul3A_1767, %get3A_1766 : vector<16xf32>
      %add3A_1769 = arith.addf %add3A_1762, %mul3A_1768 : vector<16xf32>
      %slice3A_1770 = vector.extract_strided_slice %get3A_1685 {offsets = [12], sizes = [1], strides = [1]} : vector<16xf32> to vector<1xf32>
      %squeeze3A_1771 = vector.extract %slice3A_1770[0] : f32 from vector<1xf32>
      %get3A_1772 = arith.constant 3520 : index
      %get3A_1773 = tpu.vector_load %arg5[%get3A_1772] {strides = array<i32>} : memref<4096xf32, #tpu.memory_space<vmem>>, vector<16xf32>,
      %mul3A_1774 = vector.broadcast %squeeze3A_1771 : f32 to vector<16xf32>
      %mul3A_1775 = arith.mulf %mul3A_1774, %get3A_1773 : vector<16xf32>
      %add3A_1776 = arith.addf %add3A_1769, %mul3A_1775 : vector<16xf32>
      %slice3A_1777 = vector.extract_strided_slice %get3A_1685 {offsets = [13], sizes = [1], strides = [1]} : vector<16xf32> to vector<1xf32>
      %squeeze3A_1778 = vector.extract %slice3A_1777[0] : f32 from vector<1xf32>
      %get3A_1779 = arith.constant 3536 : index
      %get3A_1780 = tpu.vector_load %arg5[%get3A_1779] {strides = array<i32>} : memref<4096xf32, #tpu.memory_space<vmem>>, vector<16xf32>,
      %mul3A_1781 = vector.broadcast %squeeze3A_1778 : f32 to vector<16xf32>
      %mul3A_1782 = arith.mulf %mul3A_1781, %get3A_1780 : vector<16xf32>
      %add3A_1783 = arith.addf %add3A_1776, %mul3A_1782 : vector<16xf32>
      %slice3A_1784 = vector.extract_strided_slice %get3A_1685 {offsets = [14], sizes = [1], strides = [1]} : vector<16xf32> to vector<1xf32>
      %squeeze3A_1785 = vector.extract %slice3A_1784[0] : f32 from vector<1xf32>
      %get3A_1786 = arith.constant 3552 : index
      %get3A_1787 = tpu.vector_load %arg5[%get3A_1786] {strides = array<i32>} : memref<4096xf32, #tpu.memory_space<vmem>>, vector<16xf32>,
      %mul3A_1788 = vector.broadcast %squeeze3A_1785 : f32 to vector<16xf32>
      %mul3A_1789 = arith.mulf %mul3A_1788, %get3A_1787 : vector<16xf32>
      %add3A_1790 = arith.addf %add3A_1783, %mul3A_1789 : vector<16xf32>
      %slice3A_1791 = vector.extract_strided_slice %get3A_1685 {offsets = [15], sizes = [1], strides = [1]} : vector<16xf32> to vector<1xf32>
      %squeeze3A_1792 = vector.extract %slice3A_1791[0] : f32 from vector<1xf32>
      %get3A_1793 = arith.constant 3568 : index
      %get3A_1794 = tpu.vector_load %arg5[%get3A_1793] {strides = array<i32>} : memref<4096xf32, #tpu.memory_space<vmem>>, vector<16xf32>,
      %mul3A_1795 = vector.broadcast %squeeze3A_1792 : f32 to vector<16xf32>
      %mul3A_1796 = arith.mulf %mul3A_1795, %get3A_1794 : vector<16xf32>
      %add3A_1797 = arith.addf %add3A_1790, %mul3A_1796 : vector<16xf32>
      %get3A_1798 = arith.constant 224 : index
      %get3A_1799 = tpu.vector_load %arg6[%get3A_1798] {strides = array<i32>} : memref<256xf32, #tpu.memory_space<vmem>>, vector<16xf32>,
      %slice3A_1800 = vector.extract_strided_slice %get3A_1799 {offsets = [0], sizes = [1], strides = [1]} : vector<16xf32> to vector<1xf32>
      %squeeze3A_1801 = vector.extract %slice3A_1800[0] : f32 from vector<1xf32>
      %get3A_1802 = arith.constant 3584 : index
      %get3A_1803 = tpu.vector_load %arg5[%get3A_1802] {strides = array<i32>} : memref<4096xf32, #tpu.memory_space<vmem>>, vector<16xf32>,
      %mul3A_1804 = vector.broadcast %squeeze3A_1801 : f32 to vector<16xf32>
      %mul3A_1805 = arith.mulf %mul3A_1804, %get3A_1803 : vector<16xf32>
      %add3A_1806 = arith.addf %add3A_1797, %mul3A_1805 : vector<16xf32>
      %slice3A_1807 = vector.extract_strided_slice %get3A_1799 {offsets = [1], sizes = [1], strides = [1]} : vector<16xf32> to vector<1xf32>
      %squeeze3A_1808 = vector.extract %slice3A_1807[0] : f32 from vector<1xf32>
      %get3A_1809 = arith.constant 3600 : index
      %get3A_1810 = tpu.vector_load %arg5[%get3A_1809] {strides = array<i32>} : memref<4096xf32, #tpu.memory_space<vmem>>, vector<16xf32>,
      %mul3A_1811 = vector.broadcast %squeeze3A_1808 : f32 to vector<16xf32>
      %mul3A_1812 = arith.mulf %mul3A_1811, %get3A_1810 : vector<16xf32>
      %add3A_1813 = arith.addf %add3A_1806, %mul3A_1812 : vector<16xf32>
      %slice3A_1814 = vector.extract_strided_slice %get3A_1799 {offsets = [2], sizes = [1], strides = [1]} : vector<16xf32> to vector<1xf32>
      %squeeze3A_1815 = vector.extract %slice3A_1814[0] : f32 from vector<1xf32>
      %get3A_1816 = arith.constant 3616 : index
      %get3A_1817 = tpu.vector_load %arg5[%get3A_1816] {strides = array<i32>} : memref<4096xf32, #tpu.memory_space<vmem>>, vector<16xf32>,
      %mul3A_1818 = vector.broadcast %squeeze3A_1815 : f32 to vector<16xf32>
      %mul3A_1819 = arith.mulf %mul3A_1818, %get3A_1817 : vector<16xf32>
      %add3A_1820 = arith.addf %add3A_1813, %mul3A_1819 : vector<16xf32>
      %slice3A_1821 = vector.extract_strided_slice %get3A_1799 {offsets = [3], sizes = [1], strides = [1]} : vector<16xf32> to vector<1xf32>
      %squeeze3A_1822 = vector.extract %slice3A_1821[0] : f32 from vector<1xf32>
      %get3A_1823 = arith.constant 3632 : index
      %get3A_1824 = tpu.vector_load %arg5[%get3A_1823] {strides = array<i32>} : memref<4096xf32, #tpu.memory_space<vmem>>, vector<16xf32>,
      %mul3A_1825 = vector.broadcast %squeeze3A_1822 : f32 to vector<16xf32>
      %mul3A_1826 = arith.mulf %mul3A_1825, %get3A_1824 : vector<16xf32>
      %add3A_1827 = arith.addf %add3A_1820, %mul3A_1826 : vector<16xf32>
      %slice3A_1828 = vector.extract_strided_slice %get3A_1799 {offsets = [4], sizes = [1], strides = [1]} : vector<16xf32> to vector<1xf32>
      %squeeze3A_1829 = vector.extract %slice3A_1828[0] : f32 from vector<1xf32>
      %get3A_1830 = arith.constant 3648 : index
      %get3A_1831 = tpu.vector_load %arg5[%get3A_1830] {strides = array<i32>} : memref<4096xf32, #tpu.memory_space<vmem>>, vector<16xf32>,
      %mul3A_1832 = vector.broadcast %squeeze3A_1829 : f32 to vector<16xf32>
      %mul3A_1833 = arith.mulf %mul3A_1832, %get3A_1831 : vector<16xf32>
      %add3A_1834 = arith.addf %add3A_1827, %mul3A_1833 : vector<16xf32>
      %slice3A_1835 = vector.extract_strided_slice %get3A_1799 {offsets = [5], sizes = [1], strides = [1]} : vector<16xf32> to vector<1xf32>
      %squeeze3A_1836 = vector.extract %slice3A_1835[0] : f32 from vector<1xf32>
      %get3A_1837 = arith.constant 3664 : index
      %get3A_1838 = tpu.vector_load %arg5[%get3A_1837] {strides = array<i32>} : memref<4096xf32, #tpu.memory_space<vmem>>, vector<16xf32>,
      %mul3A_1839 = vector.broadcast %squeeze3A_1836 : f32 to vector<16xf32>
      %mul3A_1840 = arith.mulf %mul3A_1839, %get3A_1838 : vector<16xf32>
      %add3A_1841 = arith.addf %add3A_1834, %mul3A_1840 : vector<16xf32>
      %slice3A_1842 = vector.extract_strided_slice %get3A_1799 {offsets = [6], sizes = [1], strides = [1]} : vector<16xf32> to vector<1xf32>
      %squeeze3A_1843 = vector.extract %slice3A_1842[0] : f32 from vector<1xf32>
      %get3A_1844 = arith.constant 3680 : index
      %get3A_1845 = tpu.vector_load %arg5[%get3A_1844] {strides = array<i32>} : memref<4096xf32, #tpu.memory_space<vmem>>, vector<16xf32>,
      %mul3A_1846 = vector.broadcast %squeeze3A_1843 : f32 to vector<16xf32>
      %mul3A_1847 = arith.mulf %mul3A_1846, %get3A_1845 : vector<16xf32>
      %add3A_1848 = arith.addf %add3A_1841, %mul3A_1847 : vector<16xf32>
      %slice3A_1849 = vector.extract_strided_slice %get3A_1799 {offsets = [7], sizes = [1], strides = [1]} : vector<16xf32> to vector<1xf32>
      %squeeze3A_1850 = vector.extract %slice3A_1849[0] : f32 from vector<1xf32>
      %get3A_1851 = arith.constant 3696 : index
      %get3A_1852 = tpu.vector_load %arg5[%get3A_1851] {strides = array<i32>} : memref<4096xf32, #tpu.memory_space<vmem>>, vector<16xf32>,
      %mul3A_1853 = vector.broadcast %squeeze3A_1850 : f32 to vector<16xf32>
      %mul3A_1854 = arith.mulf %mul3A_1853, %get3A_1852 : vector<16xf32>
      %add3A_1855 = arith.addf %add3A_1848, %mul3A_1854 : vector<16xf32>
      %slice3A_1856 = vector.extract_strided_slice %get3A_1799 {offsets = [8], sizes = [1], strides = [1]} : vector<16xf32> to vector<1xf32>
      %squeeze3A_1857 = vector.extract %slice3A_1856[0] : f32 from vector<1xf32>
      %get3A_1858 = arith.constant 3712 : index
      %get3A_1859 = tpu.vector_load %arg5[%get3A_1858] {strides = array<i32>} : memref<4096xf32, #tpu.memory_space<vmem>>, vector<16xf32>,
      %mul3A_1860 = vector.broadcast %squeeze3A_1857 : f32 to vector<16xf32>
      %mul3A_1861 = arith.mulf %mul3A_1860, %get3A_1859 : vector<16xf32>
      %add3A_1862 = arith.addf %add3A_1855, %mul3A_1861 : vector<16xf32>
      %slice3A_1863 = vector.extract_strided_slice %get3A_1799 {offsets = [9], sizes = [1], strides = [1]} : vector<16xf32> to vector<1xf32>
      %squeeze3A_1864 = vector.extract %slice3A_1863[0] : f32 from vector<1xf32>
      %get3A_1865 = arith.constant 3728 : index
      %get3A_1866 = tpu.vector_load %arg5[%get3A_1865] {strides = array<i32>} : memref<4096xf32, #tpu.memory_space<vmem>>, vector<16xf32>,
      %mul3A_1867 = vector.broadcast %squeeze3A_1864 : f32 to vector<16xf32>
      %mul3A_1868 = arith.mulf %mul3A_1867, %get3A_1866 : vector<16xf32>
      %add3A_1869 = arith.addf %add3A_1862, %mul3A_1868 : vector<16xf32>
      %slice3A_1870 = vector.extract_strided_slice %get3A_1799 {offsets = [10], sizes = [1], strides = [1]} : vector<16xf32> to vector<1xf32>
      %squeeze3A_1871 = vector.extract %slice3A_1870[0] : f32 from vector<1xf32>
      %get3A_1872 = arith.constant 3744 : index
      %get3A_1873 = tpu.vector_load %arg5[%get3A_1872] {strides = array<i32>} : memref<4096xf32, #tpu.memory_space<vmem>>, vector<16xf32>,
      %mul3A_1874 = vector.broadcast %squeeze3A_1871 : f32 to vector<16xf32>
      %mul3A_1875 = arith.mulf %mul3A_1874, %get3A_1873 : vector<16xf32>
      %add3A_1876 = arith.addf %add3A_1869, %mul3A_1875 : vector<16xf32>
      %slice3A_1877 = vector.extract_strided_slice %get3A_1799 {offsets = [11], sizes = [1], strides = [1]} : vector<16xf32> to vector<1xf32>
      %squeeze3A_1878 = vector.extract %slice3A_1877[0] : f32 from vector<1xf32>
      %get3A_1879 = arith.constant 3760 : index
      %get3A_1880 = tpu.vector_load %arg5[%get3A_1879] {strides = array<i32>} : memref<4096xf32, #tpu.memory_space<vmem>>, vector<16xf32>,
      %mul3A_1881 = vector.broadcast %squeeze3A_1878 : f32 to vector<16xf32>
      %mul3A_1882 = arith.mulf %mul3A_1881, %get3A_1880 : vector<16xf32>
      %add3A_1883 = arith.addf %add3A_1876, %mul3A_1882 : vector<16xf32>
      %slice3A_1884 = vector.extract_strided_slice %get3A_1799 {offsets = [12], sizes = [1], strides = [1]} : vector<16xf32> to vector<1xf32>
      %squeeze3A_1885 = vector.extract %slice3A_1884[0] : f32 from vector<1xf32>
      %get3A_1886 = arith.constant 3776 : index
      %get3A_1887 = tpu.vector_load %arg5[%get3A_1886] {strides = array<i32>} : memref<4096xf32, #tpu.memory_space<vmem>>, vector<16xf32>,
      %mul3A_1888 = vector.broadcast %squeeze3A_1885 : f32 to vector<16xf32>
      %mul3A_1889 = arith.mulf %mul3A_1888, %get3A_1887 : vector<16xf32>
      %add3A_1890 = arith.addf %add3A_1883, %mul3A_1889 : vector<16xf32>
      %slice3A_1891 = vector.extract_strided_slice %get3A_1799 {offsets = [13], sizes = [1], strides = [1]} : vector<16xf32> to vector<1xf32>
      %squeeze3A_1892 = vector.extract %slice3A_1891[0] : f32 from vector<1xf32>
      %get3A_1893 = arith.constant 3792 : index
      %get3A_1894 = tpu.vector_load %arg5[%get3A_1893] {strides = array<i32>} : memref<4096xf32, #tpu.memory_space<vmem>>, vector<16xf32>,
      %mul3A_1895 = vector.broadcast %squeeze3A_1892 : f32 to vector<16xf32>
      %mul3A_1896 = arith.mulf %mul3A_1895, %get3A_1894 : vector<16xf32>
      %add3A_1897 = arith.addf %add3A_1890, %mul3A_1896 : vector<16xf32>
      %slice3A_1898 = vector.extract_strided_slice %get3A_1799 {offsets = [14], sizes = [1], strides = [1]} : vector<16xf32> to vector<1xf32>
      %squeeze3A_1899 = vector.extract %slice3A_1898[0] : f32 from vector<1xf32>
      %get3A_1900 = arith.constant 3808 : index
      %get3A_1901 = tpu.vector_load %arg5[%get3A_1900] {strides = array<i32>} : memref<4096xf32, #tpu.memory_space<vmem>>, vector<16xf32>,
      %mul3A_1902 = vector.broadcast %squeeze3A_1899 : f32 to vector<16xf32>
      %mul3A_1903 = arith.mulf %mul3A_1902, %get3A_1901 : vector<16xf32>
      %add3A_1904 = arith.addf %add3A_1897, %mul3A_1903 : vector<16xf32>
      %slice3A_1905 = vector.extract_strided_slice %get3A_1799 {offsets = [15], sizes = [1], strides = [1]} : vector<16xf32> to vector<1xf32>
      %squeeze3A_1906 = vector.extract %slice3A_1905[0] : f32 from vector<1xf32>
      %get3A_1907 = arith.constant 3824 : index
      %get3A_1908 = tpu.vector_load %arg5[%get3A_1907] {strides = array<i32>} : memref<4096xf32, #tpu.memory_space<vmem>>, vector<16xf32>,
      %mul3A_1909 = vector.broadcast %squeeze3A_1906 : f32 to vector<16xf32>
      %mul3A_1910 = arith.mulf %mul3A_1909, %get3A_1908 : vector<16xf32>
      %add3A_1911 = arith.addf %add3A_1904, %mul3A_1910 : vector<16xf32>
      %get3A_1912 = arith.constant 240 : index
      %get3A_1913 = tpu.vector_load %arg6[%get3A_1912] {strides = array<i32>} : memref<256xf32, #tpu.memory_space<vmem>>, vector<16xf32>,
      %slice3A_1914 = vector.extract_strided_slice %get3A_1913 {offsets = [0], sizes = [1], strides = [1]} : vector<16xf32> to vector<1xf32>
      %squeeze3A_1915 = vector.extract %slice3A_1914[0] : f32 from vector<1xf32>
      %get3A_1916 = arith.constant 3840 : index
      %get3A_1917 = tpu.vector_load %arg5[%get3A_1916] {strides = array<i32>} : memref<4096xf32, #tpu.memory_space<vmem>>, vector<16xf32>,
      %mul3A_1918 = vector.broadcast %squeeze3A_1915 : f32 to vector<16xf32>
      %mul3A_1919 = arith.mulf %mul3A_1918, %get3A_1917 : vector<16xf32>
      %add3A_1920 = arith.addf %add3A_1911, %mul3A_1919 : vector<16xf32>
      %slice3A_1921 = vector.extract_strided_slice %get3A_1913 {offsets = [1], sizes = [1], strides = [1]} : vector<16xf32> to vector<1xf32>
      %squeeze3A_1922 = vector.extract %slice3A_1921[0] : f32 from vector<1xf32>
      %get3A_1923 = arith.constant 3856 : index
      %get3A_1924 = tpu.vector_load %arg5[%get3A_1923] {strides = array<i32>} : memref<4096xf32, #tpu.memory_space<vmem>>, vector<16xf32>,
      %mul3A_1925 = vector.broadcast %squeeze3A_1922 : f32 to vector<16xf32>
      %mul3A_1926 = arith.mulf %mul3A_1925, %get3A_1924 : vector<16xf32>
      %add3A_1927 = arith.addf %add3A_1920, %mul3A_1926 : vector<16xf32>
      %slice3A_1928 = vector.extract_strided_slice %get3A_1913 {offsets = [2], sizes = [1], strides = [1]} : vector<16xf32> to vector<1xf32>
      %squeeze3A_1929 = vector.extract %slice3A_1928[0] : f32 from vector<1xf32>
      %get3A_1930 = arith.constant 3872 : index
      %get3A_1931 = tpu.vector_load %arg5[%get3A_1930] {strides = array<i32>} : memref<4096xf32, #tpu.memory_space<vmem>>, vector<16xf32>,
      %mul3A_1932 = vector.broadcast %squeeze3A_1929 : f32 to vector<16xf32>
      %mul3A_1933 = arith.mulf %mul3A_1932, %get3A_1931 : vector<16xf32>
      %add3A_1934 = arith.addf %add3A_1927, %mul3A_1933 : vector<16xf32>
      %slice3A_1935 = vector.extract_strided_slice %get3A_1913 {offsets = [3], sizes = [1], strides = [1]} : vector<16xf32> to vector<1xf32>
      %squeeze3A_1936 = vector.extract %slice3A_1935[0] : f32 from vector<1xf32>
      %get3A_1937 = arith.constant 3888 : index
      %get3A_1938 = tpu.vector_load %arg5[%get3A_1937] {strides = array<i32>} : memref<4096xf32, #tpu.memory_space<vmem>>, vector<16xf32>,
      %mul3A_1939 = vector.broadcast %squeeze3A_1936 : f32 to vector<16xf32>
      %mul3A_1940 = arith.mulf %mul3A_1939, %get3A_1938 : vector<16xf32>
      %add3A_1941 = arith.addf %add3A_1934, %mul3A_1940 : vector<16xf32>
      %slice3A_1942 = vector.extract_strided_slice %get3A_1913 {offsets = [4], sizes = [1], strides = [1]} : vector<16xf32> to vector<1xf32>
      %squeeze3A_1943 = vector.extract %slice3A_1942[0] : f32 from vector<1xf32>
      %get3A_1944 = arith.constant 3904 : index
      %get3A_1945 = tpu.vector_load %arg5[%get3A_1944] {strides = array<i32>} : memref<4096xf32, #tpu.memory_space<vmem>>, vector<16xf32>,
      %mul3A_1946 = vector.broadcast %squeeze3A_1943 : f32 to vector<16xf32>
      %mul3A_1947 = arith.mulf %mul3A_1946, %get3A_1945 : vector<16xf32>
      %add3A_1948 = arith.addf %add3A_1941, %mul3A_1947 : vector<16xf32>
      %slice3A_1949 = vector.extract_strided_slice %get3A_1913 {offsets = [5], sizes = [1], strides = [1]} : vector<16xf32> to vector<1xf32>
      %squeeze3A_1950 = vector.extract %slice3A_1949[0] : f32 from vector<1xf32>
      %get3A_1951 = arith.constant 3920 : index
      %get3A_1952 = tpu.vector_load %arg5[%get3A_1951] {strides = array<i32>} : memref<4096xf32, #tpu.memory_space<vmem>>, vector<16xf32>,
      %mul3A_1953 = vector.broadcast %squeeze3A_1950 : f32 to vector<16xf32>
      %mul3A_1954 = arith.mulf %mul3A_1953, %get3A_1952 : vector<16xf32>
      %add3A_1955 = arith.addf %add3A_1948, %mul3A_1954 : vector<16xf32>
      %slice3A_1956 = vector.extract_strided_slice %get3A_1913 {offsets = [6], sizes = [1], strides = [1]} : vector<16xf32> to vector<1xf32>
      %squeeze3A_1957 = vector.extract %slice3A_1956[0] : f32 from vector<1xf32>
      %get3A_1958 = arith.constant 3936 : index
      %get3A_1959 = tpu.vector_load %arg5[%get3A_1958] {strides = array<i32>} : memref<4096xf32, #tpu.memory_space<vmem>>, vector<16xf32>,
      %mul3A_1960 = vector.broadcast %squeeze3A_1957 : f32 to vector<16xf32>
      %mul3A_1961 = arith.mulf %mul3A_1960, %get3A_1959 : vector<16xf32>
      %add3A_1962 = arith.addf %add3A_1955, %mul3A_1961 : vector<16xf32>
      %slice3A_1963 = vector.extract_strided_slice %get3A_1913 {offsets = [7], sizes = [1], strides = [1]} : vector<16xf32> to vector<1xf32>
      %squeeze3A_1964 = vector.extract %slice3A_1963[0] : f32 from vector<1xf32>
      %get3A_1965 = arith.constant 3952 : index
      %get3A_1966 = tpu.vector_load %arg5[%get3A_1965] {strides = array<i32>} : memref<4096xf32, #tpu.memory_space<vmem>>, vector<16xf32>,
      %mul3A_1967 = vector.broadcast %squeeze3A_1964 : f32 to vector<16xf32>
      %mul3A_1968 = arith.mulf %mul3A_1967, %get3A_1966 : vector<16xf32>
      %add3A_1969 = arith.addf %add3A_1962, %mul3A_1968 : vector<16xf32>
      %slice3A_1970 = vector.extract_strided_slice %get3A_1913 {offsets = [8], sizes = [1], strides = [1]} : vector<16xf32> to vector<1xf32>
      %squeeze3A_1971 = vector.extract %slice3A_1970[0] : f32 from vector<1xf32>
      %get3A_1972 = arith.constant 3968 : index
      %get3A_1973 = tpu.vector_load %arg5[%get3A_1972] {strides = array<i32>} : memref<4096xf32, #tpu.memory_space<vmem>>, vector<16xf32>,
      %mul3A_1974 = vector.broadcast %squeeze3A_1971 : f32 to vector<16xf32>
      %mul3A_1975 = arith.mulf %mul3A_1974, %get3A_1973 : vector<16xf32>
      %add3A_1976 = arith.addf %add3A_1969, %mul3A_1975 : vector<16xf32>
      %slice3A_1977 = vector.extract_strided_slice %get3A_1913 {offsets = [9], sizes = [1], strides = [1]} : vector<16xf32> to vector<1xf32>
      %squeeze3A_1978 = vector.extract %slice3A_1977[0] : f32 from vector<1xf32>
      %get3A_1979 = arith.constant 3984 : index
      %get3A_1980 = tpu.vector_load %arg5[%get3A_1979] {strides = array<i32>} : memref<4096xf32, #tpu.memory_space<vmem>>, vector<16xf32>,
      %mul3A_1981 = vector.broadcast %squeeze3A_1978 : f32 to vector<16xf32>
      %mul3A_1982 = arith.mulf %mul3A_1981, %get3A_1980 : vector<16xf32>
      %add3A_1983 = arith.addf %add3A_1976, %mul3A_1982 : vector<16xf32>
      %slice3A_1984 = vector.extract_strided_slice %get3A_1913 {offsets = [10], sizes = [1], strides = [1]} : vector<16xf32> to vector<1xf32>
      %squeeze3A_1985 = vector.extract %slice3A_1984[0] : f32 from vector<1xf32>
      %get3A_1986 = arith.constant 4000 : index
      %get3A_1987 = tpu.vector_load %arg5[%get3A_1986] {strides = array<i32>} : memref<4096xf32, #tpu.memory_space<vmem>>, vector<16xf32>,
      %mul3A_1988 = vector.broadcast %squeeze3A_1985 : f32 to vector<16xf32>
      %mul3A_1989 = arith.mulf %mul3A_1988, %get3A_1987 : vector<16xf32>
      %add3A_1990 = arith.addf %add3A_1983, %mul3A_1989 : vector<16xf32>
      %slice3A_1991 = vector.extract_strided_slice %get3A_1913 {offsets = [11], sizes = [1], strides = [1]} : vector<16xf32> to vector<1xf32>
      %squeeze3A_1992 = vector.extract %slice3A_1991[0] : f32 from vector<1xf32>
      %get3A_1993 = arith.constant 4016 : index
      %get3A_1994 = tpu.vector_load %arg5[%get3A_1993] {strides = array<i32>} : memref<4096xf32, #tpu.memory_space<vmem>>, vector<16xf32>,
      %mul3A_1995 = vector.broadcast %squeeze3A_1992 : f32 to vector<16xf32>
      %mul3A_1996 = arith.mulf %mul3A_1995, %get3A_1994 : vector<16xf32>
      %add3A_1997 = arith.addf %add3A_1990, %mul3A_1996 : vector<16xf32>
      %slice3A_1998 = vector.extract_strided_slice %get3A_1913 {offsets = [12], sizes = [1], strides = [1]} : vector<16xf32> to vector<1xf32>
      %squeeze3A_1999 = vector.extract %slice3A_1998[0] : f32 from vector<1xf32>
      %get3A_2000 = arith.constant 4032 : index
      %get3A_2001 = tpu.vector_load %arg5[%get3A_2000] {strides = array<i32>} : memref<4096xf32, #tpu.memory_space<vmem>>, vector<16xf32>,
      %mul3A_2002 = vector.broadcast %squeeze3A_1999 : f32 to vector<16xf32>
      %mul3A_2003 = arith.mulf %mul3A_2002, %get3A_2001 : vector<16xf32>
      %add3A_2004 = arith.addf %add3A_1997, %mul3A_2003 : vector<16xf32>
      %slice3A_2005 = vector.extract_strided_slice %get3A_1913 {offsets = [13], sizes = [1], strides = [1]} : vector<16xf32> to vector<1xf32>
      %squeeze3A_2006 = vector.extract %slice3A_2005[0] : f32 from vector<1xf32>
      %get3A_2007 = arith.constant 4048 : index
      %get3A_2008 = tpu.vector_load %arg5[%get3A_2007] {strides = array<i32>} : memref<4096xf32, #tpu.memory_space<vmem>>, vector<16xf32>,
      %mul3A_2009 = vector.broadcast %squeeze3A_2006 : f32 to vector<16xf32>
      %mul3A_2010 = arith.mulf %mul3A_2009, %get3A_2008 : vector<16xf32>
      %add3A_2011 = arith.addf %add3A_2004, %mul3A_2010 : vector<16xf32>
      %slice3A_2012 = vector.extract_strided_slice %get3A_1913 {offsets = [14], sizes = [1], strides = [1]} : vector<16xf32> to vector<1xf32>
      %squeeze3A_2013 = vector.extract %slice3A_2012[0] : f32 from vector<1xf32>
      %get3A_2014 = arith.constant 4064 : index
      %get3A_2015 = tpu.vector_load %arg5[%get3A_2014] {strides = array<i32>} : memref<4096xf32, #tpu.memory_space<vmem>>, vector<16xf32>,
      %mul3A_2016 = vector.broadcast %squeeze3A_2013 : f32 to vector<16xf32>
      %mul3A_2017 = arith.mulf %mul3A_2016, %get3A_2015 : vector<16xf32>
      %add3A_2018 = arith.addf %add3A_2011, %mul3A_2017 : vector<16xf32>
      %slice3A_2019 = vector.extract_strided_slice %get3A_1913 {offsets = [15], sizes = [1], strides = [1]} : vector<16xf32> to vector<1xf32>
      %squeeze3A_2020 = vector.extract %slice3A_2019[0] : f32 from vector<1xf32>
      %get3A_2021 = arith.constant 4080 : index
      %get3A_2022 = tpu.vector_load %arg5[%get3A_2021] {strides = array<i32>} : memref<4096xf32, #tpu.memory_space<vmem>>, vector<16xf32>,
      %mul3A_2023 = vector.broadcast %squeeze3A_2020 : f32 to vector<16xf32>
      %mul3A_2024 = arith.mulf %mul3A_2023, %get3A_2022 : vector<16xf32>
      %add3A_2025 = arith.addf %add3A_2018, %mul3A_2024 : vector<16xf32>
      %swap3A_2026 = arith.constant 0 : index
      %swap3A_2027 = tpu.vector_load %arg7[%swap3A_2026] {strides = array<i32>} : memref<16xf32, #tpu.memory_space<vmem>>, vector<16xf32>,
      tpu.vector_store %arg7[%swap3A_2026], %add3A_2025 {strides = array<i32>} : memref<16xf32, #tpu.memory_space<vmem>>, vector<16xf32>,
      %mul3A_2028 = arith.constant 112 : i32
      %mul3A_2029 = arith.muli %select_n3A_181, %mul3A_2028 : i32
      %mul3A_2030 = arith.constant 16 : i32
      %mul3A_2031 = arith.muli %select_n3A, %mul3A_2030 : i32
      %add3A_2032 = arith.addi %mul3A_2029, %mul3A_2031 : i32
      "tpu.region"() ({
        %run_scoped3A = tpu.sem_alloc : memref<!tpu.dma_semaphore, #tpu.memory_space<semaphore_mem>>
        %dma_start3A_2033 = tpu.memref_slice %arg14[%add3A_2032] : memref<224xf32, #tpu.memory_space<vmem_shared>> -> memref<16xf32, #tpu.memory_space<vmem_shared>>
        %dma_start3A_2034 = tpu.memref_slice %arg14[%add3A_2032] : memref<224xf32, #tpu.memory_space<vmem_shared>> -> memref<16xf32, #tpu.memory_space<vmem_shared>>
        tpu.enqueue_dma source(%arg7 : memref<16xf32, #tpu.memory_space<vmem>>) target(%dma_start3A_2034 : memref<16xf32, #tpu.memory_space<vmem_shared>>) target_semaphore(%run_scoped3A : memref<!tpu.dma_semaphore, #tpu.memory_space<semaphore_mem>>)
        %dma_wait3A_2035 = tpu.memref_slice %arg14[%add3A_2032] : memref<224xf32, #tpu.memory_space<vmem_shared>> -> memref<16xf32, #tpu.memory_space<vmem_shared>>
        %dma_wait3A_2036 = tpu.memref_slice %arg14[%add3A_2032] : memref<224xf32, #tpu.memory_space<vmem_shared>> -> memref<16xf32, #tpu.memory_space<vmem_shared>>
        tpu.wait_dma2 semaphore(%run_scoped3A : memref<!tpu.dma_semaphore, #tpu.memory_space<semaphore_mem>>) src(%arg7 : memref<16xf32, #tpu.memory_space<vmem>>) dst(%dma_wait3A_2036 : memref<16xf32, #tpu.memory_space<vmem_shared>>)
        tpu.yield
      }) : () -> ()
    } else {
    }
    %barrier3A = arith.constant 0 : index
    tpu.barrier barrier_id(%barrier3A)
    "tpu.region"() ({
      %run_scoped3A = tpu.sem_alloc : memref<!tpu.dma_semaphore, #tpu.memory_space<semaphore_mem>>
      tpu.enqueue_dma source(%arg14 : memref<224xf32, #tpu.memory_space<vmem_shared>>) target(%arg8 : memref<224xf32, #tpu.memory_space<vmem>>) target_semaphore(%run_scoped3A : memref<!tpu.dma_semaphore, #tpu.memory_space<semaphore_mem>>)
      tpu.wait_dma2 semaphore(%run_scoped3A : memref<!tpu.dma_semaphore, #tpu.memory_space<semaphore_mem>>) src(%arg14 : memref<224xf32, #tpu.memory_space<vmem_shared>>) dst(%arg8 : memref<224xf32, #tpu.memory_space<vmem>>)
      tpu.yield
    }) : () -> ()
    %get3A = arith.constant 0 : index
    %get3A_53 = tpu.vector_load %arg8[%get3A] {strides = array<i32>} : memref<224xf32, #tpu.memory_space<vmem>>, vector<16xf32>,
    %get3A_54 = arith.constant 112 : index
    %get3A_55 = tpu.vector_load %arg8[%get3A_54] {strides = array<i32>} : memref<224xf32, #tpu.memory_space<vmem>>, vector<16xf32>,
    %add3A_56 = arith.addf %get3A_53, %get3A_55 : vector<16xf32>
    %swap3A = arith.constant 0 : index
    %swap3A_57 = tpu.vector_load %arg9[%swap3A] {strides = array<i32>} : memref<112xf32, #tpu.memory_space<vmem>>, vector<16xf32>,
    tpu.vector_store %arg9[%swap3A], %add3A_56 {strides = array<i32>} : memref<112xf32, #tpu.memory_space<vmem>>, vector<16xf32>,
    %get3A_58 = arith.constant 16 : index
    %get3A_59 = tpu.vector_load %arg8[%get3A_58] {strides = array<i32>} : memref<224xf32, #tpu.memory_space<vmem>>, vector<16xf32>,
    %get3A_60 = arith.constant 128 : index
    %get3A_61 = tpu.vector_load %arg8[%get3A_60] {strides = array<i32>} : memref<224xf32, #tpu.memory_space<vmem>>, vector<16xf32>,
    %add3A_62 = arith.addf %get3A_59, %get3A_61 : vector<16xf32>
    %swap3A_63 = arith.constant 16 : index
    %swap3A_64 = tpu.vector_load %arg9[%swap3A_63] {strides = array<i32>} : memref<112xf32, #tpu.memory_space<vmem>>, vector<16xf32>,
    tpu.vector_store %arg9[%swap3A_63], %add3A_62 {strides = array<i32>} : memref<112xf32, #tpu.memory_space<vmem>>, vector<16xf32>,
    %get3A_65 = arith.constant 32 : index
    %get3A_66 = tpu.vector_load %arg8[%get3A_65] {strides = array<i32>} : memref<224xf32, #tpu.memory_space<vmem>>, vector<16xf32>,
    %get3A_67 = arith.constant 144 : index
    %get3A_68 = tpu.vector_load %arg8[%get3A_67] {strides = array<i32>} : memref<224xf32, #tpu.memory_space<vmem>>, vector<16xf32>,
    %add3A_69 = arith.addf %get3A_66, %get3A_68 : vector<16xf32>
    %swap3A_70 = arith.constant 32 : index
    %swap3A_71 = tpu.vector_load %arg9[%swap3A_70] {strides = array<i32>} : memref<112xf32, #tpu.memory_space<vmem>>, vector<16xf32>,
    tpu.vector_store %arg9[%swap3A_70], %add3A_69 {strides = array<i32>} : memref<112xf32, #tpu.memory_space<vmem>>, vector<16xf32>,
    %get3A_72 = arith.constant 48 : index
    %get3A_73 = tpu.vector_load %arg8[%get3A_72] {strides = array<i32>} : memref<224xf32, #tpu.memory_space<vmem>>, vector<16xf32>,
    %get3A_74 = arith.constant 160 : index
    %get3A_75 = tpu.vector_load %arg8[%get3A_74] {strides = array<i32>} : memref<224xf32, #tpu.memory_space<vmem>>, vector<16xf32>,
    %add3A_76 = arith.addf %get3A_73, %get3A_75 : vector<16xf32>
    %swap3A_77 = arith.constant 48 : index
    %swap3A_78 = tpu.vector_load %arg9[%swap3A_77] {strides = array<i32>} : memref<112xf32, #tpu.memory_space<vmem>>, vector<16xf32>,
    tpu.vector_store %arg9[%swap3A_77], %add3A_76 {strides = array<i32>} : memref<112xf32, #tpu.memory_space<vmem>>, vector<16xf32>,
    %get3A_79 = arith.constant 64 : index
    %get3A_80 = tpu.vector_load %arg8[%get3A_79] {strides = array<i32>} : memref<224xf32, #tpu.memory_space<vmem>>, vector<16xf32>,
    %get3A_81 = arith.constant 176 : index
    %get3A_82 = tpu.vector_load %arg8[%get3A_81] {strides = array<i32>} : memref<224xf32, #tpu.memory_space<vmem>>, vector<16xf32>,
    %add3A_83 = arith.addf %get3A_80, %get3A_82 : vector<16xf32>
    %swap3A_84 = arith.constant 64 : index
    %swap3A_85 = tpu.vector_load %arg9[%swap3A_84] {strides = array<i32>} : memref<112xf32, #tpu.memory_space<vmem>>, vector<16xf32>,
    tpu.vector_store %arg9[%swap3A_84], %add3A_83 {strides = array<i32>} : memref<112xf32, #tpu.memory_space<vmem>>, vector<16xf32>,
    %get3A_86 = arith.constant 80 : index
    %get3A_87 = tpu.vector_load %arg8[%get3A_86] {strides = array<i32>} : memref<224xf32, #tpu.memory_space<vmem>>, vector<16xf32>,
    %get3A_88 = arith.constant 192 : index
    %get3A_89 = tpu.vector_load %arg8[%get3A_88] {strides = array<i32>} : memref<224xf32, #tpu.memory_space<vmem>>, vector<16xf32>,
    %add3A_90 = arith.addf %get3A_87, %get3A_89 : vector<16xf32>
    %swap3A_91 = arith.constant 80 : index
    %swap3A_92 = tpu.vector_load %arg9[%swap3A_91] {strides = array<i32>} : memref<112xf32, #tpu.memory_space<vmem>>, vector<16xf32>,
    tpu.vector_store %arg9[%swap3A_91], %add3A_90 {strides = array<i32>} : memref<112xf32, #tpu.memory_space<vmem>>, vector<16xf32>,
    %get3A_93 = arith.constant 96 : index
    %get3A_94 = tpu.vector_load %arg8[%get3A_93] {strides = array<i32>} : memref<224xf32, #tpu.memory_space<vmem>>, vector<16xf32>,
    %get3A_95 = arith.constant 208 : index
    %get3A_96 = tpu.vector_load %arg8[%get3A_95] {strides = array<i32>} : memref<224xf32, #tpu.memory_space<vmem>>, vector<16xf32>,
    %add3A_97 = arith.addf %get3A_94, %get3A_96 : vector<16xf32>
    %swap3A_98 = arith.constant 96 : index
    %swap3A_99 = tpu.vector_load %arg9[%swap3A_98] {strides = array<i32>} : memref<112xf32, #tpu.memory_space<vmem>>, vector<16xf32>,
    tpu.vector_store %arg9[%swap3A_98], %add3A_97 {strides = array<i32>} : memref<112xf32, #tpu.memory_space<vmem>>, vector<16xf32>,
    %dma_wait3A = arith.constant 0 : i32
    %dma_wait3A_100 = tpu.memref_slice %arg4[%dma_wait3A] : memref<5120xf32, #tpu.memory_space<vmem>> -> memref<1024xf32, #tpu.memory_space<vmem>>
    %dma_wait3A_101 = tpu.memref_slice %arg2[%add3A_1] : memref<139792xf32, #tpu.memory_space<hbm>> -> memref<1024xf32, #tpu.memory_space<hbm>>
    %dma_wait3A_102 = arith.constant 0 : i32
    %dma_wait3A_103 = tpu.memref_slice %arg4[%dma_wait3A_102] : memref<5120xf32, #tpu.memory_space<vmem>> -> memref<1024xf32, #tpu.memory_space<vmem>>
    %dma_wait3A_104 = tpu.memref_slice %arg2[%add3A_1] : memref<139792xf32, #tpu.memory_space<hbm>> -> memref<1024xf32, #tpu.memory_space<hbm>>
    tpu.wait_dma2 semaphore(%arg16 : memref<!tpu.dma_semaphore, #tpu.memory_space<semaphore_mem>>) src(%dma_wait3A_104 : memref<1024xf32, #tpu.memory_space<hbm>>) dst(%dma_wait3A_103 : memref<1024xf32, #tpu.memory_space<vmem>>)
    %dma_wait3A_105 = arith.constant 1024 : i32
    %dma_wait3A_106 = tpu.memref_slice %arg4[%dma_wait3A_105] : memref<5120xf32, #tpu.memory_space<vmem>> -> memref<1024xf32, #tpu.memory_space<vmem>>
    %dma_wait3A_107 = tpu.memref_slice %arg2[%add3A_10] : memref<139792xf32, #tpu.memory_space<hbm>> -> memref<1024xf32, #tpu.memory_space<hbm>>
    %dma_wait3A_108 = arith.constant 1024 : i32
    %dma_wait3A_109 = tpu.memref_slice %arg4[%dma_wait3A_108] : memref<5120xf32, #tpu.memory_space<vmem>> -> memref<1024xf32, #tpu.memory_space<vmem>>
    %dma_wait3A_110 = tpu.memref_slice %arg2[%add3A_10] : memref<139792xf32, #tpu.memory_space<hbm>> -> memref<1024xf32, #tpu.memory_space<hbm>>
    tpu.wait_dma2 semaphore(%arg16 : memref<!tpu.dma_semaphore, #tpu.memory_space<semaphore_mem>>) src(%dma_wait3A_110 : memref<1024xf32, #tpu.memory_space<hbm>>) dst(%dma_wait3A_109 : memref<1024xf32, #tpu.memory_space<vmem>>)
    %dma_wait3A_111 = arith.constant 2048 : i32
    %dma_wait3A_112 = tpu.memref_slice %arg4[%dma_wait3A_111] : memref<5120xf32, #tpu.memory_space<vmem>> -> memref<1024xf32, #tpu.memory_space<vmem>>
    %dma_wait3A_113 = tpu.memref_slice %arg2[%add3A_20] : memref<139792xf32, #tpu.memory_space<hbm>> -> memref<1024xf32, #tpu.memory_space<hbm>>
    %dma_wait3A_114 = arith.constant 2048 : i32
    %dma_wait3A_115 = tpu.memref_slice %arg4[%dma_wait3A_114] : memref<5120xf32, #tpu.memory_space<vmem>> -> memref<1024xf32, #tpu.memory_space<vmem>>
    %dma_wait3A_116 = tpu.memref_slice %arg2[%add3A_20] : memref<139792xf32, #tpu.memory_space<hbm>> -> memref<1024xf32, #tpu.memory_space<hbm>>
    tpu.wait_dma2 semaphore(%arg16 : memref<!tpu.dma_semaphore, #tpu.memory_space<semaphore_mem>>) src(%dma_wait3A_116 : memref<1024xf32, #tpu.memory_space<hbm>>) dst(%dma_wait3A_115 : memref<1024xf32, #tpu.memory_space<vmem>>)
    %dma_wait3A_117 = arith.constant 3072 : i32
    %dma_wait3A_118 = tpu.memref_slice %arg4[%dma_wait3A_117] : memref<5120xf32, #tpu.memory_space<vmem>> -> memref<1024xf32, #tpu.memory_space<vmem>>
    %dma_wait3A_119 = tpu.memref_slice %arg2[%add3A_30] : memref<139792xf32, #tpu.memory_space<hbm>> -> memref<1024xf32, #tpu.memory_space<hbm>>
    %dma_wait3A_120 = arith.constant 3072 : i32
    %dma_wait3A_121 = tpu.memref_slice %arg4[%dma_wait3A_120] : memref<5120xf32, #tpu.memory_space<vmem>> -> memref<1024xf32, #tpu.memory_space<vmem>>
    %dma_wait3A_122 = tpu.memref_slice %arg2[%add3A_30] : memref<139792xf32, #tpu.memory_space<hbm>> -> memref<1024xf32, #tpu.memory_space<hbm>>
    tpu.wait_dma2 semaphore(%arg16 : memref<!tpu.dma_semaphore, #tpu.memory_space<semaphore_mem>>) src(%dma_wait3A_122 : memref<1024xf32, #tpu.memory_space<hbm>>) dst(%dma_wait3A_121 : memref<1024xf32, #tpu.memory_space<vmem>>)
    %dma_wait3A_123 = arith.constant 4096 : i32
    %dma_wait3A_124 = tpu.memref_slice %arg4[%dma_wait3A_123] : memref<5120xf32, #tpu.memory_space<vmem>> -> memref<1024xf32, #tpu.memory_space<vmem>>
    %dma_wait3A_125 = tpu.memref_slice %arg2[%add3A_40] : memref<139792xf32, #tpu.memory_space<hbm>> -> memref<1024xf32, #tpu.memory_space<hbm>>
    %dma_wait3A_126 = arith.constant 4096 : i32
    %dma_wait3A_127 = tpu.memref_slice %arg4[%dma_wait3A_126] : memref<5120xf32, #tpu.memory_space<vmem>> -> memref<1024xf32, #tpu.memory_space<vmem>>
    %dma_wait3A_128 = tpu.memref_slice %arg2[%add3A_40] : memref<139792xf32, #tpu.memory_space<hbm>> -> memref<1024xf32, #tpu.memory_space<hbm>>
    tpu.wait_dma2 semaphore(%arg16 : memref<!tpu.dma_semaphore, #tpu.memory_space<semaphore_mem>>) src(%dma_wait3A_128 : memref<1024xf32, #tpu.memory_space<hbm>>) dst(%dma_wait3A_127 : memref<1024xf32, #tpu.memory_space<vmem>>)
    %broadcast_in_dim3A = arith.constant 0.000000e+00 : f32
    %broadcast_in_dim3A_129 = vector.broadcast %broadcast_in_dim3A : f32 to vector<16xf32>
    %swap3A_130 = arith.constant 0 : index
    %swap3A_131 = tpu.vector_load %arg10[%swap3A_130] {strides = array<i32>} : memref<16xf32, #tpu.memory_space<vmem>>, vector<16xf32>,
    tpu.vector_store %arg10[%swap3A_130], %broadcast_in_dim3A_129 {strides = array<i32>} : memref<16xf32, #tpu.memory_space<vmem>>, vector<16xf32>,
    %get3A_132 = arith.constant 4096 : index
    %get3A_133 = tpu.vector_load %arg4[%get3A_132] {strides = array<i32>} : memref<5120xf32, #tpu.memory_space<vmem>>, vector<16xf32>,
    %bitcast3A = vector.bitcast %get3A_133 : vector<16xf32> to vector<16xi32>
    %broadcast_in_dim3A_134 = arith.constant 0.000000e+00 : f32
    %broadcast_in_dim3A_135 = vector.broadcast %broadcast_in_dim3A_134 : f32 to vector<16xf32>
    %slice3A = vector.extract_strided_slice %bitcast3A {offsets = [0], sizes = [1], strides = [1]} : vector<16xi32> to vector<1xi32>
    %squeeze3A = vector.extract %slice3A[0] : i32 from vector<1xi32>
    %scan3A = arith.constant 0 : i32
    %scan3A_136 = arith.constant 16 : i32
    %scan3A_137 = arith.addi %scan3A, %scan3A_136 : i32
    %scan3A_138 = arith.constant 1 : i32
    %scan3A_139:2 = scf.for %scan3A_150 = %scan3A to %scan3A_137 step %scan3A_138 iter_args(%scan3A_151 = %broadcast_in_dim3A_135, %scan3A_152 = %squeeze3A) -> (vector<16xf32>, i32)  : i32 {
      %mul3A_153 = arith.constant 64 : i32
      %mul3A_154 = arith.muli %scan3A_150, %mul3A_153 : i32
      %add3A_155 = arith.constant 0 : i32
      %add3A_156 = arith.addi %mul3A_154, %add3A_155 : i32
      %get3A_157 = arith.index_cast %add3A_156 : i32 to index
      %get3A_158 = tpu.vector_load %arg4[%get3A_157] {strides = array<i32>} : memref<5120xf32, #tpu.memory_space<vmem>>, vector<16xf32>,
      %add3A_159 = arith.constant 1024 : i32
      %add3A_160 = arith.addi %add3A_159, %add3A_156 : i32
      %get3A_161 = arith.index_cast %add3A_160 : i32 to index
      %get3A_162 = tpu.vector_load %arg4[%get3A_161] {strides = array<i32>} : memref<5120xf32, #tpu.memory_space<vmem>>, vector<16xf32>,
      %add3A_163 = arith.constant 2048 : i32
      %add3A_164 = arith.addi %add3A_163, %add3A_156 : i32
      %get3A_165 = arith.index_cast %add3A_164 : i32 to index
      %get3A_166 = tpu.vector_load %arg4[%get3A_165] {strides = array<i32>} : memref<5120xf32, #tpu.memory_space<vmem>>, vector<16xf32>,
      %add3A_167 = arith.constant 3072 : i32
      %add3A_168 = arith.addi %add3A_167, %add3A_156 : i32
      %get3A_169 = arith.index_cast %add3A_168 : i32 to index
      %get3A_170 = tpu.vector_load %arg4[%get3A_169] {strides = array<i32>} : memref<5120xf32, #tpu.memory_space<vmem>>, vector<16xf32>,
      %bitcast3A_171 = vector.bitcast %get3A_170 : vector<16xf32> to vector<16xi32>
      %add3A_172 = arith.constant 4096 : i32
      %add3A_173 = arith.addi %add3A_172, %add3A_156 : i32
      %get3A_174 = arith.index_cast %add3A_173 : i32 to index
      %get3A_175 = tpu.vector_load %arg4[%get3A_174] {strides = array<i32>} : memref<5120xf32, #tpu.memory_space<vmem>>, vector<16xf32>,
      %bitcast3A_176 = vector.bitcast %get3A_175 : vector<16xf32> to vector<16xi32>
      %mul3A_177 = arith.mulf %get3A_158, %get3A_158 : vector<16xf32>
      %mul3A_178 = arith.mulf %get3A_162, %get3A_162 : vector<16xf32>
      %add3A_179 = arith.addf %mul3A_177, %mul3A_178 : vector<16xf32>
      %mul3A_180 = arith.mulf %get3A_166, %get3A_166 : vector<16xf32>
      %add3A_181 = arith.addf %add3A_179, %mul3A_180 : vector<16xf32>
      %bitcast3A_182 = vector.bitcast %add3A_181 : vector<16xf32> to vector<16xi32>
      %shift_right_arithmetic3A = arith.constant 1 : i32
      %shift_right_arithmetic3A_183 = vector.broadcast %shift_right_arithmetic3A : i32 to vector<16xi32>
      %shift_right_arithmetic3A_184 = arith.shrsi %bitcast3A_182, %shift_right_arithmetic3A_183 : vector<16xi32>
      %sub3A = arith.constant 1597463007 : i32
      %sub3A_185 = vector.broadcast %sub3A : i32 to vector<16xi32>
      %sub3A_186 = arith.subi %sub3A_185, %shift_right_arithmetic3A_184 : vector<16xi32>
      %bitcast3A_187 = vector.bitcast %sub3A_186 : vector<16xi32> to vector<16xf32>
      %mul3A_188 = arith.constant 5.000000e-01 : f32
      %mul3A_189 = vector.broadcast %mul3A_188 : f32 to vector<16xf32>
      %mul3A_190 = arith.mulf %add3A_181, %mul3A_189 : vector<16xf32>
      %mul3A_191 = arith.mulf %mul3A_190, %bitcast3A_187 : vector<16xf32>
      %mul3A_192 = arith.mulf %mul3A_191, %bitcast3A_187 : vector<16xf32>
      %sub3A_193 = arith.constant 1.500000e+00 : f32
      %sub3A_194 = vector.broadcast %sub3A_193 : f32 to vector<16xf32>
      %sub3A_195 = arith.subf %sub3A_194, %mul3A_192 : vector<16xf32>
      %mul3A_196 = arith.mulf %bitcast3A_187, %sub3A_195 : vector<16xf32>
      %mul3A_197 = arith.mulf %mul3A_190, %mul3A_196 : vector<16xf32>
      %mul3A_198 = arith.mulf %mul3A_197, %mul3A_196 : vector<16xf32>
      %sub3A_199 = arith.constant 1.500000e+00 : f32
      %sub3A_200 = vector.broadcast %sub3A_199 : f32 to vector<16xf32>
      %sub3A_201 = arith.subf %sub3A_200, %mul3A_198 : vector<16xf32>
      %mul3A_202 = arith.mulf %mul3A_196, %sub3A_201 : vector<16xf32>
      %mul3A_203 = arith.mulf %add3A_181, %mul3A_202 : vector<16xf32>
      %gather3A = tpu.vector_load_idx %arg9[%bitcast3A_171] : memref<112xf32, #tpu.memory_space<vmem>>[vector<16xi32>], vector<16xf32>,
      %mul3A_204 = arith.mulf %mul3A_203, %gather3A : vector<16xf32>
      %add3A_205 = arith.constant 16 : i32
      %add3A_206 = arith.addi %mul3A_154, %add3A_205 : i32
      %get3A_207 = arith.index_cast %add3A_206 : i32 to index
      %get3A_208 = tpu.vector_load %arg4[%get3A_207] {strides = array<i32>} : memref<5120xf32, #tpu.memory_space<vmem>>, vector<16xf32>,
      %add3A_209 = arith.constant 1024 : i32
      %add3A_210 = arith.addi %add3A_209, %add3A_206 : i32
      %get3A_211 = arith.index_cast %add3A_210 : i32 to index
      %get3A_212 = tpu.vector_load %arg4[%get3A_211] {strides = array<i32>} : memref<5120xf32, #tpu.memory_space<vmem>>, vector<16xf32>,
      %add3A_213 = arith.constant 2048 : i32
      %add3A_214 = arith.addi %add3A_213, %add3A_206 : i32
      %get3A_215 = arith.index_cast %add3A_214 : i32 to index
      %get3A_216 = tpu.vector_load %arg4[%get3A_215] {strides = array<i32>} : memref<5120xf32, #tpu.memory_space<vmem>>, vector<16xf32>,
      %add3A_217 = arith.constant 3072 : i32
      %add3A_218 = arith.addi %add3A_217, %add3A_206 : i32
      %get3A_219 = arith.index_cast %add3A_218 : i32 to index
      %get3A_220 = tpu.vector_load %arg4[%get3A_219] {strides = array<i32>} : memref<5120xf32, #tpu.memory_space<vmem>>, vector<16xf32>,
      %bitcast3A_221 = vector.bitcast %get3A_220 : vector<16xf32> to vector<16xi32>
      %add3A_222 = arith.constant 4096 : i32
      %add3A_223 = arith.addi %add3A_222, %add3A_206 : i32
      %get3A_224 = arith.index_cast %add3A_223 : i32 to index
      %get3A_225 = tpu.vector_load %arg4[%get3A_224] {strides = array<i32>} : memref<5120xf32, #tpu.memory_space<vmem>>, vector<16xf32>,
      %bitcast3A_226 = vector.bitcast %get3A_225 : vector<16xf32> to vector<16xi32>
      %mul3A_227 = arith.mulf %get3A_208, %get3A_208 : vector<16xf32>
      %mul3A_228 = arith.mulf %get3A_212, %get3A_212 : vector<16xf32>
      %add3A_229 = arith.addf %mul3A_227, %mul3A_228 : vector<16xf32>
      %mul3A_230 = arith.mulf %get3A_216, %get3A_216 : vector<16xf32>
      %add3A_231 = arith.addf %add3A_229, %mul3A_230 : vector<16xf32>
      %bitcast3A_232 = vector.bitcast %add3A_231 : vector<16xf32> to vector<16xi32>
      %shift_right_arithmetic3A_233 = arith.constant 1 : i32
      %shift_right_arithmetic3A_234 = vector.broadcast %shift_right_arithmetic3A_233 : i32 to vector<16xi32>
      %shift_right_arithmetic3A_235 = arith.shrsi %bitcast3A_232, %shift_right_arithmetic3A_234 : vector<16xi32>
      %sub3A_236 = arith.constant 1597463007 : i32
      %sub3A_237 = vector.broadcast %sub3A_236 : i32 to vector<16xi32>
      %sub3A_238 = arith.subi %sub3A_237, %shift_right_arithmetic3A_235 : vector<16xi32>
      %bitcast3A_239 = vector.bitcast %sub3A_238 : vector<16xi32> to vector<16xf32>
      %mul3A_240 = arith.constant 5.000000e-01 : f32
      %mul3A_241 = vector.broadcast %mul3A_240 : f32 to vector<16xf32>
      %mul3A_242 = arith.mulf %add3A_231, %mul3A_241 : vector<16xf32>
      %mul3A_243 = arith.mulf %mul3A_242, %bitcast3A_239 : vector<16xf32>
      %mul3A_244 = arith.mulf %mul3A_243, %bitcast3A_239 : vector<16xf32>
      %sub3A_245 = arith.constant 1.500000e+00 : f32
      %sub3A_246 = vector.broadcast %sub3A_245 : f32 to vector<16xf32>
      %sub3A_247 = arith.subf %sub3A_246, %mul3A_244 : vector<16xf32>
      %mul3A_248 = arith.mulf %bitcast3A_239, %sub3A_247 : vector<16xf32>
      %mul3A_249 = arith.mulf %mul3A_242, %mul3A_248 : vector<16xf32>
      %mul3A_250 = arith.mulf %mul3A_249, %mul3A_248 : vector<16xf32>
      %sub3A_251 = arith.constant 1.500000e+00 : f32
      %sub3A_252 = vector.broadcast %sub3A_251 : f32 to vector<16xf32>
      %sub3A_253 = arith.subf %sub3A_252, %mul3A_250 : vector<16xf32>
      %mul3A_254 = arith.mulf %mul3A_248, %sub3A_253 : vector<16xf32>
      %mul3A_255 = arith.mulf %add3A_231, %mul3A_254 : vector<16xf32>
      %gather3A_256 = tpu.vector_load_idx %arg9[%bitcast3A_221] : memref<112xf32, #tpu.memory_space<vmem>>[vector<16xi32>], vector<16xf32>,
      %mul3A_257 = arith.mulf %mul3A_255, %gather3A_256 : vector<16xf32>
      %add3A_258 = arith.constant 32 : i32
      %add3A_259 = arith.addi %mul3A_154, %add3A_258 : i32
      %get3A_260 = arith.index_cast %add3A_259 : i32 to index
      %get3A_261 = tpu.vector_load %arg4[%get3A_260] {strides = array<i32>} : memref<5120xf32, #tpu.memory_space<vmem>>, vector<16xf32>,
      %add3A_262 = arith.constant 1024 : i32
      %add3A_263 = arith.addi %add3A_262, %add3A_259 : i32
      %get3A_264 = arith.index_cast %add3A_263 : i32 to index
      %get3A_265 = tpu.vector_load %arg4[%get3A_264] {strides = array<i32>} : memref<5120xf32, #tpu.memory_space<vmem>>, vector<16xf32>,
      %add3A_266 = arith.constant 2048 : i32
      %add3A_267 = arith.addi %add3A_266, %add3A_259 : i32
      %get3A_268 = arith.index_cast %add3A_267 : i32 to index
      %get3A_269 = tpu.vector_load %arg4[%get3A_268] {strides = array<i32>} : memref<5120xf32, #tpu.memory_space<vmem>>, vector<16xf32>,
      %add3A_270 = arith.constant 3072 : i32
      %add3A_271 = arith.addi %add3A_270, %add3A_259 : i32
      %get3A_272 = arith.index_cast %add3A_271 : i32 to index
      %get3A_273 = tpu.vector_load %arg4[%get3A_272] {strides = array<i32>} : memref<5120xf32, #tpu.memory_space<vmem>>, vector<16xf32>,
      %bitcast3A_274 = vector.bitcast %get3A_273 : vector<16xf32> to vector<16xi32>
      %add3A_275 = arith.constant 4096 : i32
      %add3A_276 = arith.addi %add3A_275, %add3A_259 : i32
      %get3A_277 = arith.index_cast %add3A_276 : i32 to index
      %get3A_278 = tpu.vector_load %arg4[%get3A_277] {strides = array<i32>} : memref<5120xf32, #tpu.memory_space<vmem>>, vector<16xf32>,
      %bitcast3A_279 = vector.bitcast %get3A_278 : vector<16xf32> to vector<16xi32>
      %mul3A_280 = arith.mulf %get3A_261, %get3A_261 : vector<16xf32>
      %mul3A_281 = arith.mulf %get3A_265, %get3A_265 : vector<16xf32>
      %add3A_282 = arith.addf %mul3A_280, %mul3A_281 : vector<16xf32>
      %mul3A_283 = arith.mulf %get3A_269, %get3A_269 : vector<16xf32>
      %add3A_284 = arith.addf %add3A_282, %mul3A_283 : vector<16xf32>
      %bitcast3A_285 = vector.bitcast %add3A_284 : vector<16xf32> to vector<16xi32>
      %shift_right_arithmetic3A_286 = arith.constant 1 : i32
      %shift_right_arithmetic3A_287 = vector.broadcast %shift_right_arithmetic3A_286 : i32 to vector<16xi32>
      %shift_right_arithmetic3A_288 = arith.shrsi %bitcast3A_285, %shift_right_arithmetic3A_287 : vector<16xi32>
      %sub3A_289 = arith.constant 1597463007 : i32
      %sub3A_290 = vector.broadcast %sub3A_289 : i32 to vector<16xi32>
      %sub3A_291 = arith.subi %sub3A_290, %shift_right_arithmetic3A_288 : vector<16xi32>
      %bitcast3A_292 = vector.bitcast %sub3A_291 : vector<16xi32> to vector<16xf32>
      %mul3A_293 = arith.constant 5.000000e-01 : f32
      %mul3A_294 = vector.broadcast %mul3A_293 : f32 to vector<16xf32>
      %mul3A_295 = arith.mulf %add3A_284, %mul3A_294 : vector<16xf32>
      %mul3A_296 = arith.mulf %mul3A_295, %bitcast3A_292 : vector<16xf32>
      %mul3A_297 = arith.mulf %mul3A_296, %bitcast3A_292 : vector<16xf32>
      %sub3A_298 = arith.constant 1.500000e+00 : f32
      %sub3A_299 = vector.broadcast %sub3A_298 : f32 to vector<16xf32>
      %sub3A_300 = arith.subf %sub3A_299, %mul3A_297 : vector<16xf32>
      %mul3A_301 = arith.mulf %bitcast3A_292, %sub3A_300 : vector<16xf32>
      %mul3A_302 = arith.mulf %mul3A_295, %mul3A_301 : vector<16xf32>
      %mul3A_303 = arith.mulf %mul3A_302, %mul3A_301 : vector<16xf32>
      %sub3A_304 = arith.constant 1.500000e+00 : f32
      %sub3A_305 = vector.broadcast %sub3A_304 : f32 to vector<16xf32>
      %sub3A_306 = arith.subf %sub3A_305, %mul3A_303 : vector<16xf32>
      %mul3A_307 = arith.mulf %mul3A_301, %sub3A_306 : vector<16xf32>
      %mul3A_308 = arith.mulf %add3A_284, %mul3A_307 : vector<16xf32>
      %gather3A_309 = tpu.vector_load_idx %arg9[%bitcast3A_274] : memref<112xf32, #tpu.memory_space<vmem>>[vector<16xi32>], vector<16xf32>,
      %mul3A_310 = arith.mulf %mul3A_308, %gather3A_309 : vector<16xf32>
      %add3A_311 = arith.constant 48 : i32
      %add3A_312 = arith.addi %mul3A_154, %add3A_311 : i32
      %get3A_313 = arith.index_cast %add3A_312 : i32 to index
      %get3A_314 = tpu.vector_load %arg4[%get3A_313] {strides = array<i32>} : memref<5120xf32, #tpu.memory_space<vmem>>, vector<16xf32>,
      %add3A_315 = arith.constant 1024 : i32
      %add3A_316 = arith.addi %add3A_315, %add3A_312 : i32
      %get3A_317 = arith.index_cast %add3A_316 : i32 to index
      %get3A_318 = tpu.vector_load %arg4[%get3A_317] {strides = array<i32>} : memref<5120xf32, #tpu.memory_space<vmem>>, vector<16xf32>,
      %add3A_319 = arith.constant 2048 : i32
      %add3A_320 = arith.addi %add3A_319, %add3A_312 : i32
      %get3A_321 = arith.index_cast %add3A_320 : i32 to index
      %get3A_322 = tpu.vector_load %arg4[%get3A_321] {strides = array<i32>} : memref<5120xf32, #tpu.memory_space<vmem>>, vector<16xf32>,
      %add3A_323 = arith.constant 3072 : i32
      %add3A_324 = arith.addi %add3A_323, %add3A_312 : i32
      %get3A_325 = arith.index_cast %add3A_324 : i32 to index
      %get3A_326 = tpu.vector_load %arg4[%get3A_325] {strides = array<i32>} : memref<5120xf32, #tpu.memory_space<vmem>>, vector<16xf32>,
      %bitcast3A_327 = vector.bitcast %get3A_326 : vector<16xf32> to vector<16xi32>
      %add3A_328 = arith.constant 4096 : i32
      %add3A_329 = arith.addi %add3A_328, %add3A_312 : i32
      %get3A_330 = arith.index_cast %add3A_329 : i32 to index
      %get3A_331 = tpu.vector_load %arg4[%get3A_330] {strides = array<i32>} : memref<5120xf32, #tpu.memory_space<vmem>>, vector<16xf32>,
      %bitcast3A_332 = vector.bitcast %get3A_331 : vector<16xf32> to vector<16xi32>
      %mul3A_333 = arith.mulf %get3A_314, %get3A_314 : vector<16xf32>
      %mul3A_334 = arith.mulf %get3A_318, %get3A_318 : vector<16xf32>
      %add3A_335 = arith.addf %mul3A_333, %mul3A_334 : vector<16xf32>
      %mul3A_336 = arith.mulf %get3A_322, %get3A_322 : vector<16xf32>
      %add3A_337 = arith.addf %add3A_335, %mul3A_336 : vector<16xf32>
      %bitcast3A_338 = vector.bitcast %add3A_337 : vector<16xf32> to vector<16xi32>
      %shift_right_arithmetic3A_339 = arith.constant 1 : i32
      %shift_right_arithmetic3A_340 = vector.broadcast %shift_right_arithmetic3A_339 : i32 to vector<16xi32>
      %shift_right_arithmetic3A_341 = arith.shrsi %bitcast3A_338, %shift_right_arithmetic3A_340 : vector<16xi32>
      %sub3A_342 = arith.constant 1597463007 : i32
      %sub3A_343 = vector.broadcast %sub3A_342 : i32 to vector<16xi32>
      %sub3A_344 = arith.subi %sub3A_343, %shift_right_arithmetic3A_341 : vector<16xi32>
      %bitcast3A_345 = vector.bitcast %sub3A_344 : vector<16xi32> to vector<16xf32>
      %mul3A_346 = arith.constant 5.000000e-01 : f32
      %mul3A_347 = vector.broadcast %mul3A_346 : f32 to vector<16xf32>
      %mul3A_348 = arith.mulf %add3A_337, %mul3A_347 : vector<16xf32>
      %mul3A_349 = arith.mulf %mul3A_348, %bitcast3A_345 : vector<16xf32>
      %mul3A_350 = arith.mulf %mul3A_349, %bitcast3A_345 : vector<16xf32>
      %sub3A_351 = arith.constant 1.500000e+00 : f32
      %sub3A_352 = vector.broadcast %sub3A_351 : f32 to vector<16xf32>
      %sub3A_353 = arith.subf %sub3A_352, %mul3A_350 : vector<16xf32>
      %mul3A_354 = arith.mulf %bitcast3A_345, %sub3A_353 : vector<16xf32>
      %mul3A_355 = arith.mulf %mul3A_348, %mul3A_354 : vector<16xf32>
      %mul3A_356 = arith.mulf %mul3A_355, %mul3A_354 : vector<16xf32>
      %sub3A_357 = arith.constant 1.500000e+00 : f32
      %sub3A_358 = vector.broadcast %sub3A_357 : f32 to vector<16xf32>
      %sub3A_359 = arith.subf %sub3A_358, %mul3A_356 : vector<16xf32>
      %mul3A_360 = arith.mulf %mul3A_354, %sub3A_359 : vector<16xf32>
      %mul3A_361 = arith.mulf %add3A_337, %mul3A_360 : vector<16xf32>
      %gather3A_362 = tpu.vector_load_idx %arg9[%bitcast3A_327] : memref<112xf32, #tpu.memory_space<vmem>>[vector<16xi32>], vector<16xf32>,
      %mul3A_363 = arith.mulf %mul3A_361, %gather3A_362 : vector<16xf32>
      %slice3A_364 = vector.extract_strided_slice %bitcast3A_332 {offsets = [15], sizes = [1], strides = [1]} : vector<16xi32> to vector<1xi32>
      %squeeze3A_365 = vector.extract %slice3A_364[0] : i32 from vector<1xi32>
      %eq3A_366 = arith.cmpi eq, %squeeze3A_365, %scan3A_152 : i32
      %convert_element_type3A_367 = arith.extui %eq3A_366 : i1 to i32
      %cond3A_368 = arith.constant 0 : i32
      %cond3A_369 = arith.cmpi ne, %convert_element_type3A_367, %cond3A_368 : i32
      %cond3A_370:2 = scf.if %cond3A_369 -> (vector<16xf32>, i32) {
        %add3A_371 = arith.addf %mul3A_204, %mul3A_257 : vector<16xf32>
        %add3A_372 = arith.addf %mul3A_310, %mul3A_363 : vector<16xf32>
        %add3A_373 = arith.addf %add3A_371, %add3A_372 : vector<16xf32>
        %add3A_374 = arith.addf %scan3A_151, %add3A_373 : vector<16xf32>
        scf.yield %add3A_374, %scan3A_152 : vector<16xf32>, i32
      } else {
        %broadcast_in_dim3A_371 = vector.broadcast %scan3A_152 : i32 to vector<16xi32>
        tpu.vector_store_idx %arg10[%broadcast_in_dim3A_371], %scan3A_151 {add = true} : memref<16xf32, #tpu.memory_space<vmem>>[vector<16xi32>], vector<16xf32>,
        tpu.vector_store_idx %arg10[%bitcast3A_176], %mul3A_204 {add = true} : memref<16xf32, #tpu.memory_space<vmem>>[vector<16xi32>], vector<16xf32>,
        tpu.vector_store_idx %arg10[%bitcast3A_226], %mul3A_257 {add = true} : memref<16xf32, #tpu.memory_space<vmem>>[vector<16xi32>], vector<16xf32>,
        tpu.vector_store_idx %arg10[%bitcast3A_279], %mul3A_310 {add = true} : memref<16xf32, #tpu.memory_space<vmem>>[vector<16xi32>], vector<16xf32>,
        tpu.vector_store_idx %arg10[%bitcast3A_332], %mul3A_363 {add = true} : memref<16xf32, #tpu.memory_space<vmem>>[vector<16xi32>], vector<16xf32>,
        %broadcast_in_dim3A_372 = arith.constant 0.000000e+00 : f32
        %broadcast_in_dim3A_373 = vector.broadcast %broadcast_in_dim3A_372 : f32 to vector<16xf32>
        %slice3A_374 = vector.extract_strided_slice %bitcast3A_332 {offsets = [15], sizes = [1], strides = [1]} : vector<16xi32> to vector<1xi32>
        %squeeze3A_375 = vector.extract %slice3A_374[0] : i32 from vector<1xi32>
        scf.yield %broadcast_in_dim3A_373, %squeeze3A_375 : vector<16xf32>, i32
      }
      scf.yield %cond3A_370#0, %cond3A_370#1 : vector<16xf32>, i32
    }
    %scan3A_140 = arith.constant 16 : i32
    %broadcast_in_dim3A_141 = vector.broadcast %scan3A_139#1 : i32 to vector<16xi32>
    tpu.vector_store_idx %arg10[%broadcast_in_dim3A_141], %scan3A_139#0 {add = true} : memref<16xf32, #tpu.memory_space<vmem>>[vector<16xi32>], vector<16xf32>,
    %mul3A_142 = arith.constant 16 : i32
    %mul3A_143 = arith.muli %arg1, %mul3A_142 : i32
    "tpu.region"() ({
      %run_scoped3A = tpu.sem_alloc : memref<!tpu.dma_semaphore, #tpu.memory_space<semaphore_mem>>
      %dma_start3A_150 = tpu.memref_slice %arg15[%mul3A_143] : memref<256xf32, #tpu.memory_space<vmem_shared>> -> memref<16xf32, #tpu.memory_space<vmem_shared>>
      %dma_start3A_151 = tpu.memref_slice %arg15[%mul3A_143] : memref<256xf32, #tpu.memory_space<vmem_shared>> -> memref<16xf32, #tpu.memory_space<vmem_shared>>
      tpu.enqueue_dma source(%arg10 : memref<16xf32, #tpu.memory_space<vmem>>) target(%dma_start3A_151 : memref<16xf32, #tpu.memory_space<vmem_shared>>) target_semaphore(%run_scoped3A : memref<!tpu.dma_semaphore, #tpu.memory_space<semaphore_mem>>)
      %dma_wait3A_152 = tpu.memref_slice %arg15[%mul3A_143] : memref<256xf32, #tpu.memory_space<vmem_shared>> -> memref<16xf32, #tpu.memory_space<vmem_shared>>
      %dma_wait3A_153 = tpu.memref_slice %arg15[%mul3A_143] : memref<256xf32, #tpu.memory_space<vmem_shared>> -> memref<16xf32, #tpu.memory_space<vmem_shared>>
      tpu.wait_dma2 semaphore(%run_scoped3A : memref<!tpu.dma_semaphore, #tpu.memory_space<semaphore_mem>>) src(%arg10 : memref<16xf32, #tpu.memory_space<vmem>>) dst(%dma_wait3A_153 : memref<16xf32, #tpu.memory_space<vmem_shared>>)
      tpu.yield
    }) : () -> ()
    %barrier3A_144 = arith.constant 0 : index
    tpu.barrier barrier_id(%barrier3A_144)
    %eq3A_145 = arith.constant 0 : i32
    %eq3A_146 = arith.cmpi eq, %arg1, %eq3A_145 : i32
    %convert_element_type3A_147 = arith.extui %eq3A_146 : i1 to i32
    %cond3A_148 = arith.constant 0 : i32
    %cond3A_149 = arith.cmpi ne, %convert_element_type3A_147, %cond3A_148 : i32
    scf.if %cond3A_149 {
      "tpu.region"() ({
        %run_scoped3A = tpu.sem_alloc : memref<!tpu.dma_semaphore, #tpu.memory_space<semaphore_mem>>
        tpu.enqueue_dma source(%arg15 : memref<256xf32, #tpu.memory_space<vmem_shared>>) target(%arg11 : memref<256xf32, #tpu.memory_space<vmem>>) target_semaphore(%run_scoped3A : memref<!tpu.dma_semaphore, #tpu.memory_space<semaphore_mem>>)
        tpu.wait_dma2 semaphore(%run_scoped3A : memref<!tpu.dma_semaphore, #tpu.memory_space<semaphore_mem>>) src(%arg15 : memref<256xf32, #tpu.memory_space<vmem_shared>>) dst(%arg11 : memref<256xf32, #tpu.memory_space<vmem>>)
        tpu.yield
      }) : () -> ()
      %dma_wait3A_150 = arith.constant 139776 : i32
      %dma_wait3A_151 = tpu.memref_slice %arg2[%dma_wait3A_150] : memref<139792xf32, #tpu.memory_space<hbm>> -> memref<16xf32, #tpu.memory_space<hbm>>
      %dma_wait3A_152 = arith.constant 139776 : i32
      %dma_wait3A_153 = tpu.memref_slice %arg2[%dma_wait3A_152] : memref<139792xf32, #tpu.memory_space<hbm>> -> memref<16xf32, #tpu.memory_space<hbm>>
      tpu.wait_dma2 semaphore(%arg18 : memref<!tpu.dma_semaphore, #tpu.memory_space<semaphore_mem>>) src(%dma_wait3A_153 : memref<16xf32, #tpu.memory_space<hbm>>) dst(%arg12 : memref<16xf32, #tpu.memory_space<vmem>>)
      %get3A_154 = arith.constant 0 : index
      %get3A_155 = tpu.vector_load %arg12[%get3A_154] {strides = array<i32>} : memref<16xf32, #tpu.memory_space<vmem>>, vector<16xf32>,
      %get3A_156 = arith.constant 0 : index
      %get3A_157 = tpu.vector_load %arg11[%get3A_156] {strides = array<i32>} : memref<256xf32, #tpu.memory_space<vmem>>, vector<16xf32>,
      %add3A_158 = arith.addf %get3A_155, %get3A_157 : vector<16xf32>
      %get3A_159 = arith.constant 16 : index
      %get3A_160 = tpu.vector_load %arg11[%get3A_159] {strides = array<i32>} : memref<256xf32, #tpu.memory_space<vmem>>, vector<16xf32>,
      %add3A_161 = arith.addf %add3A_158, %get3A_160 : vector<16xf32>
      %get3A_162 = arith.constant 32 : index
      %get3A_163 = tpu.vector_load %arg11[%get3A_162] {strides = array<i32>} : memref<256xf32, #tpu.memory_space<vmem>>, vector<16xf32>,
      %add3A_164 = arith.addf %add3A_161, %get3A_163 : vector<16xf32>
      %get3A_165 = arith.constant 48 : index
      %get3A_166 = tpu.vector_load %arg11[%get3A_165] {strides = array<i32>} : memref<256xf32, #tpu.memory_space<vmem>>, vector<16xf32>,
      %add3A_167 = arith.addf %add3A_164, %get3A_166 : vector<16xf32>
      %get3A_168 = arith.constant 64 : index
      %get3A_169 = tpu.vector_load %arg11[%get3A_168] {strides = array<i32>} : memref<256xf32, #tpu.memory_space<vmem>>, vector<16xf32>,
      %add3A_170 = arith.addf %add3A_167, %get3A_169 : vector<16xf32>
      %get3A_171 = arith.constant 80 : index
      %get3A_172 = tpu.vector_load %arg11[%get3A_171] {strides = array<i32>} : memref<256xf32, #tpu.memory_space<vmem>>, vector<16xf32>,
      %add3A_173 = arith.addf %add3A_170, %get3A_172 : vector<16xf32>
      %get3A_174 = arith.constant 96 : index
      %get3A_175 = tpu.vector_load %arg11[%get3A_174] {strides = array<i32>} : memref<256xf32, #tpu.memory_space<vmem>>, vector<16xf32>,
      %add3A_176 = arith.addf %add3A_173, %get3A_175 : vector<16xf32>
      %get3A_177 = arith.constant 112 : index
      %get3A_178 = tpu.vector_load %arg11[%get3A_177] {strides = array<i32>} : memref<256xf32, #tpu.memory_space<vmem>>, vector<16xf32>,
      %add3A_179 = arith.addf %add3A_176, %get3A_178 : vector<16xf32>
      %get3A_180 = arith.constant 128 : index
      %get3A_181 = tpu.vector_load %arg11[%get3A_180] {strides = array<i32>} : memref<256xf32, #tpu.memory_space<vmem>>, vector<16xf32>,
      %add3A_182 = arith.addf %add3A_179, %get3A_181 : vector<16xf32>
      %get3A_183 = arith.constant 144 : index
      %get3A_184 = tpu.vector_load %arg11[%get3A_183] {strides = array<i32>} : memref<256xf32, #tpu.memory_space<vmem>>, vector<16xf32>,
      %add3A_185 = arith.addf %add3A_182, %get3A_184 : vector<16xf32>
      %get3A_186 = arith.constant 160 : index
      %get3A_187 = tpu.vector_load %arg11[%get3A_186] {strides = array<i32>} : memref<256xf32, #tpu.memory_space<vmem>>, vector<16xf32>,
      %add3A_188 = arith.addf %add3A_185, %get3A_187 : vector<16xf32>
      %get3A_189 = arith.constant 176 : index
      %get3A_190 = tpu.vector_load %arg11[%get3A_189] {strides = array<i32>} : memref<256xf32, #tpu.memory_space<vmem>>, vector<16xf32>,
      %add3A_191 = arith.addf %add3A_188, %get3A_190 : vector<16xf32>
      %get3A_192 = arith.constant 192 : index
      %get3A_193 = tpu.vector_load %arg11[%get3A_192] {strides = array<i32>} : memref<256xf32, #tpu.memory_space<vmem>>, vector<16xf32>,
      %add3A_194 = arith.addf %add3A_191, %get3A_193 : vector<16xf32>
      %get3A_195 = arith.constant 208 : index
      %get3A_196 = tpu.vector_load %arg11[%get3A_195] {strides = array<i32>} : memref<256xf32, #tpu.memory_space<vmem>>, vector<16xf32>,
      %add3A_197 = arith.addf %add3A_194, %get3A_196 : vector<16xf32>
      %get3A_198 = arith.constant 224 : index
      %get3A_199 = tpu.vector_load %arg11[%get3A_198] {strides = array<i32>} : memref<256xf32, #tpu.memory_space<vmem>>, vector<16xf32>,
      %add3A_200 = arith.addf %add3A_197, %get3A_199 : vector<16xf32>
      %get3A_201 = arith.constant 240 : index
      %get3A_202 = tpu.vector_load %arg11[%get3A_201] {strides = array<i32>} : memref<256xf32, #tpu.memory_space<vmem>>, vector<16xf32>,
      %add3A_203 = arith.addf %add3A_200, %get3A_202 : vector<16xf32>
      %swap3A_204 = arith.constant 0 : index
      %swap3A_205 = tpu.vector_load %arg13[%swap3A_204] {strides = array<i32>} : memref<16xf32, #tpu.memory_space<vmem>>, vector<16xf32>,
      tpu.vector_store %arg13[%swap3A_204], %add3A_203 {strides = array<i32>} : memref<16xf32, #tpu.memory_space<vmem>>, vector<16xf32>,
      "tpu.region"() ({
        %run_scoped3A = tpu.sem_alloc : memref<!tpu.dma_semaphore, #tpu.memory_space<semaphore_mem>>
        tpu.enqueue_dma source(%arg13 : memref<16xf32, #tpu.memory_space<vmem>>) target(%arg3 : memref<16xf32, #tpu.memory_space<hbm>>) target_semaphore(%run_scoped3A : memref<!tpu.dma_semaphore, #tpu.memory_space<semaphore_mem>>)
        tpu.wait_dma2 semaphore(%run_scoped3A : memref<!tpu.dma_semaphore, #tpu.memory_space<semaphore_mem>>) src(%arg13 : memref<16xf32, #tpu.memory_space<vmem>>) dst(%arg3 : memref<16xf32, #tpu.memory_space<hbm>>)
        tpu.yield
      }) : () -> ()
    } else {
    }
    return
  }
}

</mosaic_0001>

<sc_bundles>
// kernel: kernel.3.cloned.1.call-start
scs
__scs_entry_jumppad:
0x0: {  	(pc) =	sbr.rel $0x88, $3  }
0x1: {  	(tag) =	ssettag $0x0;
	lr =	simm.s32 $0x1  }
0x2: {  	[smem:$0x3F9B] =	sst lr;
	_ =	strace $0xD0000000  }
0x3: {  	_ = 	snop  }
0x4: {  	_ = 	snop  }
0x5: {  	_ = 	snop  }
0x6: {  	_ = 	snop  }
0x7: {  	_ = 	snop  }
__scs_overlays_trampoline_lowered:
0x8: {  	[smem:$0x3FAA] =	sst s0  }
0x9: {  	[smem:$0x3FAB] =	sst s1  }
0xa: {  	[smem:$0x3FAC] =	sst s2  }
0xb: {  	[smem:$0x3FAD] =	sst s3  }
0xc: {  	[smem:$0x3FAE] =	sst s4  }
0xd: {  	[smem:$0x3FAF] =	sst s5  }
0xe: {  	[smem:$0x3FB0] =	sst s6  }
0xf: {  	[smem:$0x3FB1] =	sst s7  }
0x10: {  	[smem:$0x3FB2] =	sst s8  }
0x11: {  	[smem:$0x3FB3] =	sst s9;
	s0 =	simm.s32 @!p0 $0x0  }
0x12: {  	s1 =	sld [smem:$0x3F99];
	s0 =	simm.s32 @p0 $0x1  }
0x13: {  	[smem:$0x3FB4] =	sst s0;
	s0 =	simm.s32 @!p1 $0x0  }
0x14: {  	s2 =	sld [smem:$0x3F98];
	s0 =	simm.s32 @p1 $0x1  }
0x15: {  	[smem:$0x3FB5] =	sst s0;
	s0 =	simm.s32 @!p2 $0x0  }
0x16: {  	s3 =	sld [smem:$0x3FDB];
	s0 =	simm.s32 @p2 $0x1  }
0x17: {  	s4 =	simm.s32 $0x1BF5;
	[smem:$0x3FB7] =	sst s0  }
0x18: {  	s0 =	sld [smem:$0x3F9A];
	_ =	swait.ge [sflag:s4], $0x0  }
0x19: {  	s7 =	sld [smem:$0x3F9B]  }
0x1a: {  	s8 =	sadd.s32 $0xFFFFE003, lr  }
0x1b: {  	s9 =	sadd.s32 $0xFFFFFEF7, lr;
	s5 =	simm.s32 $0xFFFFFFFF;
	p2 =	slt.u32 s8, $0xFFFFF086  }
0x1c: {  	p1 =	slt.u32 s9, $0xF7A;
	s5 =	simm.s32 @!p2 $0x0  }
0x1d: {  	s5 =	simm.s32 @p1 $0x1;
	p0 =	seq.s32 s7, s2  }
0x1e: {  	s7 =	smul.u32 @!p0 $0xF7A, s2;
	p2 =	seq.s32 @!p0 s5, $0x0  }
0x1f: {  	s9 =	smul.u32 $0xF7A, s1;
	s8 =	simm.s32 @!p0 $0x1BF5;
	p2 =	por !p2, p0  }
0x20: {  	[sflag:s8] =	ssyncset.s32 @!p0 $0xFFFFF086;
	s6 =	sadd.s32 @!p0 s3, s7;
	s7 =	simm.s32 @!p0 $0x108  }
0x21: {  	s3 =	sadd.s32 s3, s9;
	s6 =	sadd.s32 @!p0 $0x88, s6;
	s7 =	simm.s32 @p2 $0x1082  }
0x22: {  	[simem:s7], [sflag:s8] =	dma.local @!p0 [hbm:s6], $0xF7A  }
0x23: {  	s9 =	sor.u32 $0xD0000000, s2;
	s6 =	simm.s32 $0x108;
	_ =	swait.ge @!p0 [sflag:s8], $0x0  }
0x24: {  	s3 =	sadd.s32 $0x88, s3;
	s6 =	simm.s32 @!p1 $0x1082;
	[sflag:s4] =	ssyncset.s32 $0xFFFFF086  }
0x25: {  	[simem:s6], [sflag:s4] =	dma.local [hbm:s3], $0xF7A  }
0x26: {  	[smem:$0x3F9B] =	sst s1;
	(tag) =	ssettag s2;
	_ =	strace s9  }
0x27: {  	s1 =	sld [smem:$0x3FAB]  }
0x28: {  	s2 =	sld [smem:$0x3FAC]  }
0x29: {  	s4 =	sld [smem:$0x3FAE]  }
0x2a: {  	p0 =	seq.s32 s5, $0x0;
	s5 =	sld [smem:$0x3FAF]  }
0x2b: {  	s6 =	sld [smem:$0x3FB0]  }
0x2c: {  	s7 =	sld [smem:$0x3FB1]  }
0x2d: {  	s3 =	simm.s32 $0x108;
	s8 =	sld [smem:$0x3FB2]  }
0x2e: {  	s3 =	simm.s32 @!p0 $0x1082;
	s9 =	sld [smem:$0x3FB3]  }
0x2f: {  	lr =	sadd.s32 s0, s3;
	s0 =	sld [smem:$0x3FAA]  }
0x30: {  	s3 =	sld [smem:$0x3FAD]  }
0x31: {  	[smem:$0x3FB6] =	sst s10  }
0x32: {  	s10 =	sld [smem:$0x3FB4];
	_ =	sdelay $0x3  }
0x33: {  	p0 =	seq.s32 s10, $0x1;
	s10 =	sld [smem:$0x3FB6];
	_ =	sdelay $0x3  }
0x34: {  	[smem:$0x3FB6] =	sst s10  }
0x35: {  	s10 =	sld [smem:$0x3FB5];
	_ =	sdelay $0x3  }
0x36: {  	p1 =	seq.s32 s10, $0x1;
	s10 =	sld [smem:$0x3FB6];
	_ =	sdelay $0x3  }
0x37: {  	[smem:$0x3FB6] =	sst s10  }
0x38: {  	s10 =	sld [smem:$0x3FB7]  }
0x39: {  	_ = 	snop;
	(pc) =	sbr.ind lr, $3  }
0x3a: {  	_ = 	snop  }
0x3b: {  	_ = 	snop  }
0x3c: {  	p2 =	seq.s32 s10, $0x1;
	s10 =	sld [smem:$0x3FB6]  }
0x3d: {  	_ =	shalt  }
0x3e: {  	_ =	shalt  }
0x3f: {  	_ =	shalt  }
0x40: {  	_ =	shalt  }
0x41: {  	_ =	shalt  }
0x42: {  	_ =	shalt  }
0x43: {  	_ =	shalt  }
0x44: {  	_ =	shalt  }
0x45: {  	_ =	shalt  }
0x46: {  	_ =	shalt  }
0x47: {  	_ =	shalt  }
0x48: {  	_ =	shalt  }
0x49: {  	_ =	shalt  }
0x4a: {  	_ =	shalt  }
0x4b: {  	_ =	shalt  }
0x4c: {  	_ =	shalt  }
0x4d: {  	_ =	shalt  }
0x4e: {  	_ =	shalt  }
0x4f: {  	_ =	shalt  }
0x50: {  	_ =	shalt  }
0x51: {  	_ =	shalt  }
0x52: {  	_ =	shalt  }
0x53: {  	_ =	shalt  }
0x54: {  	_ =	shalt  }
0x55: {  	_ =	shalt  }
0x56: {  	_ =	shalt  }
0x57: {  	_ =	shalt  }
0x58: {  	_ =	shalt  }
0x59: {  	_ =	shalt  }
0x5a: {  	_ =	shalt  }
0x5b: {  	_ =	shalt  }
0x5c: {  	_ =	shalt  }
0x5d: {  	_ =	shalt  }
0x5e: {  	_ =	shalt  }
0x5f: {  	_ =	shalt  }
0x60: {  	_ =	shalt  }
0x61: {  	_ =	shalt  }
0x62: {  	_ =	shalt  }
0x63: {  	_ =	shalt  }
0x64: {  	_ =	shalt  }
0x65: {  	_ =	shalt  }
0x66: {  	_ =	shalt  }
0x67: {  	_ =	shalt  }
0x68: {  	_ =	shalt  }
0x69: {  	_ =	shalt  }
0x6a: {  	_ =	shalt  }
0x6b: {  	_ =	shalt  }
0x6c: {  	_ =	shalt  }
0x6d: {  	_ =	shalt  }
0x6e: {  	_ =	shalt  }
0x6f: {  	_ =	shalt  }
0x70: {  	_ =	shalt  }
0x71: {  	_ =	shalt  }
0x72: {  	_ =	shalt  }
0x73: {  	_ =	shalt  }
0x74: {  	_ =	shalt  }
0x75: {  	_ =	shalt  }
0x76: {  	_ =	shalt  }
0x77: {  	_ =	shalt  }
0x78: {  	_ =	shalt  }
0x79: {  	_ =	shalt  }
0x7a: {  	_ =	shalt  }
0x7b: {  	_ =	shalt  }
0x7c: {  	_ =	shalt  }
0x7d: {  	_ =	shalt  }
0x7e: {  	_ =	shalt  }
0x7f: {  	_ =	shalt  }
0x80: {  	_ =	shalt  }
0x81: {  	_ =	shalt  }
0x82: {  	_ =	shalt  }
0x83: {  	_ =	shalt  }
0x84: {  	_ =	shalt  }
0x85: {  	_ =	shalt  }
0x86: {  	_ =	shalt  }
0x87: {  	_ =	shalt  }
.Lfunc_end0:
.L_simem_size_0:
called_computation_lowered:
.L_overlay_start_0:
0x88: {  	s0 =	sld [smem:$0x3FD9]  }
0x89: {  	s1 =	sld [smem:$0x3FFE];
	_ =	sdelay $0x3  }
0x8a: {  	s0 =	sadd.s32 s1, s0  }
0x8b: {  	[smem:$0x3FC2] =	sst s0  }
0x8c: {  	_ = 	snop  }
0x8d: {  	s0 =	sld [smem:$0x3FD0];
	(tm) =	ssettm $0x1  }
0x8e: {  	s16 =	sld [smem:$0x3FFB];
	_ =	sdelay $0x3  }
0x8f: {  	_ =	strace s16  }
0x90: {  	s1 =	sld [smem:$0x3FFC];
	_ =	sdelay $0x3  }
0x91: {  	_ =	strace s1  }
0x92: {  	s1 =	sld [smem:$0x3FFD];
	_ =	sdelay $0x3  }
0x93: {  	_ =	strace s1  }
0x94: {  	_ =	strace $0x8FFFFFFF  }
0x95: {  	s17 =	sld [smem:$0x3FDB];
	_ =	sdelay $0x1  }
0x96: {  	s2 =	simm.s32 $_scs_section_size  }
0x97: {  	s3 =	simm.s32 $_size__tile_overlayer_lowered;
	s4 =	simm.s32 $_tile_overlayer_lowered  }
0x98: {  	s20 =	simm.s32 $0x1BFF;
	s19 =	sshll.u32 s4, $0x1;
	s1 =	sadd.s32 s2, s17  }
0x99: {  	s5 =	simm.s32 $0x0;
	s18 =	sshll.u32 s3, $0x1;
	s3 =	sadd.s32 s19, s1  }
0x9a: {  	[timem:s5], [sflag:s20] =	dma.local [hbm:s3], s18  }
0x9b: {  	_ =	swait.ge [sflag:s20], s18  }
0x9c: {  	s2 =	ssub.s32 $0x0, s18;
	[sflag:s20] =	ssyncset.done $0x0  }
0x9d: {  	[sflag:s20] =	ssyncadd.s32 s2;
	_ =	sdelay $0x1  }
0x9e: {  	s21 =	simm.s32 $0x1B8B  }
0x9f: {  	_ =	swait.ge [sflag:s21], $0x1  }
0xa0: {  	[sflag:s21] =	ssyncset.done $0x0  }
0xa1: {  	s23 =	simm.s32 $0x1B8E;
	s22 =	sld [smem:$0x3FFE];
	[sflag:s21] =	ssyncadd.s32 $0xFFFFFFFF  }
0xa2: {  	s24 =	simm.s32 $execute0_lowered;
	[smem:$0x3FD2] =	sst s23  }
0xa3: {  	s3 =	sshll.u32 s24, $0x1;
	_ =	strace $0x80000046;
	[dreg:$0x1] =	wrdreg $0xFFFFFFFF  }
0xa4: {  	s25 =	simm.s32 $_size_execute0_lowered;
	s1 =	sadd.s32 s1, s3;
	[dreg:$0x0] =	wrdreg $0x0  }
0xa5: {  	s3 =	sshll.u32 s25, $0x1;
	[dreg:$0x2] =	wrdreg s1  }
0xa6: {  	[dreg:$0x3] =	wrdreg s3  }
0xa7: {  	[dreg:$0x4] =	wrdreg $0xC0  }
0xa8: {  	_ =	task [dreg:s5], $0x5FFFF  }
0xa9: {  	[dreg:$0x1] =	wrdreg $0xFFFFFFFF  }
0xaa: {  	[dreg:$0x0] =	wrdreg $0x60  }
0xab: {  	[dreg:$0x2] =	wrdreg s22  }
0xac: {  	[dreg:$0x3] =	wrdreg s0  }
0xad: {  	[dreg:$0x4] =	wrdreg $0x29800  }
0xae: {  	[dreg:$0x5] =	wrdreg $0x29900  }
0xaf: {  	[dreg:$0x6] =	wrdreg $0x9  }
0xb0: {  	_ =	task.clear_ibuf [dreg:s5], $0x7FFFF;
	_ =	strace $0x90000046  }
0xb1: {  	s26 =	simm.s32 $0x9;
	_ =	strace $0x80000048  }
0xb2: {  	_ =	swait.ge [sflag:s26], $0x1  }
0xb3: {  	[sflag:s26] =	ssyncadd.s32 $0xFFFFFFFF  }
0xb4: {  	_ =	strace $0x90000048  }
0xb5: {  	_ =	sfence  }
0xb6: {  	s28 =	sld [smem:$0x0];
	_ =	sdelay $0x1  }
0xb7: {  	s29 =	srdreg.scid  }
0xb8: {  	s30 =	sshll.u32 s29, $0xD;
	s31 =	sshrl.u32 s29, $0x2  }
0xb9: {  	s2 =	sand.u32 $0x4000, s30;
	s1 =	sand.u32 $0x1, s29;
	s0 =	sadd.s32 s31, s28  }
0xba: {  	s1 =	sor.u32 s2, s1;
	s0 =	sshll.u32 s0, $0x11  }
0xbb: {  	s0 =	sor.u32 s0, s1  }
0xbc: {  	s0 =	sadd.s32 $0x8F2B, s0  }
0xbd: {  	[sflag:s0] =	ssyncadd.remote.s32 $0x1  }
0xbe: {  	_ =	sfence.sel $0xFFFF  }
0xbf: {  	[dreg:$0x0] =	wrdreg $0xFFFFFFFF;
	(pc) =	sbr.abs _section_cstart, $3  }
0xc0: {  	[dreg:$0x1] =	wrdreg $0xFFFFFFFF  }
0xc1: {  	_ =	task.clear_ibuf [dreg:s5], $0x2FFFF;
	_ =	strace $0x9FFFFFFF  }
0xc2: {  	(tm) =	ssettm $0x7FFFFFFF  }
0xc3: {  	_ =	shalt  }
tec
execute0_lowered:
.L_overlay_start_1:
0x0: {  	(tag) =	ssettag $0x1  }
0x1: {  	s3 =	rddreg [dreg:$0x0]  }
0x2: {  	s1 =	rddreg [dreg:$0x1]  }
0x3: {  	s4 =	rddreg [dreg:$0x2]  }
0x4: {  	s2 =	rddreg [dreg:$0x3];
	s6 =	simm.s32 $0x0;
	s5 =	stileid.u32  }
0x5: {  	[smem:$0x7FF] =	sst s6;
	s7 =	sadd.s32 $0xE00, s3;
	s25 =	sshll.u32 s5, $0x7  }
0x6: {  	s0 =	rddreg [dreg:$0x4];
	_ =	strace $0x80000047;
	s3 =	sadd.s32 s7, s25  }
0x7: {  	[tilespmem:s6], [sflag:$0x1] =	stream.linear.gather [hbm4b:s3+s6], $0x400, $0x38;
	[tilespmem:$0x29A0] =	vst v63  }
0x8: {  	s9 =	simm.s32 $0x400;
	s8 =	sadd.s32 $0x800, s3  }
0x9: {  	[tilespmem:s9], [sflag:$0x1] =	stream.linear.gather [hbm4b:s8+s6], $0x400, $0x38;
	[tilespmem:$0x29A0] =	vst v63  }
0xa: {  	s28 =	simm.s32 $0x800;
	p0 =	sne.s32 s5, $0x0;
	s26 =	sadd.s32 $0x1000, s3  }
0xb: {  	[tilespmem:s28], [sflag:$0x1] =	stream.linear.gather [hbm4b:s26+s6], $0x400, $0x38;
	[tilespmem:$0x29A0] =	vst v63  }
.Ltmp0:
0xc: {  	s30 =	simm.s32 $0xC00;
	s29 =	sadd.s32 $0x1800, s3;
	(pc) =	sbr.rel @!p0 .LBB2_1-.Ltmp0, $4  }
0xd: {  	[tilespmem:s30], [sflag:$0x1] =	stream.linear.gather [hbm4b:s29+s6], $0x400, $0x38;
	[tilespmem:$0x29A0] =	vst v63  }
0xe: {  	s31 =	simm.s32 $0x1000;
	s3 =	sadd.s32 $0x2000, s3  }
0xf: {  	[tilespmem:s31], [sflag:$0x1] =	stream.linear.gather [hbm4b:s3+s6], $0x400, $0x38;
	[tilespmem:$0x29A0] =	vst v63  }
0x10: {  	s3 =	sshll.u32 s5, $0x4  }
0x11: {  	p1 =	sgt.u32 s5, $0xD  }
.Ltmp1:
0x12: {  	_ = 	snop;
	(pc) =	sbr.rel @p1 .LBB2_4-.Ltmp1, $4  }
.Ltmp2:
0x13: {  	_ = 	snop;
	(pc) =	sbr.rel @!p1 .LBB2_3-.Ltmp2, $4  }
0x14: {  	_ = 	snop  }
0x15: {  	_ = 	snop  }
0x16: {  	_ = 	snop  }
0x17: {  	_ = 	snop  }
.LBB2_1:
0x18: {  	s8 =	sadd.s32 $0x4440, s7;
	s9 =	simm.s32 $0x2880  }
0x19: {  	[tilespmem:s9], [sflag:$0x3] =	stream.linear.gather [hbm4b:s8+s6], $0x10, $0x38;
	[tilespmem:$0x29A0] =	vst v63  }
.LBB2_3:
0x1a: {  	s6 =	sshll.u32 s5, $0x9;
	s23 =	sand.u32 $0x1, s5  }
0x1b: {  	s8 =	simm.s32 $0x0;
	s6 =	sadd.s32 s6, s7;
	s24 =	sshll.u32 s23, $0x5  }
0x1c: {  	s9 =	simm.s32 $0x1400;
	s6 =	sadd.s32 $0x2800, s6;
	s25 =	sadd.s32 s24, s7  }
0x1d: {  	[tilespmem:s9], [sflag:$0x2] =	stream.linear.gather [hbm4b:s6+s8], $0x1000, $0x38;
	[tilespmem:$0x29A0] =	vst v63  }
0x1e: {  	s26 =	simm.s32 $0x2400;
	s28 =	simm.s32 $0x2;
	s7 =	sadd.s32 $0x4400, s25  }
0x1f: {  	[tilespmem:s26], [sflag:$0x2] =	stream.linear.gather [hbm4b:s7+s8], $0x100, $0x38;
	[tilespmem:$0x29A0] =	vst v63  }
0x20: {  	_ =	swait.ge [sflag:s28], $0x1000  }
0x21: {  	[sflag:s28] =	ssyncset.done $0x0  }
0x22: {  	[sflag:s28] =	ssyncadd.s32 $0xFFFFF000  }
0x23: {  	_ =	swait.ge [sflag:s28], $0x100  }
0x24: {  	[sflag:s28] =	ssyncset.done $0x0  }
0x25: {  	[sflag:s28] =	ssyncadd.s32 $0xFFFFFF00  }
0x26: {  	v0 =	vld [tilespmem:$0x2400];
	_ =	sdelay $0x1  }
0x27: {  	v1 =	vld [tilespmem:$0x1400];
	_ =	sdelay $0x1  }
0x28: {  	v2 =	vld [tilespmem:$0x1410]  }
0x29: {  	v3 =	vbroadcast v0, $0x0  }
0x2a: {  	v4 =	vld [tilespmem:$0x1420]  }
0x2b: {  	v20 =	vbroadcast v0, $0x1;
	v1 =	vmul.f32 v1, v3  }
0x2c: {  	v5 =	vld [tilespmem:$0x1430]  }
0x2d: {  	v21 =	vbroadcast v0, $0x2;
	v2 =	vmul.f32 v2, v20;
	v1 =	vadd.f32 $0.0e+00, v1  }
0x2e: {  	v6 =	vld [tilespmem:$0x1440]  }
0x2f: {  	v23 =	vbroadcast v0, $0x3;
	v22 =	vmul.f32 v4, v21;
	v1 =	vadd.f32 v2, v1  }
0x30: {  	v24 =	vld [tilespmem:$0x1450]  }
0x31: {  	v26 =	vbroadcast v0, $0x4;
	v25 =	vmul.f32 v5, v23;
	v1 =	vadd.f32 v22, v1  }
0x32: {  	v27 =	vld [tilespmem:$0x1460]  }
0x33: {  	v29 =	vbroadcast v0, $0x5;
	v28 =	vmul.f32 v6, v26;
	v1 =	vadd.f32 v25, v1  }
0x34: {  	v30 =	vld [tilespmem:$0x1470]  }
0x35: {  	v32 =	vbroadcast v0, $0x6;
	v31 =	vmul.f32 v24, v29;
	v1 =	vadd.f32 v28, v1  }
0x36: {  	v33 =	vld [tilespmem:$0x1480]  }
0x37: {  	v35 =	vbroadcast v0, $0x7;
	v34 =	vmul.f32 v27, v32;
	v1 =	vadd.f32 v31, v1  }
0x38: {  	v36 =	vld [tilespmem:$0x1490]  }
0x39: {  	v38 =	vbroadcast v0, $0x8;
	v37 =	vmul.f32 v30, v35;
	v1 =	vadd.f32 v34, v1  }
0x3a: {  	v39 =	vld [tilespmem:$0x14A0]  }
0x3b: {  	v41 =	vbroadcast v0, $0x9;
	v40 =	vmul.f32 v33, v38;
	v1 =	vadd.f32 v37, v1  }
0x3c: {  	v42 =	vld [tilespmem:$0x14B0]  }
0x3d: {  	v44 =	vbroadcast v0, $0xA;
	v43 =	vmul.f32 v36, v41;
	v1 =	vadd.f32 v40, v1  }
0x3e: {  	v45 =	vld [tilespmem:$0x14C0]  }
0x3f: {  	v47 =	vbroadcast v0, $0xB;
	v46 =	vmul.f32 v39, v44;
	v1 =	vadd.f32 v43, v1  }
0x40: {  	v48 =	vld [tilespmem:$0x14D0]  }
0x41: {  	v50 =	vbroadcast v0, $0xC;
	v49 =	vmul.f32 v42, v47;
	v1 =	vadd.f32 v46, v1  }
0x42: {  	v51 =	vld [tilespmem:$0x14E0]  }
0x43: {  	v54 =	vld [tilespmem:$0x14F0];
	v53 =	vbroadcast v0, $0xD;
	v52 =	vmul.f32 v45, v50;
	v1 =	vadd.f32 v49, v1  }
0x44: {  	v7 =	vld [tilespmem:$0x2410]  }
0x45: {  	v56 =	vbroadcast v0, $0xE;
	v55 =	vmul.f32 v48, v53;
	v1 =	vadd.f32 v52, v1  }
0x46: {  	v57 =	vld [tilespmem:$0x1500]  }
0x47: {  	v0 =	vbroadcast v0, $0xF;
	v58 =	vmul.f32 v51, v56;
	v1 =	vadd.f32 v55, v1  }
0x48: {  	v59 =	vld [tilespmem:$0x1510]  }
0x49: {  	v60 =	vbroadcast v7, $0x0;
	v0 =	vmul.f32 v54, v0;
	v1 =	vadd.f32 v58, v1  }
0x4a: {  	v61 =	vld [tilespmem:$0x1520]  }
0x4b: {  	v63 =	vbroadcast v7, $0x1;
	v62 =	vmul.f32 v57, v60;
	v0 =	vadd.f32 v0, v1  }
0x4c: {  	v8 =	vld [tilespmem:$0x1530]  }
0x4d: {  	v10 =	vbroadcast v7, $0x2;
	v9 =	vmul.f32 v59, v63;
	v0 =	vadd.f32 v62, v0  }
0x4e: {  	v11 =	vld [tilespmem:$0x1540]  }
0x4f: {  	v13 =	vbroadcast v7, $0x3;
	v12 =	vmul.f32 v61, v10;
	v0 =	vadd.f32 v9, v0  }
0x50: {  	v14 =	vld [tilespmem:$0x1550]  }
0x51: {  	v16 =	vbroadcast v7, $0x4;
	v15 =	vmul.f32 v8, v13;
	v0 =	vadd.f32 v12, v0  }
0x52: {  	v17 =	vld [tilespmem:$0x1560]  }
0x53: {  	v19 =	vbroadcast v7, $0x5;
	v18 =	vmul.f32 v11, v16;
	v0 =	vadd.f32 v15, v0  }
0x54: {  	v20 =	vld [tilespmem:$0x1570]  }
0x55: {  	v21 =	vmul.f32 v14, v19;
	v22 =	vbroadcast v7, $0x6;
	v0 =	vadd.f32 v18, v0  }
0x56: {  	v23 =	vld [tilespmem:$0x1580]  }
0x57: {  	v24 =	vmul.f32 v17, v22;
	v25 =	vbroadcast v7, $0x7;
	v0 =	vadd.f32 v21, v0  }
0x58: {  	v26 =	vld [tilespmem:$0x1590]  }
0x59: {  	v27 =	vmul.f32 v20, v25;
	v28 =	vbroadcast v7, $0x8;
	v0 =	vadd.f32 v24, v0  }
0x5a: {  	v29 =	vld [tilespmem:$0x15A0]  }
0x5b: {  	v30 =	vmul.f32 v23, v28;
	v31 =	vbroadcast v7, $0x9;
	v0 =	vadd.f32 v27, v0  }
0x5c: {  	v32 =	vld [tilespmem:$0x15B0]  }
0x5d: {  	v33 =	vmul.f32 v26, v31;
	v34 =	vbroadcast v7, $0xA;
	v0 =	vadd.f32 v30, v0  }
0x5e: {  	v35 =	vld [tilespmem:$0x15C0]  }
0x5f: {  	v36 =	vmul.f32 v29, v34;
	v37 =	vbroadcast v7, $0xB;
	v0 =	vadd.f32 v33, v0  }
0x60: {  	v38 =	vld [tilespmem:$0x15D0]  }
0x61: {  	v39 =	vmul.f32 v32, v37;
	v40 =	vbroadcast v7, $0xC;
	v0 =	vadd.f32 v36, v0  }
0x62: {  	v41 =	vld [tilespmem:$0x15E0]  }
0x63: {  	v44 =	vld [tilespmem:$0x15F0];
	v42 =	vmul.f32 v35, v40;
	v43 =	vbroadcast v7, $0xD;
	v0 =	vadd.f32 v39, v0  }
0x64: {  	v45 =	vld [tilespmem:$0x2420]  }
0x65: {  	v47 =	vbroadcast v7, $0xE;
	v46 =	vmul.f32 v38, v43;
	v0 =	vadd.f32 v42, v0  }
0x66: {  	v48 =	vld [tilespmem:$0x1600]  }
0x67: {  	v50 =	vbroadcast v7, $0xF;
	v49 =	vmul.f32 v41, v47;
	v0 =	vadd.f32 v46, v0  }
0x68: {  	v51 =	vld [tilespmem:$0x1610]  }
0x69: {  	v53 =	vbroadcast v45, $0x0;
	v52 =	vmul.f32 v44, v50;
	v0 =	vadd.f32 v49, v0  }
0x6a: {  	v54 =	vld [tilespmem:$0x1620]  }
0x6b: {  	v56 =	vbroadcast v45, $0x1;
	v55 =	vmul.f32 v48, v53;
	v0 =	vadd.f32 v52, v0  }
0x6c: {  	v57 =	vld [tilespmem:$0x1630]  }
0x6d: {  	v59 =	vbroadcast v45, $0x2;
	v58 =	vmul.f32 v51, v56;
	v0 =	vadd.f32 v55, v0  }
0x6e: {  	v60 =	vld [tilespmem:$0x1640]  }
0x6f: {  	v61 =	vmul.f32 v54, v59;
	v62 =	vbroadcast v45, $0x3;
	v0 =	vadd.f32 v58, v0  }
0x70: {  	v63 =	vld [tilespmem:$0x1650]  }
0x71: {  	v8 =	vmul.f32 v57, v62;
	v9 =	vbroadcast v45, $0x4;
	v0 =	vadd.f32 v61, v0  }
0x72: {  	v10 =	vld [tilespmem:$0x1660]  }
0x73: {  	v11 =	vmul.f32 v60, v9;
	v12 =	vbroadcast v45, $0x5;
	v0 =	vadd.f32 v8, v0  }
0x74: {  	v13 =	vld [tilespmem:$0x1670]  }
0x75: {  	v14 =	vmul.f32 v63, v12;
	v15 =	vbroadcast v45, $0x6;
	v0 =	vadd.f32 v11, v0  }
0x76: {  	v16 =	vld [tilespmem:$0x1680]  }
0x77: {  	v17 =	vmul.f32 v10, v15;
	v18 =	vbroadcast v45, $0x7;
	v0 =	vadd.f32 v14, v0  }
0x78: {  	v19 =	vld [tilespmem:$0x1690]  }
0x79: {  	v20 =	vmul.f32 v13, v18;
	v21 =	vbroadcast v45, $0x8;
	v0 =	vadd.f32 v17, v0  }
0x7a: {  	v22 =	vld [tilespmem:$0x16A0]  }
0x7b: {  	v23 =	vmul.f32 v16, v21;
	v24 =	vbroadcast v45, $0x9;
	v0 =	vadd.f32 v20, v0  }
0x7c: {  	v25 =	vld [tilespmem:$0x16B0]  }
0x7d: {  	v26 =	vmul.f32 v19, v24;
	v27 =	vbroadcast v45, $0xA;
	v0 =	vadd.f32 v23, v0  }
0x7e: {  	v28 =	vld [tilespmem:$0x16C0]  }
0x7f: {  	v29 =	vmul.f32 v22, v27;
	v30 =	vbroadcast v45, $0xB;
	v0 =	vadd.f32 v26, v0  }
0x80: {  	v31 =	vld [tilespmem:$0x16D0]  }
0x81: {  	v32 =	vmul.f32 v25, v30;
	v33 =	vbroadcast v45, $0xC;
	v0 =	vadd.f32 v29, v0  }
0x82: {  	v34 =	vld [tilespmem:$0x16E0]  }
0x83: {  	v37 =	vld [tilespmem:$0x16F0];
	v35 =	vmul.f32 v28, v33;
	v36 =	vbroadcast v45, $0xD;
	v0 =	vadd.f32 v32, v0  }
0x84: {  	v38 =	vld [tilespmem:$0x2430]  }
0x85: {  	v40 =	vbroadcast v45, $0xE;
	v39 =	vmul.f32 v31, v36;
	v0 =	vadd.f32 v35, v0  }
0x86: {  	v41 =	vld [tilespmem:$0x1700]  }
0x87: {  	v43 =	vbroadcast v45, $0xF;
	v42 =	vmul.f32 v34, v40;
	v0 =	vadd.f32 v39, v0  }
0x88: {  	v44 =	vld [tilespmem:$0x1710]  }
0x89: {  	v45 =	vmul.f32 v37, v43;
	v46 =	vbroadcast v38, $0x0;
	v0 =	vadd.f32 v42, v0  }
0x8a: {  	v47 =	vld [tilespmem:$0x1720]  }
0x8b: {  	v48 =	vmul.f32 v41, v46;
	v49 =	vbroadcast v38, $0x1;
	v0 =	vadd.f32 v45, v0  }
0x8c: {  	v50 =	vld [tilespmem:$0x1730]  }
0x8d: {  	v51 =	vmul.f32 v44, v49;
	v52 =	vbroadcast v38, $0x2;
	v0 =	vadd.f32 v48, v0  }
0x8e: {  	v53 =	vld [tilespmem:$0x1740]  }
0x8f: {  	v54 =	vmul.f32 v47, v52;
	v55 =	vbroadcast v38, $0x3;
	v0 =	vadd.f32 v51, v0  }
0x90: {  	v56 =	vld [tilespmem:$0x1750]  }
0x91: {  	v57 =	vmul.f32 v50, v55;
	v58 =	vbroadcast v38, $0x4;
	v0 =	vadd.f32 v54, v0  }
0x92: {  	v59 =	vld [tilespmem:$0x1760]  }
0x93: {  	v60 =	vmul.f32 v53, v58;
	v61 =	vbroadcast v38, $0x5;
	v0 =	vadd.f32 v57, v0  }
0x94: {  	v62 =	vld [tilespmem:$0x1770]  }
0x95: {  	v6 =	vbroadcast v38, $0x6;
	v63 =	vmul.f32 v56, v61;
	v0 =	vadd.f32 v60, v0  }
0x96: {  	v8 =	vld [tilespmem:$0x1780]  }
0x97: {  	v9 =	vmul.f32 v59, v6;
	v10 =	vbroadcast v38, $0x7;
	v0 =	vadd.f32 v63, v0  }
0x98: {  	v11 =	vld [tilespmem:$0x1790]  }
0x99: {  	v12 =	vmul.f32 v62, v10;
	v13 =	vbroadcast v38, $0x8;
	v0 =	vadd.f32 v9, v0  }
0x9a: {  	v14 =	vld [tilespmem:$0x17A0]  }
0x9b: {  	v16 =	vbroadcast v38, $0x9;
	v15 =	vmul.f32 v8, v13;
	v0 =	vadd.f32 v12, v0  }
0x9c: {  	v17 =	vld [tilespmem:$0x17B0]  }
0x9d: {  	v19 =	vbroadcast v38, $0xA;
	v18 =	vmul.f32 v11, v16;
	v0 =	vadd.f32 v15, v0  }
0x9e: {  	v20 =	vld [tilespmem:$0x17C0]  }
0x9f: {  	v22 =	vbroadcast v38, $0xB;
	v21 =	vmul.f32 v14, v19;
	v0 =	vadd.f32 v18, v0  }
0xa0: {  	v23 =	vld [tilespmem:$0x17D0]  }
0xa1: {  	v25 =	vbroadcast v38, $0xC;
	v24 =	vmul.f32 v17, v22;
	v0 =	vadd.f32 v21, v0  }
0xa2: {  	v26 =	vld [tilespmem:$0x17E0]  }
0xa3: {  	v30 =	vld [tilespmem:$0x2440];
	v28 =	vbroadcast v38, $0xD;
	v27 =	vmul.f32 v20, v25;
	v0 =	vadd.f32 v24, v0  }
0xa4: {  	v29 =	vld [tilespmem:$0x17F0]  }
0xa5: {  	v31 =	vmul.f32 v23, v28;
	v32 =	vbroadcast v38, $0xE;
	v0 =	vadd.f32 v27, v0  }
0xa6: {  	v33 =	vld [tilespmem:$0x1800]  }
0xa7: {  	v34 =	vmul.f32 v26, v32;
	v35 =	vbroadcast v38, $0xF;
	v0 =	vadd.f32 v31, v0  }
0xa8: {  	v36 =	vld [tilespmem:$0x1810]  }
0xa9: {  	v38 =	vbroadcast v30, $0x0;
	v37 =	vmul.f32 v29, v35;
	v0 =	vadd.f32 v34, v0  }
0xaa: {  	v39 =	vld [tilespmem:$0x1820]  }
0xab: {  	v41 =	vbroadcast v30, $0x1;
	v40 =	vmul.f32 v33, v38;
	v0 =	vadd.f32 v37, v0  }
0xac: {  	v42 =	vld [tilespmem:$0x1830]  }
0xad: {  	v43 =	vmul.f32 v36, v41;
	v44 =	vbroadcast v30, $0x2;
	v0 =	vadd.f32 v40, v0  }
0xae: {  	v45 =	vld [tilespmem:$0x1840]  }
0xaf: {  	v47 =	vbroadcast v30, $0x3;
	v46 =	vmul.f32 v39, v44;
	v0 =	vadd.f32 v43, v0  }
0xb0: {  	v48 =	vld [tilespmem:$0x1850]  }
0xb1: {  	v50 =	vbroadcast v30, $0x4;
	v49 =	vmul.f32 v42, v47;
	v0 =	vadd.f32 v46, v0  }
0xb2: {  	v51 =	vld [tilespmem:$0x1860]  }
0xb3: {  	v53 =	vbroadcast v30, $0x5;
	v52 =	vmul.f32 v45, v50;
	v0 =	vadd.f32 v49, v0  }
0xb4: {  	v54 =	vld [tilespmem:$0x1870]  }
0xb5: {  	v56 =	vbroadcast v30, $0x6;
	v55 =	vmul.f32 v48, v53;
	v0 =	vadd.f32 v52, v0  }
0xb6: {  	v57 =	vld [tilespmem:$0x1880]  }
0xb7: {  	v59 =	vbroadcast v30, $0x7;
	v58 =	vmul.f32 v51, v56;
	v0 =	vadd.f32 v55, v0  }
0xb8: {  	v60 =	vld [tilespmem:$0x1890]  }
0xb9: {  	v62 =	vbroadcast v30, $0x8;
	v61 =	vmul.f32 v54, v59;
	v0 =	vadd.f32 v58, v0  }
0xba: {  	v63 =	vld [tilespmem:$0x18A0]  }
0xbb: {  	v8 =	vmul.f32 v57, v62;
	v9 =	vbroadcast v30, $0x9;
	v0 =	vadd.f32 v61, v0  }
0xbc: {  	v10 =	vld [tilespmem:$0x18B0]  }
0xbd: {  	v11 =	vmul.f32 v60, v9;
	v12 =	vbroadcast v30, $0xA;
	v0 =	vadd.f32 v8, v0  }
0xbe: {  	v13 =	vld [tilespmem:$0x18C0]  }
0xbf: {  	v14 =	vmul.f32 v63, v12;
	v15 =	vbroadcast v30, $0xB;
	v0 =	vadd.f32 v11, v0  }
0xc0: {  	v16 =	vld [tilespmem:$0x18D0]  }
0xc1: {  	v17 =	vmul.f32 v10, v15;
	v18 =	vbroadcast v30, $0xC;
	v0 =	vadd.f32 v14, v0  }
0xc2: {  	v19 =	vld [tilespmem:$0x18E0]  }
0xc3: {  	v22 =	vld [tilespmem:$0x18F0];
	v20 =	vmul.f32 v13, v18;
	v21 =	vbroadcast v30, $0xD;
	v0 =	vadd.f32 v17, v0  }
0xc4: {  	v23 =	vld [tilespmem:$0x2450]  }
0xc5: {  	v25 =	vbroadcast v30, $0xE;
	v24 =	vmul.f32 v16, v21;
	v0 =	vadd.f32 v20, v0  }
0xc6: {  	v26 =	vld [tilespmem:$0x1900]  }
0xc7: {  	v28 =	vbroadcast v30, $0xF;
	v27 =	vmul.f32 v19, v25;
	v0 =	vadd.f32 v24, v0  }
0xc8: {  	v29 =	vld [tilespmem:$0x1910]  }
0xc9: {  	v30 =	vmul.f32 v22, v28;
	v31 =	vbroadcast v23, $0x0;
	v0 =	vadd.f32 v27, v0  }
0xca: {  	v32 =	vld [tilespmem:$0x1920]  }
0xcb: {  	v33 =	vmul.f32 v26, v31;
	v34 =	vbroadcast v23, $0x1;
	v0 =	vadd.f32 v30, v0  }
0xcc: {  	v35 =	vld [tilespmem:$0x1930]  }
0xcd: {  	v36 =	vmul.f32 v29, v34;
	v37 =	vbroadcast v23, $0x2;
	v0 =	vadd.f32 v33, v0  }
0xce: {  	v38 =	vld [tilespmem:$0x1940]  }
0xcf: {  	v39 =	vmul.f32 v32, v37;
	v40 =	vbroadcast v23, $0x3;
	v0 =	vadd.f32 v36, v0  }
0xd0: {  	v41 =	vld [tilespmem:$0x1950]  }
0xd1: {  	v42 =	vmul.f32 v35, v40;
	v43 =	vbroadcast v23, $0x4;
	v0 =	vadd.f32 v39, v0  }
0xd2: {  	v44 =	vld [tilespmem:$0x1960]  }
0xd3: {  	v45 =	vmul.f32 v38, v43;
	v46 =	vbroadcast v23, $0x5;
	v0 =	vadd.f32 v42, v0  }
0xd4: {  	v47 =	vld [tilespmem:$0x1970]  }
0xd5: {  	v48 =	vmul.f32 v41, v46;
	v49 =	vbroadcast v23, $0x6;
	v0 =	vadd.f32 v45, v0  }
0xd6: {  	v50 =	vld [tilespmem:$0x1980]  }
0xd7: {  	v51 =	vmul.f32 v44, v49;
	v52 =	vbroadcast v23, $0x7;
	v0 =	vadd.f32 v48, v0  }
0xd8: {  	v53 =	vld [tilespmem:$0x1990]  }
0xd9: {  	v54 =	vmul.f32 v47, v52;
	v55 =	vbroadcast v23, $0x8;
	v0 =	vadd.f32 v51, v0  }
0xda: {  	v56 =	vld [tilespmem:$0x19A0]  }
0xdb: {  	v57 =	vmul.f32 v50, v55;
	v58 =	vbroadcast v23, $0x9;
	v0 =	vadd.f32 v54, v0  }
0xdc: {  	v59 =	vld [tilespmem:$0x19B0]  }
0xdd: {  	v60 =	vmul.f32 v53, v58;
	v61 =	vbroadcast v23, $0xA;
	v0 =	vadd.f32 v57, v0  }
0xde: {  	v62 =	vld [tilespmem:$0x19C0]  }
0xdf: {  	v63 =	vmul.f32 v56, v61;
	v8 =	vbroadcast v23, $0xB;
	v0 =	vadd.f32 v60, v0  }
0xe0: {  	v9 =	vld [tilespmem:$0x19D0]  }
0xe1: {  	v10 =	vmul.f32 v59, v8;
	v11 =	vbroadcast v23, $0xC;
	v0 =	vadd.f32 v63, v0  }
0xe2: {  	v12 =	vld [tilespmem:$0x19E0]  }
0xe3: {  	v15 =	vld [tilespmem:$0x19F0];
	v13 =	vmul.f32 v62, v11;
	v14 =	vbroadcast v23, $0xD;
	v0 =	vadd.f32 v10, v0  }
0xe4: {  	v16 =	vld [tilespmem:$0x2460]  }
0xe5: {  	v18 =	vbroadcast v23, $0xE;
	v17 =	vmul.f32 v9, v14;
	v0 =	vadd.f32 v13, v0  }
0xe6: {  	v19 =	vld [tilespmem:$0x1A00]  }
0xe7: {  	v21 =	vbroadcast v23, $0xF;
	v20 =	vmul.f32 v12, v18;
	v0 =	vadd.f32 v17, v0  }
0xe8: {  	v22 =	vld [tilespmem:$0x1A10]  }
0xe9: {  	v23 =	vmul.f32 v15, v21;
	v24 =	vbroadcast v16, $0x0;
	v0 =	vadd.f32 v20, v0  }
0xea: {  	v25 =	vld [tilespmem:$0x1A20]  }
0xeb: {  	v26 =	vmul.f32 v19, v24;
	v27 =	vbroadcast v16, $0x1;
	v0 =	vadd.f32 v23, v0  }
0xec: {  	v28 =	vld [tilespmem:$0x1A30]  }
0xed: {  	v29 =	vmul.f32 v22, v27;
	v30 =	vbroadcast v16, $0x2;
	v0 =	vadd.f32 v26, v0  }
0xee: {  	v31 =	vld [tilespmem:$0x1A40]  }
0xef: {  	v32 =	vmul.f32 v25, v30;
	v33 =	vbroadcast v16, $0x3;
	v0 =	vadd.f32 v29, v0  }
0xf0: {  	v34 =	vld [tilespmem:$0x1A50]  }
0xf1: {  	v35 =	vmul.f32 v28, v33;
	v36 =	vbroadcast v16, $0x4;
	v0 =	vadd.f32 v32, v0  }
0xf2: {  	v37 =	vld [tilespmem:$0x1A60]  }
0xf3: {  	v38 =	vmul.f32 v31, v36;
	v39 =	vbroadcast v16, $0x5;
	v0 =	vadd.f32 v35, v0  }
0xf4: {  	v40 =	vld [tilespmem:$0x1A70]  }
0xf5: {  	v41 =	vmul.f32 v34, v39;
	v42 =	vbroadcast v16, $0x6;
	v0 =	vadd.f32 v38, v0  }
0xf6: {  	v43 =	vld [tilespmem:$0x1A80]  }
0xf7: {  	v44 =	vmul.f32 v37, v42;
	v45 =	vbroadcast v16, $0x7;
	v0 =	vadd.f32 v41, v0  }
0xf8: {  	v46 =	vld [tilespmem:$0x1A90]  }
0xf9: {  	v47 =	vmul.f32 v40, v45;
	v48 =	vbroadcast v16, $0x8;
	v0 =	vadd.f32 v44, v0  }
0xfa: {  	v49 =	vld [tilespmem:$0x1AA0]  }
0xfb: {  	v50 =	vmul.f32 v43, v48;
	v51 =	vbroadcast v16, $0x9;
	v0 =	vadd.f32 v47, v0  }
0xfc: {  	v52 =	vld [tilespmem:$0x1AB0]  }
0xfd: {  	v53 =	vmul.f32 v46, v51;
	v54 =	vbroadcast v16, $0xA;
	v0 =	vadd.f32 v50, v0  }
0xfe: {  	v55 =	vld [tilespmem:$0x1AC0]  }
0xff: {  	v56 =	vmul.f32 v49, v54;
	v57 =	vbroadcast v16, $0xB;
	v0 =	vadd.f32 v53, v0  }
0x100: {  	v58 =	vld [tilespmem:$0x1AD0]  }
0x101: {  	v59 =	vmul.f32 v52, v57;
	v60 =	vbroadcast v16, $0xC;
	v0 =	vadd.f32 v56, v0  }
0x102: {  	v61 =	vld [tilespmem:$0x1AE0]  }
0x103: {  	v9 =	vld [tilespmem:$0x1AF0];
	v62 =	vmul.f32 v55, v60;
	v63 =	vbroadcast v16, $0xD;
	v0 =	vadd.f32 v59, v0  }
0x104: {  	v10 =	vld [tilespmem:$0x2470]  }
0x105: {  	v12 =	vbroadcast v16, $0xE;
	v11 =	vmul.f32 v58, v63;
	v0 =	vadd.f32 v62, v0  }
0x106: {  	v13 =	vld [tilespmem:$0x1B00]  }
0x107: {  	v15 =	vbroadcast v16, $0xF;
	v14 =	vmul.f32 v61, v12;
	v0 =	vadd.f32 v11, v0  }
0x108: {  	v16 =	vld [tilespmem:$0x1B10]  }
0x109: {  	v17 =	vmul.f32 v9, v15;
	v18 =	vbroadcast v10, $0x0;
	v0 =	vadd.f32 v14, v0  }
0x10a: {  	v19 =	vld [tilespmem:$0x1B20]  }
0x10b: {  	v21 =	vbroadcast v10, $0x1;
	v20 =	vmul.f32 v13, v18;
	v0 =	vadd.f32 v17, v0  }
0x10c: {  	v22 =	vld [tilespmem:$0x1B30]  }
0x10d: {  	v24 =	vbroadcast v10, $0x2;
	v23 =	vmul.f32 v16, v21;
	v0 =	vadd.f32 v20, v0  }
0x10e: {  	v25 =	vld [tilespmem:$0x1B40]  }
0x10f: {  	v27 =	vbroadcast v10, $0x3;
	v26 =	vmul.f32 v19, v24;
	v0 =	vadd.f32 v23, v0  }
0x110: {  	v28 =	vld [tilespmem:$0x1B50]  }
0x111: {  	v30 =	vbroadcast v10, $0x4;
	v29 =	vmul.f32 v22, v27;
	v0 =	vadd.f32 v26, v0  }
0x112: {  	v31 =	vld [tilespmem:$0x1B60]  }
0x113: {  	v33 =	vbroadcast v10, $0x5;
	v32 =	vmul.f32 v25, v30;
	v0 =	vadd.f32 v29, v0  }
0x114: {  	v34 =	vld [tilespmem:$0x1B70]  }
0x115: {  	v36 =	vbroadcast v10, $0x6;
	v35 =	vmul.f32 v28, v33;
	v0 =	vadd.f32 v32, v0  }
0x116: {  	v37 =	vld [tilespmem:$0x1B80]  }
0x117: {  	v39 =	vbroadcast v10, $0x7;
	v38 =	vmul.f32 v31, v36;
	v0 =	vadd.f32 v35, v0  }
0x118: {  	v40 =	vld [tilespmem:$0x1B90]  }
0x119: {  	v42 =	vbroadcast v10, $0x8;
	v41 =	vmul.f32 v34, v39;
	v0 =	vadd.f32 v38, v0  }
0x11a: {  	v43 =	vld [tilespmem:$0x1BA0]  }
0x11b: {  	v45 =	vbroadcast v10, $0x9;
	v44 =	vmul.f32 v37, v42;
	v0 =	vadd.f32 v41, v0  }
0x11c: {  	v46 =	vld [tilespmem:$0x1BB0]  }
0x11d: {  	v48 =	vbroadcast v10, $0xA;
	v47 =	vmul.f32 v40, v45;
	v0 =	vadd.f32 v44, v0  }
0x11e: {  	v49 =	vld [tilespmem:$0x1BC0]  }
0x11f: {  	v51 =	vbroadcast v10, $0xB;
	v50 =	vmul.f32 v43, v48;
	v0 =	vadd.f32 v47, v0  }
0x120: {  	v52 =	vld [tilespmem:$0x1BD0]  }
0x121: {  	v54 =	vbroadcast v10, $0xC;
	v53 =	vmul.f32 v46, v51;
	v0 =	vadd.f32 v50, v0  }
0x122: {  	v55 =	vld [tilespmem:$0x1BE0]  }
0x123: {  	v58 =	vld [tilespmem:$0x1BF0];
	v57 =	vbroadcast v10, $0xD;
	v56 =	vmul.f32 v49, v54;
	v0 =	vadd.f32 v53, v0  }
0x124: {  	v59 =	vld [tilespmem:$0x2480]  }
0x125: {  	v61 =	vbroadcast v10, $0xE;
	v60 =	vmul.f32 v52, v57;
	v0 =	vadd.f32 v56, v0  }
0x126: {  	v62 =	vld [tilespmem:$0x1C00]  }
0x127: {  	v8 =	vbroadcast v10, $0xF;
	v63 =	vmul.f32 v55, v61;
	v0 =	vadd.f32 v60, v0  }
0x128: {  	v9 =	vld [tilespmem:$0x1C10]  }
0x129: {  	v10 =	vmul.f32 v58, v8;
	v11 =	vbroadcast v59, $0x0;
	v0 =	vadd.f32 v63, v0  }
0x12a: {  	v12 =	vld [tilespmem:$0x1C20]  }
0x12b: {  	v14 =	vbroadcast v59, $0x1;
	v13 =	vmul.f32 v62, v11;
	v0 =	vadd.f32 v10, v0  }
0x12c: {  	v15 =	vld [tilespmem:$0x1C30]  }
0x12d: {  	v16 =	vmul.f32 v9, v14;
	v17 =	vbroadcast v59, $0x2;
	v0 =	vadd.f32 v13, v0  }
0x12e: {  	v18 =	vld [tilespmem:$0x1C40]  }
0x12f: {  	v19 =	vmul.f32 v12, v17;
	v20 =	vbroadcast v59, $0x3;
	v0 =	vadd.f32 v16, v0  }
0x130: {  	v21 =	vld [tilespmem:$0x1C50]  }
0x131: {  	v22 =	vmul.f32 v15, v20;
	v23 =	vbroadcast v59, $0x4;
	v0 =	vadd.f32 v19, v0  }
0x132: {  	v24 =	vld [tilespmem:$0x1C60]  }
0x133: {  	v25 =	vmul.f32 v18, v23;
	v26 =	vbroadcast v59, $0x5;
	v0 =	vadd.f32 v22, v0  }
0x134: {  	v27 =	vld [tilespmem:$0x1C70]  }
0x135: {  	v28 =	vmul.f32 v21, v26;
	v29 =	vbroadcast v59, $0x6;
	v0 =	vadd.f32 v25, v0  }
0x136: {  	v30 =	vld [tilespmem:$0x1C80]  }
0x137: {  	v31 =	vmul.f32 v24, v29;
	v32 =	vbroadcast v59, $0x7;
	v0 =	vadd.f32 v28, v0  }
0x138: {  	v33 =	vld [tilespmem:$0x1C90]  }
0x139: {  	v34 =	vmul.f32 v27, v32;
	v35 =	vbroadcast v59, $0x8;
	v0 =	vadd.f32 v31, v0  }
0x13a: {  	v36 =	vld [tilespmem:$0x1CA0]  }
0x13b: {  	v37 =	vmul.f32 v30, v35;
	v38 =	vbroadcast v59, $0x9;
	v0 =	vadd.f32 v34, v0  }
0x13c: {  	v39 =	vld [tilespmem:$0x1CB0]  }
0x13d: {  	v40 =	vmul.f32 v33, v38;
	v41 =	vbroadcast v59, $0xA;
	v0 =	vadd.f32 v37, v0  }
0x13e: {  	v42 =	vld [tilespmem:$0x1CC0]  }
0x13f: {  	v43 =	vmul.f32 v36, v41;
	v44 =	vbroadcast v59, $0xB;
	v0 =	vadd.f32 v40, v0  }
0x140: {  	v45 =	vld [tilespmem:$0x1CD0]  }
0x141: {  	v46 =	vmul.f32 v39, v44;
	v47 =	vbroadcast v59, $0xC;
	v0 =	vadd.f32 v43, v0  }
0x142: {  	v48 =	vld [tilespmem:$0x1CE0]  }
0x143: {  	v52 =	vld [tilespmem:$0x2490];
	v49 =	vmul.f32 v42, v47;
	v50 =	vbroadcast v59, $0xD;
	v0 =	vadd.f32 v46, v0  }
0x144: {  	v51 =	vld [tilespmem:$0x1CF0]  }
0x145: {  	v54 =	vbroadcast v59, $0xE;
	v53 =	vmul.f32 v45, v50;
	v0 =	vadd.f32 v49, v0  }
0x146: {  	v55 =	vld [tilespmem:$0x1D00]  }
0x147: {  	v57 =	vbroadcast v59, $0xF;
	v56 =	vmul.f32 v48, v54;
	v0 =	vadd.f32 v53, v0  }
0x148: {  	v58 =	vld [tilespmem:$0x1D10]  }
0x149: {  	v59 =	vmul.f32 v51, v57;
	v60 =	vbroadcast v52, $0x0;
	v0 =	vadd.f32 v56, v0  }
0x14a: {  	v61 =	vld [tilespmem:$0x1D20]  }
0x14b: {  	v62 =	vmul.f32 v55, v60;
	v63 =	vbroadcast v52, $0x1;
	v0 =	vadd.f32 v59, v0  }
0x14c: {  	v8 =	vld [tilespmem:$0x1D30]  }
0x14d: {  	v9 =	vmul.f32 v58, v63;
	v10 =	vbroadcast v52, $0x2;
	v0 =	vadd.f32 v62, v0  }
0x14e: {  	v11 =	vld [tilespmem:$0x1D40]  }
0x14f: {  	v12 =	vmul.f32 v61, v10;
	v13 =	vbroadcast v52, $0x3;
	v0 =	vadd.f32 v9, v0  }
0x150: {  	v14 =	vld [tilespmem:$0x1D50]  }
0x151: {  	v15 =	vmul.f32 v8, v13;
	v16 =	vbroadcast v52, $0x4;
	v0 =	vadd.f32 v12, v0  }
0x152: {  	v17 =	vld [tilespmem:$0x1D60]  }
0x153: {  	v18 =	vmul.f32 v11, v16;
	v19 =	vbroadcast v52, $0x5;
	v0 =	vadd.f32 v15, v0  }
0x154: {  	v20 =	vld [tilespmem:$0x1D70]  }
0x155: {  	v21 =	vmul.f32 v14, v19;
	v22 =	vbroadcast v52, $0x6;
	v0 =	vadd.f32 v18, v0  }
0x156: {  	v23 =	vld [tilespmem:$0x1D80]  }
0x157: {  	v24 =	vmul.f32 v17, v22;
	v25 =	vbroadcast v52, $0x7;
	v0 =	vadd.f32 v21, v0  }
0x158: {  	v26 =	vld [tilespmem:$0x1D90]  }
0x159: {  	v27 =	vmul.f32 v20, v25;
	v28 =	vbroadcast v52, $0x8;
	v0 =	vadd.f32 v24, v0  }
0x15a: {  	v29 =	vld [tilespmem:$0x1DA0]  }
0x15b: {  	v30 =	vmul.f32 v23, v28;
	v31 =	vbroadcast v52, $0x9;
	v0 =	vadd.f32 v27, v0  }
0x15c: {  	v32 =	vld [tilespmem:$0x1DB0]  }
0x15d: {  	v33 =	vmul.f32 v26, v31;
	v34 =	vbroadcast v52, $0xA;
	v0 =	vadd.f32 v30, v0  }
0x15e: {  	v35 =	vld [tilespmem:$0x1DC0]  }
0x15f: {  	v36 =	vmul.f32 v29, v34;
	v37 =	vbroadcast v52, $0xB;
	v0 =	vadd.f32 v33, v0  }
0x160: {  	v38 =	vld [tilespmem:$0x1DD0]  }
0x161: {  	v39 =	vmul.f32 v32, v37;
	v40 =	vbroadcast v52, $0xC;
	v0 =	vadd.f32 v36, v0  }
0x162: {  	v41 =	vld [tilespmem:$0x1DE0]  }
0x163: {  	v44 =	vld [tilespmem:$0x1DF0];
	v42 =	vmul.f32 v35, v40;
	v43 =	vbroadcast v52, $0xD;
	v0 =	vadd.f32 v39, v0  }
0x164: {  	v45 =	vld [tilespmem:$0x24A0]  }
0x165: {  	v47 =	vbroadcast v52, $0xE;
	v46 =	vmul.f32 v38, v43;
	v0 =	vadd.f32 v42, v0  }
0x166: {  	v48 =	vld [tilespmem:$0x1E00]  }
0x167: {  	v50 =	vbroadcast v52, $0xF;
	v49 =	vmul.f32 v41, v47;
	v0 =	vadd.f32 v46, v0  }
0x168: {  	v51 =	vld [tilespmem:$0x1E10]  }
0x169: {  	v52 =	vmul.f32 v44, v50;
	v53 =	vbroadcast v45, $0x0;
	v0 =	vadd.f32 v49, v0  }
0x16a: {  	v54 =	vld [tilespmem:$0x1E20]  }
0x16b: {  	v55 =	vmul.f32 v48, v53;
	v56 =	vbroadcast v45, $0x1;
	v0 =	vadd.f32 v52, v0  }
0x16c: {  	v57 =	vld [tilespmem:$0x1E30]  }
0x16d: {  	v58 =	vmul.f32 v51, v56;
	v59 =	vbroadcast v45, $0x2;
	v0 =	vadd.f32 v55, v0  }
0x16e: {  	v60 =	vld [tilespmem:$0x1E40]  }
0x16f: {  	v61 =	vmul.f32 v54, v59;
	v62 =	vbroadcast v45, $0x3;
	v0 =	vadd.f32 v58, v0  }
0x170: {  	v63 =	vld [tilespmem:$0x1E50]  }
0x171: {  	v8 =	vmul.f32 v57, v62;
	v9 =	vbroadcast v45, $0x4;
	v0 =	vadd.f32 v61, v0  }
0x172: {  	v10 =	vld [tilespmem:$0x1E60]  }
0x173: {  	v11 =	vmul.f32 v60, v9;
	v12 =	vbroadcast v45, $0x5;
	v0 =	vadd.f32 v8, v0  }
0x174: {  	v13 =	vld [tilespmem:$0x1E70]  }
0x175: {  	v14 =	vmul.f32 v63, v12;
	v15 =	vbroadcast v45, $0x6;
	v0 =	vadd.f32 v11, v0  }
0x176: {  	v16 =	vld [tilespmem:$0x1E80]  }
0x177: {  	v17 =	vmul.f32 v10, v15;
	v18 =	vbroadcast v45, $0x7;
	v0 =	vadd.f32 v14, v0  }
0x178: {  	v19 =	vld [tilespmem:$0x1E90]  }
0x179: {  	v20 =	vmul.f32 v13, v18;
	v21 =	vbroadcast v45, $0x8;
	v0 =	vadd.f32 v17, v0  }
0x17a: {  	v22 =	vld [tilespmem:$0x1EA0]  }
0x17b: {  	v23 =	vmul.f32 v16, v21;
	v24 =	vbroadcast v45, $0x9;
	v0 =	vadd.f32 v20, v0  }
0x17c: {  	v25 =	vld [tilespmem:$0x1EB0]  }
0x17d: {  	v26 =	vmul.f32 v19, v24;
	v27 =	vbroadcast v45, $0xA;
	v0 =	vadd.f32 v23, v0  }
0x17e: {  	v28 =	vld [tilespmem:$0x1EC0]  }
0x17f: {  	v29 =	vmul.f32 v22, v27;
	v30 =	vbroadcast v45, $0xB;
	v0 =	vadd.f32 v26, v0  }
0x180: {  	v31 =	vld [tilespmem:$0x1ED0]  }
0x181: {  	v32 =	vmul.f32 v25, v30;
	v33 =	vbroadcast v45, $0xC;
	v0 =	vadd.f32 v29, v0  }
0x182: {  	v34 =	vld [tilespmem:$0x1EE0]  }
0x183: {  	v37 =	vld [tilespmem:$0x1EF0];
	v35 =	vmul.f32 v28, v33;
	v36 =	vbroadcast v45, $0xD;
	v0 =	vadd.f32 v32, v0  }
0x184: {  	v38 =	vld [tilespmem:$0x24B0]  }
0x185: {  	v40 =	vbroadcast v45, $0xE;
	v39 =	vmul.f32 v31, v36;
	v0 =	vadd.f32 v35, v0  }
0x186: {  	v41 =	vld [tilespmem:$0x1F00]  }
0x187: {  	v43 =	vbroadcast v45, $0xF;
	v42 =	vmul.f32 v34, v40;
	v0 =	vadd.f32 v39, v0  }
0x188: {  	v44 =	vld [tilespmem:$0x1F10]  }
0x189: {  	v45 =	vmul.f32 v37, v43;
	v46 =	vbroadcast v38, $0x0;
	v0 =	vadd.f32 v42, v0  }
0x18a: {  	v47 =	vld [tilespmem:$0x1F20]  }
0x18b: {  	v48 =	vmul.f32 v41, v46;
	v49 =	vbroadcast v38, $0x1;
	v0 =	vadd.f32 v45, v0  }
0x18c: {  	v50 =	vld [tilespmem:$0x1F30]  }
0x18d: {  	v51 =	vmul.f32 v44, v49;
	v52 =	vbroadcast v38, $0x2;
	v0 =	vadd.f32 v48, v0  }
0x18e: {  	v53 =	vld [tilespmem:$0x1F40]  }
0x18f: {  	v54 =	vmul.f32 v47, v52;
	v55 =	vbroadcast v38, $0x3;
	v0 =	vadd.f32 v51, v0  }
0x190: {  	v56 =	vld [tilespmem:$0x1F50]  }
0x191: {  	v57 =	vmul.f32 v50, v55;
	v58 =	vbroadcast v38, $0x4;
	v0 =	vadd.f32 v54, v0  }
0x192: {  	v59 =	vld [tilespmem:$0x1F60]  }
0x193: {  	v60 =	vmul.f32 v53, v58;
	v61 =	vbroadcast v38, $0x5;
	v0 =	vadd.f32 v57, v0  }
0x194: {  	v62 =	vld [tilespmem:$0x1F70]  }
0x195: {  	v63 =	vmul.f32 v56, v61;
	v8 =	vbroadcast v38, $0x6;
	v0 =	vadd.f32 v60, v0  }
0x196: {  	v9 =	vld [tilespmem:$0x1F80]  }
0x197: {  	v10 =	vmul.f32 v59, v8;
	v11 =	vbroadcast v38, $0x7;
	v0 =	vadd.f32 v63, v0  }
0x198: {  	v12 =	vld [tilespmem:$0x1F90]  }
0x199: {  	v13 =	vmul.f32 v62, v11;
	v14 =	vbroadcast v38, $0x8;
	v0 =	vadd.f32 v10, v0  }
0x19a: {  	v15 =	vld [tilespmem:$0x1FA0]  }
0x19b: {  	v16 =	vmul.f32 v9, v14;
	v17 =	vbroadcast v38, $0x9;
	v0 =	vadd.f32 v13, v0  }
0x19c: {  	v18 =	vld [tilespmem:$0x1FB0]  }
0x19d: {  	v19 =	vmul.f32 v12, v17;
	v20 =	vbroadcast v38, $0xA;
	v0 =	vadd.f32 v16, v0  }
0x19e: {  	v21 =	vld [tilespmem:$0x1FC0]  }
0x19f: {  	v22 =	vmul.f32 v15, v20;
	v23 =	vbroadcast v38, $0xB;
	v0 =	vadd.f32 v19, v0  }
0x1a0: {  	v24 =	vld [tilespmem:$0x1FD0]  }
0x1a1: {  	v25 =	vmul.f32 v18, v23;
	v26 =	vbroadcast v38, $0xC;
	v0 =	vadd.f32 v22, v0  }
0x1a2: {  	v27 =	vld [tilespmem:$0x1FE0]  }
0x1a3: {  	v30 =	vld [tilespmem:$0x1FF0];
	v28 =	vmul.f32 v21, v26;
	v29 =	vbroadcast v38, $0xD;
	v0 =	vadd.f32 v25, v0  }
0x1a4: {  	v31 =	vld [tilespmem:$0x24C0]  }
0x1a5: {  	v33 =	vbroadcast v38, $0xE;
	v32 =	vmul.f32 v24, v29;
	v0 =	vadd.f32 v28, v0  }
0x1a6: {  	v34 =	vld [tilespmem:$0x2000]  }
0x1a7: {  	v36 =	vbroadcast v38, $0xF;
	v35 =	vmul.f32 v27, v33;
	v0 =	vadd.f32 v32, v0  }
0x1a8: {  	v37 =	vld [tilespmem:$0x2010]  }
0x1a9: {  	v38 =	vmul.f32 v30, v36;
	v39 =	vbroadcast v31, $0x0;
	v0 =	vadd.f32 v35, v0  }
0x1aa: {  	v40 =	vld [tilespmem:$0x2020]  }
0x1ab: {  	v41 =	vmul.f32 v34, v39;
	v42 =	vbroadcast v31, $0x1;
	v0 =	vadd.f32 v38, v0  }
0x1ac: {  	v43 =	vld [tilespmem:$0x2030]  }
0x1ad: {  	v44 =	vmul.f32 v37, v42;
	v45 =	vbroadcast v31, $0x2;
	v0 =	vadd.f32 v41, v0  }
0x1ae: {  	v46 =	vld [tilespmem:$0x2040]  }
0x1af: {  	v47 =	vmul.f32 v40, v45;
	v48 =	vbroadcast v31, $0x3;
	v0 =	vadd.f32 v44, v0  }
0x1b0: {  	v49 =	vld [tilespmem:$0x2050]  }
0x1b1: {  	v50 =	vmul.f32 v43, v48;
	v51 =	vbroadcast v31, $0x4;
	v0 =	vadd.f32 v47, v0  }
0x1b2: {  	v52 =	vld [tilespmem:$0x2060]  }
0x1b3: {  	v53 =	vmul.f32 v46, v51;
	v54 =	vbroadcast v31, $0x5;
	v0 =	vadd.f32 v50, v0  }
0x1b4: {  	v55 =	vld [tilespmem:$0x2070]  }
0x1b5: {  	v56 =	vmul.f32 v49, v54;
	v57 =	vbroadcast v31, $0x6;
	v0 =	vadd.f32 v53, v0  }
0x1b6: {  	v58 =	vld [tilespmem:$0x2080]  }
0x1b7: {  	v59 =	vmul.f32 v52, v57;
	v60 =	vbroadcast v31, $0x7;
	v0 =	vadd.f32 v56, v0  }
0x1b8: {  	v61 =	vld [tilespmem:$0x2090]  }
0x1b9: {  	v62 =	vmul.f32 v55, v60;
	v63 =	vbroadcast v31, $0x8;
	v0 =	vadd.f32 v59, v0  }
0x1ba: {  	v8 =	vld [tilespmem:$0x20A0]  }
0x1bb: {  	v9 =	vmul.f32 v58, v63;
	v10 =	vbroadcast v31, $0x9;
	v0 =	vadd.f32 v62, v0  }
0x1bc: {  	v11 =	vld [tilespmem:$0x20B0]  }
0x1bd: {  	v12 =	vmul.f32 v61, v10;
	v13 =	vbroadcast v31, $0xA;
	v0 =	vadd.f32 v9, v0  }
0x1be: {  	v14 =	vld [tilespmem:$0x20C0]  }
0x1bf: {  	v15 =	vmul.f32 v8, v13;
	v16 =	vbroadcast v31, $0xB;
	v0 =	vadd.f32 v12, v0  }
0x1c0: {  	v17 =	vld [tilespmem:$0x20D0]  }
0x1c1: {  	v18 =	vmul.f32 v11, v16;
	v19 =	vbroadcast v31, $0xC;
	v0 =	vadd.f32 v15, v0  }
0x1c2: {  	v20 =	vld [tilespmem:$0x20E0]  }
0x1c3: {  	v23 =	vld [tilespmem:$0x20F0];
	v21 =	vmul.f32 v14, v19;
	v22 =	vbroadcast v31, $0xD;
	v0 =	vadd.f32 v18, v0  }
0x1c4: {  	v24 =	vld [tilespmem:$0x24D0]  }
0x1c5: {  	v26 =	vbroadcast v31, $0xE;
	v25 =	vmul.f32 v17, v22;
	v0 =	vadd.f32 v21, v0  }
0x1c6: {  	v27 =	vld [tilespmem:$0x2100]  }
0x1c7: {  	v29 =	vbroadcast v31, $0xF;
	v28 =	vmul.f32 v20, v26;
	v0 =	vadd.f32 v25, v0  }
0x1c8: {  	v30 =	vld [tilespmem:$0x2110]  }
0x1c9: {  	v31 =	vmul.f32 v23, v29;
	v32 =	vbroadcast v24, $0x0;
	v0 =	vadd.f32 v28, v0  }
0x1ca: {  	v33 =	vld [tilespmem:$0x2120]  }
0x1cb: {  	v34 =	vmul.f32 v27, v32;
	v35 =	vbroadcast v24, $0x1;
	v0 =	vadd.f32 v31, v0  }
0x1cc: {  	v36 =	vld [tilespmem:$0x2130]  }
0x1cd: {  	v37 =	vmul.f32 v30, v35;
	v38 =	vbroadcast v24, $0x2;
	v0 =	vadd.f32 v34, v0  }
0x1ce: {  	v39 =	vld [tilespmem:$0x2140]  }
0x1cf: {  	v40 =	vmul.f32 v33, v38;
	v41 =	vbroadcast v24, $0x3;
	v0 =	vadd.f32 v37, v0  }
0x1d0: {  	v42 =	vld [tilespmem:$0x2150]  }
0x1d1: {  	v43 =	vmul.f32 v36, v41;
	v44 =	vbroadcast v24, $0x4;
	v0 =	vadd.f32 v40, v0  }
0x1d2: {  	v45 =	vld [tilespmem:$0x2160]  }
0x1d3: {  	v46 =	vmul.f32 v39, v44;
	v47 =	vbroadcast v24, $0x5;
	v0 =	vadd.f32 v43, v0  }
0x1d4: {  	v48 =	vld [tilespmem:$0x2170]  }
0x1d5: {  	v49 =	vmul.f32 v42, v47;
	v50 =	vbroadcast v24, $0x6;
	v0 =	vadd.f32 v46, v0  }
0x1d6: {  	v51 =	vld [tilespmem:$0x2180]  }
0x1d7: {  	v52 =	vmul.f32 v45, v50;
	v53 =	vbroadcast v24, $0x7;
	v0 =	vadd.f32 v49, v0  }
0x1d8: {  	v54 =	vld [tilespmem:$0x2190]  }
0x1d9: {  	v55 =	vmul.f32 v48, v53;
	v56 =	vbroadcast v24, $0x8;
	v0 =	vadd.f32 v52, v0  }
0x1da: {  	v57 =	vld [tilespmem:$0x21A0]  }
0x1db: {  	v58 =	vmul.f32 v51, v56;
	v59 =	vbroadcast v24, $0x9;
	v0 =	vadd.f32 v55, v0  }
0x1dc: {  	v60 =	vld [tilespmem:$0x21B0]  }
0x1dd: {  	v61 =	vmul.f32 v54, v59;
	v62 =	vbroadcast v24, $0xA;
	v0 =	vadd.f32 v58, v0  }
0x1de: {  	v63 =	vld [tilespmem:$0x21C0]  }
0x1df: {  	v8 =	vbroadcast v24, $0xB;
	v6 =	vmul.f32 v57, v62;
	v0 =	vadd.f32 v61, v0  }
0x1e0: {  	v9 =	vld [tilespmem:$0x21D0]  }
0x1e1: {  	v10 =	vmul.f32 v60, v8;
	v11 =	vbroadcast v24, $0xC;
	v0 =	vadd.f32 v6, v0  }
0x1e2: {  	v12 =	vld [tilespmem:$0x21E0]  }
0x1e3: {  	v16 =	vld [tilespmem:$0x24E0];
	v13 =	vmul.f32 v63, v11;
	v14 =	vbroadcast v24, $0xD;
	v0 =	vadd.f32 v10, v0  }
0x1e4: {  	v15 =	vld [tilespmem:$0x21F0]  }
0x1e5: {  	v17 =	vmul.f32 v9, v14;
	v18 =	vbroadcast v24, $0xE;
	v0 =	vadd.f32 v13, v0  }
0x1e6: {  	v19 =	vld [tilespmem:$0x2200]  }
0x1e7: {  	v20 =	vmul.f32 v12, v18;
	v21 =	vbroadcast v24, $0xF;
	v0 =	vadd.f32 v17, v0  }
0x1e8: {  	v22 =	vld [tilespmem:$0x2210]  }
0x1e9: {  	v24 =	vbroadcast v16, $0x0;
	v23 =	vmul.f32 v15, v21;
	v0 =	vadd.f32 v20, v0  }
0x1ea: {  	v25 =	vld [tilespmem:$0x2220]  }
0x1eb: {  	v27 =	vbroadcast v16, $0x1;
	v26 =	vmul.f32 v19, v24;
	v0 =	vadd.f32 v23, v0  }
0x1ec: {  	v28 =	vld [tilespmem:$0x2230]  }
0x1ed: {  	v29 =	vmul.f32 v22, v27;
	v30 =	vbroadcast v16, $0x2;
	v0 =	vadd.f32 v26, v0  }
0x1ee: {  	v31 =	vld [tilespmem:$0x2240]  }
0x1ef: {  	v33 =	vbroadcast v16, $0x3;
	v32 =	vmul.f32 v25, v30;
	v0 =	vadd.f32 v29, v0  }
0x1f0: {  	v34 =	vld [tilespmem:$0x2250]  }
0x1f1: {  	v36 =	vbroadcast v16, $0x4;
	v35 =	vmul.f32 v28, v33;
	v0 =	vadd.f32 v32, v0  }
0x1f2: {  	v37 =	vld [tilespmem:$0x2260]  }
0x1f3: {  	v39 =	vbroadcast v16, $0x5;
	v38 =	vmul.f32 v31, v36;
	v0 =	vadd.f32 v35, v0  }
0x1f4: {  	v40 =	vld [tilespmem:$0x2270]  }
0x1f5: {  	v42 =	vbroadcast v16, $0x6;
	v41 =	vmul.f32 v34, v39;
	v0 =	vadd.f32 v38, v0  }
0x1f6: {  	v43 =	vld [tilespmem:$0x2280]  }
0x1f7: {  	v45 =	vbroadcast v16, $0x7;
	v44 =	vmul.f32 v37, v42;
	v0 =	vadd.f32 v41, v0  }
0x1f8: {  	v46 =	vld [tilespmem:$0x2290]  }
0x1f9: {  	v48 =	vbroadcast v16, $0x8;
	v47 =	vmul.f32 v40, v45;
	v0 =	vadd.f32 v44, v0  }
0x1fa: {  	v49 =	vld [tilespmem:$0x22A0]  }
0x1fb: {  	v51 =	vbroadcast v16, $0x9;
	v50 =	vmul.f32 v43, v48;
	v0 =	vadd.f32 v47, v0  }
0x1fc: {  	v52 =	vld [tilespmem:$0x22B0]  }
0x1fd: {  	v54 =	vbroadcast v16, $0xA;
	v53 =	vmul.f32 v46, v51;
	v0 =	vadd.f32 v50, v0  }
0x1fe: {  	v55 =	vld [tilespmem:$0x22C0]  }
0x1ff: {  	v57 =	vbroadcast v16, $0xB;
	v56 =	vmul.f32 v49, v54;
	v0 =	vadd.f32 v53, v0  }
0x200: {  	v58 =	vld [tilespmem:$0x22D0]  }
0x201: {  	v60 =	vbroadcast v16, $0xC;
	v59 =	vmul.f32 v52, v57;
	v0 =	vadd.f32 v56, v0  }
0x202: {  	v61 =	vld [tilespmem:$0x22E0]  }
0x203: {  	v63 =	vbroadcast v16, $0xD;
	v9 =	vld [tilespmem:$0x22F0];
	v62 =	vmul.f32 v55, v60;
	v0 =	vadd.f32 v59, v0  }
0x204: {  	v10 =	vld [tilespmem:$0x24F0]  }
0x205: {  	v12 =	vbroadcast v16, $0xE;
	v11 =	vmul.f32 v58, v63;
	v0 =	vadd.f32 v62, v0  }
0x206: {  	v13 =	vld [tilespmem:$0x2300]  }
0x207: {  	v15 =	vbroadcast v16, $0xF;
	v14 =	vmul.f32 v61, v12;
	v0 =	vadd.f32 v11, v0  }
0x208: {  	v16 =	vld [tilespmem:$0x2310]  }
0x209: {  	v17 =	vmul.f32 v9, v15;
	v18 =	vbroadcast v10, $0x0;
	v0 =	vadd.f32 v14, v0  }
0x20a: {  	v19 =	vld [tilespmem:$0x2320]  }
0x20b: {  	v21 =	vbroadcast v10, $0x1;
	v20 =	vmul.f32 v13, v18;
	v0 =	vadd.f32 v17, v0  }
0x20c: {  	v22 =	vld [tilespmem:$0x2330]  }
0x20d: {  	v24 =	vbroadcast v10, $0x2;
	v23 =	vmul.f32 v16, v21;
	v0 =	vadd.f32 v20, v0  }
0x20e: {  	v25 =	vld [tilespmem:$0x2340]  }
0x20f: {  	v27 =	vbroadcast v10, $0x3;
	v26 =	vmul.f32 v19, v24;
	v0 =	vadd.f32 v23, v0  }
0x210: {  	v28 =	vld [tilespmem:$0x2350]  }
0x211: {  	v30 =	vbroadcast v10, $0x4;
	v29 =	vmul.f32 v22, v27;
	v0 =	vadd.f32 v26, v0  }
0x212: {  	v31 =	vld [tilespmem:$0x2360]  }
0x213: {  	v33 =	vbroadcast v10, $0x5;
	v32 =	vmul.f32 v25, v30;
	v0 =	vadd.f32 v29, v0  }
0x214: {  	v34 =	vld [tilespmem:$0x2370]  }
0x215: {  	v36 =	vbroadcast v10, $0x6;
	v35 =	vmul.f32 v28, v33;
	v0 =	vadd.f32 v32, v0  }
0x216: {  	v37 =	vld [tilespmem:$0x2380]  }
0x217: {  	v39 =	vbroadcast v10, $0x7;
	v38 =	vmul.f32 v31, v36;
	v0 =	vadd.f32 v35, v0  }
0x218: {  	v40 =	vld [tilespmem:$0x2390]  }
0x219: {  	v42 =	vbroadcast v10, $0x8;
	v41 =	vmul.f32 v34, v39;
	v0 =	vadd.f32 v38, v0  }
0x21a: {  	v43 =	vld [tilespmem:$0x23A0]  }
0x21b: {  	v45 =	vbroadcast v10, $0x9;
	v44 =	vmul.f32 v37, v42;
	v0 =	vadd.f32 v41, v0  }
0x21c: {  	v46 =	vld [tilespmem:$0x23B0]  }
0x21d: {  	v48 =	vbroadcast v10, $0xA;
	v47 =	vmul.f32 v40, v45;
	v0 =	vadd.f32 v44, v0  }
0x21e: {  	v49 =	vld [tilespmem:$0x23C0]  }
0x21f: {  	v51 =	vbroadcast v10, $0xB;
	v50 =	vmul.f32 v43, v48;
	v0 =	vadd.f32 v47, v0  }
0x220: {  	v52 =	vld [tilespmem:$0x23D0]  }
0x221: {  	v54 =	vbroadcast v10, $0xC;
	v53 =	vmul.f32 v46, v51;
	v0 =	vadd.f32 v50, v0  }
0x222: {  	v55 =	vld [tilespmem:$0x23E0]  }
0x223: {  	v57 =	vbroadcast v10, $0xD;
	v56 =	vmul.f32 v49, v54;
	v0 =	vadd.f32 v53, v0  }
0x224: {  	v58 =	vld [tilespmem:$0x23F0]  }
0x225: {  	v60 =	vbroadcast v10, $0xE;
	v59 =	vmul.f32 v52, v57;
	v0 =	vadd.f32 v56, v0;
	_ =	sdelay $0x1  }
0x226: {  	v61 =	vmul.f32 v55, v60;
	v62 =	vbroadcast v10, $0xF;
	v0 =	vadd.f32 v59, v0;
	_ =	sdelay $0x1  }
0x227: {  	s6 =	smul.u32 $0x1C0, s23;
	v63 =	vmul.f32 v58, v62;
	v0 =	vadd.f32 v61, v0;
	_ =	sdelay $0x1  }
0x228: {  	s29 =	sshll.u32 s5, $0x3;
	s6 =	sshrl.u32 s6, $0x2;
	v0 =	vadd.f32 v63, v0  }
0x229: {  	s5 =	sand.u32 $0x70, s29;
	s6 =	sadd.s32 s6, s4  }
0x22a: {  	s30 =	simm.s32 $0x2500;
	s31 =	simm.s32 $0x4;
	s5 =	sadd.s32 s5, s6;
	[tilespmem:$0x2500] =	vst v0  }
0x22b: {  	[spmem:s5] =	stream.linear.scatter [tilespmem:s30], [sflag:$0x4], $0x10, $0x38;
	[tilespmem:$0x29A0] =	vst v63  }
0x22c: {  	_ =	swait.ge [sflag:s31], $0x10  }
0x22d: {  	[sflag:s31] =	ssyncset.done $0x0  }
0x22e: {  	[sflag:s31] =	ssyncadd.s32 $0xFFFFFFF0  }
.LBB2_4:
0x22f: {  	[bflag:$0x0] =	sbarrier.arrive $0xFFFF;
	s5 =	simm.s32 $0x2580;
	s29 =	simm.s32 $0x4  }
0x230: {  	[tilespmem:s5], [sflag:$0x4] =	stream.linear.gather [spmem:s4], $0x100, $0x38;
	[tilespmem:$0x29A0] =	vst v63  }
0x231: {  	_ =	swait.ge [sflag:s29], $0x100  }
0x232: {  	[sflag:s29] =	ssyncset.done $0x0  }
0x233: {  	[sflag:s29] =	ssyncadd.s32 $0xFFFFFF00  }
0x234: {  	v0 =	vld [tilespmem:$0x2580]  }
0x235: {  	v1 =	vld [tilespmem:$0x25F0]  }
0x236: {  	v2 =	vld [tilespmem:$0x2590]  }
0x237: {  	v3 =	vld [tilespmem:$0x2600]  }
0x238: {  	v4 =	vld [tilespmem:$0x25A0]  }
0x239: {  	v5 =	vld [tilespmem:$0x2610]  }
0x23a: {  	v6 =	vld [tilespmem:$0x25B0]  }
0x23b: {  	v7 =	vld [tilespmem:$0x2620]  }
0x23c: {  	v8 =	vld [tilespmem:$0x25C0]  }
0x23d: {  	v9 =	vld [tilespmem:$0x2630]  }
0x23e: {  	v10 =	vld [tilespmem:$0x25D0]  }
0x23f: {  	v11 =	vld [tilespmem:$0x2640]  }
0x240: {  	v0 =	vadd.f32 v1, v0;
	v1 =	vld [tilespmem:$0x25E0]  }
0x241: {  	v2 =	vadd.f32 v3, v2;
	v3 =	vld [tilespmem:$0x2650]  }
0x242: {  	[tilespmem:$0x2680] =	vst v0;
	v0 =	vadd.f32 v5, v4  }
0x243: {  	[tilespmem:$0x2690] =	vst v2;
	v2 =	vadd.f32 v7, v6  }
0x244: {  	[tilespmem:$0x26A0] =	vst v0;
	v0 =	vadd.f32 v9, v8  }
0x245: {  	[tilespmem:$0x26B0] =	vst v2;
	v2 =	vadd.f32 v11, v10  }
0x246: {  	[tilespmem:$0x26C0] =	vst v0;
	v0 =	vadd.f32 v3, v1  }
0x247: {  	[tilespmem:$0x26D0] =	vst v2  }
0x248: {  	s30 =	simm.s32 $0x1;
	[tilespmem:$0x26E0] =	vst v0  }
0x249: {  	_ =	swait.ge [sflag:s30], $0x400  }
0x24a: {  	[sflag:s30] =	ssyncset.done $0x0  }
0x24b: {  	[sflag:s30] =	ssyncadd.s32 $0xFFFFFC00  }
0x24c: {  	_ =	swait.ge [sflag:s30], $0x400  }
0x24d: {  	[sflag:s30] =	ssyncset.done $0x0  }
0x24e: {  	[sflag:s30] =	ssyncadd.s32 $0xFFFFFC00  }
0x24f: {  	_ =	swait.ge [sflag:s30], $0x400  }
0x250: {  	[sflag:s30] =	ssyncset.done $0x0  }
0x251: {  	[sflag:s30] =	ssyncadd.s32 $0xFFFFFC00  }
0x252: {  	_ =	swait.ge [sflag:s30], $0x400  }
0x253: {  	[sflag:s30] =	ssyncset.done $0x0  }
0x254: {  	[sflag:s30] =	ssyncadd.s32 $0xFFFFFC00  }
0x255: {  	_ =	swait.ge [sflag:s30], $0x400  }
0x256: {  	[sflag:s30] =	ssyncset.done $0x0  }
0x257: {  	[sflag:s30] =	ssyncadd.s32 $0xFFFFFC00  }
0x258: {  	v0 =	vld [tilespmem:$0x1000];
	_ =	sdelay $0x4  }
0x259: {  	(v2sf) =	vpush v0, $0x0;
	_ =	sdelay $0x3  }
0x25a: {  	v0 =	vimm.f32 $0.0e+00  }
0x25b: {  	s4 =	simm.s32 $0x820;
	[tilespmem:$0x2700] =	vst v0  }
0x25c: {  	v4 =	vld [tilespmem:s4+$0x10]  }
0x25d: {  	v2 =	vld [tilespmem:s4+$0xFFFFF800]  }
0x25e: {  	v1 =	vld [tilespmem:s4+$0xFFFFFBF0]  }
0x25f: {  	v8 =	vld [tilespmem:s4+$0xFFFFFC10]  }
0x260: {  	v7 =	vld [tilespmem:s4+$0xFFFFF810]  }
0x261: {  	v3 =	vld [tilespmem:s4+$0x0]  }
0x262: {  	s31 =	simm.s32 $0x0;
	v5 =	vld [tilespmem:s4+$0xFFFFF7E0]  }
0x263: {  	s6 =	sand.u32 $0x380, s31;
	s7 =	sand.u32 $0x40, s31;
	v9 =	vld [tilespmem:s4+$0xFFFFFFF0]  }
0x264: {  	s3 =	sadd.s32 s3, s2;
	s8 =	simm.s32 $0x2680;
	s9 =	sor.u32 s7, s6;
	v10 =	vld [tilespmem:s4+$0xFFFFF7F0]  }
0x265: {  	s10 =	simm.s32 $0x40;
	s11 =	simm.s32 $0x860;
	v6 =	vld [tilespmem:s9+$0x800];
	s5 =	spop (v2sf)  }
.LBB2_5:
0x266: {  	v11 =	vld [tilespmem:s9+$0x400];
	v8 =	vmul.f32 v8, v8;
	v4 =	vmul.f32 v4, v4;
	s12 =	smov.u32 s10;
	s10 =	sadd.s32 $0x40, s10  }
0x267: {  	v7 =	vmul.f32 v7, v7;
	p1 =	sne.s32 s10, $0x400;
	v12 =	vld [tilespmem:s4+$0xFFFFFC00]  }
0x268: {  	v13 =	vmul.f32 v1, v1;
	v9 =	vmul.f32 v9, v9;
	v1 =	vld [tilespmem:s4+$0x810]  }
0x269: {  	v2 =	vmul.f32 v2, v2;
	v7 =	vadd.f32 v8, v7;
	v10 =	vmul.f32 v10, v10  }
0x26a: {  	v5 =	vmul.f32 v5, v5  }
0x26b: {  	v3 =	vmul.f32 v3, v3;
	v4 =	vadd.f32 v4, v7;
	v8 =	vld [tilespmem:s9+$0xC00];
	v11 =	vmul.f32 v11, v11  }
0x26c: {  	s13 =	sand.u32 $0x380, s12;
	s12 =	sand.u32 $0x40, s12;
	v6 =	vmul.f32 v6, v6;
	v7 =	vadd.f32 v13, v10;
	v10 =	vmul.f32 v12, v12  }
0x26d: {  	s9 =	sor.u32 s12, s13;
	v5 =	vadd.f32 v11, v5;
	v11 =	vshra.s32 v4, $0x1;
	(v2sf) =	vpush v1, $0xF  }
0x26e: {  	v7 =	vadd.f32 v9, v7;
	v2 =	vadd.f32 v10, v2  }
0x26f: {  	v5 =	vadd.f32 v6, v5;
	v6 =	vsub.s32 $0x5F3759DF, v11  }
0x270: {  	v12 =	vmul.f32 $5.000000000e-01, v4;
	v10 =	vshra.s32 v7, $0x1;
	v11 =	vmul.f32 $5.000000000e-01, v7;
	v9 =	vld [tilespmem:s4+$0x3F0]  }
0x271: {  	v2 =	vadd.f32 v3, v2;
	v13 =	vshra.s32 v5, $0x1;
	v14 =	vmul.f32 $5.000000000e-01, v5;
	v15 =	vld [tilespmem:s4+$0x400]  }
0x272: {  	v10 =	vsub.s32 $0x5F3759DF, v10;
	v3 =	vsub.s32 $0x5F3759DF, v13;
	v13 =	vmul.f32 v6, v12  }
0x273: {  	v17 =	vshra.s32 v2, $0x1;
	v18 =	vmul.f32 $5.000000000e-01, v2;
	v16 =	vmul.f32 v3, v14  }
0x274: {  	v19 =	vmul.f32 v10, v11;
	v17 =	vsub.s32 $0x5F3759DF, v17;
	v8 =	vld.idx.msk [tilespmem:v8+s8+$0x0], $0xffff;
	v13 =	vmul.f32 v6, v13  }
0x275: {  	v20 =	vmul.f32 v17, v18;
	v16 =	vmul.f32 v3, v16  }
0x276: {  	v19 =	vmul.f32 v10, v19;
	v13 =	vsub.f32 $1.500000000e+00, v13  }
0x277: {  	v20 =	vmul.f32 v17, v20;
	v16 =	vsub.f32 $1.500000000e+00, v16  }
0x278: {  	v19 =	vsub.f32 $1.500000000e+00, v19;
	v21 =	vld [tilespmem:s4+$0x410];
	v6 =	vmul.f32 v6, v13  }
0x279: {  	v13 =	vsub.f32 $1.500000000e+00, v20;
	v3 =	vmul.f32 v3, v16;
	v9 =	vld.idx.msk [tilespmem:v9+s8+$0x0], $0xffff  }
0x27a: {  	v10 =	vmul.f32 v10, v19;
	v15 =	vld.idx.msk [tilespmem:v15+s8+$0x0], $0xffff;
	v12 =	vmul.f32 v6, v12  }
0x27b: {  	v13 =	vmul.f32 v17, v13;
	v14 =	vmul.f32 v3, v14  }
0x27c: {  	v11 =	vmul.f32 v10, v11;
	v12 =	vmul.f32 v12, v6;
	s14 =	spop (v2sf)  }
0x27d: {  	v16 =	vmul.f32 v13, v18;
	v14 =	vmul.f32 v14, v3;
	p2 =	sne.s32 s14, s5  }
0x27e: {  	v11 =	vmul.f32 v11, v10;
	v12 =	vsub.f32 $1.500000000e+00, v12;
	s15 =	sadd.s32 @p2 s7, s6;
	v17 =	vmov @p2 s5;
	s6 =	smov.u32 s13;
	s7 =	smov.u32 s12  }
0x27f: {  	v16 =	vmul.f32 v16, v13;
	s5 =	smov.u32 s14;
	v14 =	vsub.f32 $1.500000000e+00, v14;
	v18 =	vld @p2 [tilespmem:s15+$0x1000]  }
0x280: {  	v11 =	vsub.f32 $1.500000000e+00, v11;
	v6 =	vmul.f32 v12, v6;
	v12 =	vld @p2 [tilespmem:s4+$0x7F0]  }
0x281: {  	v3 =	vmul.f32 v14, v3;
	v14 =	vsub.f32 $1.500000000e+00, v16;
	v16 =	vld @p2 [tilespmem:s4+$0x800];
	s4 =	smov.u32 s11  }
0x282: {  	s12 =	simm.s32 @p2 $0x2700;
	v10 =	vmul.f32 v11, v10;
	v4 =	vmul.f32 v6, v4;
	v6 =	vld.idx.msk [tilespmem:v21+s8+$0x0], $0xffff  }
0x283: {  	v3 =	vmul.f32 v3, v5;
	v5 =	vmul.f32 v14, v13;
	[tilespmem:v17+s12+$0x0] =	vst.idx.add.f32.msk @p2 $0xffff, v0  }
0x284: {  	v7 =	vmul.f32 v10, v7  }
0x285: {  	v3 =	vmul.f32 v3, v8;
	v2 =	vmul.f32 v5, v2  }
0x286: {  	v5 =	vmul.f32 v7, v9  }
0x287: {  	v2 =	vmul.f32 v2, v15;
	[tilespmem:v18+s12+$0x0] =	vst.idx.add.f32.msk @p2 $0xffff, v3  }
0x288: {  	v4 =	vmul.f32 v4, v6;
	v3 =	vadd.f32 @!p2 v5, v3;
	[tilespmem:v12+s12+$0x0] =	vst.idx.add.f32.msk @p2 $0xffff, v5  }
0x289: {  	[tilespmem:v16+s12+$0x0] =	vst.idx.add.f32.msk @p2 $0xffff, v2  }
0x28a: {  	[tilespmem:v1+s12+$0x0] =	vst.idx.add.f32.msk @p2 $0xffff, v4;
	v1 =	vadd.f32 @!p2 v4, v2  }
0x28b: {  	v4 =	vld [tilespmem:s11+$0x10]  }
0x28c: {  	v2 =	vld [tilespmem:s11+$0xFFFFF800];
	v3 =	vadd.f32 @!p2 v1, v3  }
0x28d: {  	v1 =	vld [tilespmem:s11+$0xFFFFFBF0]  }
0x28e: {  	v8 =	vld [tilespmem:s11+$0xFFFFFC10];
	v0 =	vadd.f32 @!p2 v3, v0  }
0x28f: {  	v7 =	vld [tilespmem:s11+$0xFFFFF810]  }
.Ltmp3:
0x290: {  	v3 =	vld [tilespmem:s11+$0x0];
	v0 =	vpsel p2, $0x0, v0;
	(pc) =	sbr.rel @p1 .LBB2_5-.Ltmp3, $4  }
0x291: {  	v5 =	vld [tilespmem:s11+$0xFFFFF7E0]  }
0x292: {  	v9 =	vld [tilespmem:s11+$0xFFFFFFF0]  }
0x293: {  	v10 =	vld [tilespmem:s11+$0xFFFFF7F0]  }
0x294: {  	s11 =	sadd.s32 $0x40, s11;
	v6 =	vld [tilespmem:s9+$0x800]  }
0x295: {  	v11 =	vld [tilespmem:s9+$0x400]  }
0x296: {  	v8 =	vmul.f32 v8, v8;
	v12 =	vld [tilespmem:s4+$0xFFFFFC00];
	v7 =	vmul.f32 v7, v7  }
0x297: {  	v4 =	vmul.f32 v4, v4  }
0x298: {  	v1 =	vmul.f32 v1, v1;
	v2 =	vmul.f32 v2, v2;
	v7 =	vadd.f32 v8, v7  }
0x299: {  	v3 =	vmul.f32 v3, v3;
	v8 =	vld [tilespmem:s4+$0x810];
	v10 =	vmul.f32 v10, v10  }
0x29a: {  	v5 =	vmul.f32 v5, v5;
	v4 =	vadd.f32 v4, v7;
	v11 =	vmul.f32 v11, v11  }
0x29b: {  	v9 =	vmul.f32 v9, v9;
	v1 =	vadd.f32 v1, v10;
	v49 =	vmul.f32 v12, v12  }
0x29c: {  	v6 =	vmul.f32 v6, v6;
	v50 =	vshra.s32 v4, $0x1;
	v5 =	vadd.f32 v11, v5  }
0x29d: {  	v55 =	vmul.f32 $5.000000000e-01, v4;
	v1 =	vadd.f32 v9, v1;
	v2 =	vadd.f32 v49, v2  }
0x29e: {  	(v2sf) =	vpush v8, $0xF;
	v51 =	vsub.s32 $0x5F3759DF, v50;
	v5 =	vadd.f32 v6, v5  }
0x29f: {  	v16 =	vmul.f32 v51, v55;
	v52 =	vshra.s32 v1, $0x1;
	v2 =	vadd.f32 v3, v2  }
0x2a0: {  	v53 =	vmul.f32 $5.000000000e-01, v1;
	v7 =	vsub.s32 $0x5F3759DF, v52;
	v54 =	vshra.s32 v5, $0x1  }
0x2a1: {  	v56 =	vmul.f32 $5.000000000e-01, v5;
	v57 =	vshra.s32 v2, $0x1;
	v13 =	vmul.f32 $5.000000000e-01, v2  }
0x2a2: {  	v15 =	vmul.f32 v7, v53;
	v10 =	vsub.s32 $0x5F3759DF, v54;
	v12 =	vsub.s32 $0x5F3759DF, v57  }
0x2a3: {  	v14 =	vmul.f32 v10, v56;
	v17 =	vmul.f32 v12, v13  }
0x2a4: {  	v16 =	vmul.f32 v51, v16;
	v15 =	vmul.f32 v7, v15  }
0x2a5: {  	v18 =	vld [tilespmem:s9+$0xC00];
	v14 =	vmul.f32 v10, v14;
	v17 =	vmul.f32 v12, v17  }
0x2a6: {  	v19 =	vld [tilespmem:s4+$0x3F0];
	v16 =	vsub.f32 $1.500000000e+00, v16;
	v15 =	vsub.f32 $1.500000000e+00, v15  }
0x2a7: {  	v21 =	vld [tilespmem:s4+$0x410];
	v14 =	vsub.f32 $1.500000000e+00, v14;
	v17 =	vsub.f32 $1.500000000e+00, v17  }
0x2a8: {  	v20 =	vld [tilespmem:s4+$0x400];
	v6 =	vmul.f32 v51, v16;
	v7 =	vmul.f32 v7, v15  }
0x2a9: {  	v10 =	vmul.f32 v10, v14;
	v12 =	vmul.f32 v12, v17  }
0x2aa: {  	v3 =	vmul.f32 v6, v55;
	v9 =	vmul.f32 v7, v53  }
0x2ab: {  	v11 =	vmul.f32 v10, v56;
	v13 =	vmul.f32 v12, v13  }
0x2ac: {  	v3 =	vmul.f32 v3, v6;
	v9 =	vmul.f32 v9, v7  }
0x2ad: {  	v58 =	vld.idx.msk [tilespmem:v18+s8+$0x0], $0xffff;
	v11 =	vmul.f32 v11, v10;
	v13 =	vmul.f32 v13, v12  }
0x2ae: {  	v59 =	vld.idx.msk [tilespmem:v19+s8+$0x0], $0xffff;
	v3 =	vsub.f32 $1.500000000e+00, v3;
	v9 =	vsub.f32 $1.500000000e+00, v9  }
0x2af: {  	v61 =	vld.idx.msk [tilespmem:v21+s8+$0x0], $0xffff;
	s29 =	spop (v2sf);
	v11 =	vsub.f32 $1.500000000e+00, v11;
	v13 =	vsub.f32 $1.500000000e+00, v13  }
0x2b0: {  	v60 =	vld.idx.msk [tilespmem:v20+s8+$0x0], $0xffff;
	v3 =	vmul.f32 v3, v6;
	p1 =	sne.s32 s29, s5;
	v7 =	vmul.f32 v9, v7  }
0x2b1: {  	s6 =	sadd.s32 @p1 s7, s6;
	v10 =	vmul.f32 v11, v10;
	v62 =	vmul.f32 v13, v12  }
0x2b2: {  	v3 =	vmul.f32 v3, v4;
	v11 =	vld @p1 [tilespmem:s6+$0x1000];
	v1 =	vmul.f32 v7, v1  }
0x2b3: {  	v7 =	vld @p1 [tilespmem:s4+$0x7F0];
	v5 =	vmul.f32 v10, v5;
	v2 =	vmul.f32 v62, v2  }
0x2b4: {  	v4 =	vmov @p1 s5;
	v6 =	vld @p1 [tilespmem:s4+$0x800];
	v3 =	vmul.f32 v3, v61;
	v1 =	vmul.f32 v1, v59  }
0x2b5: {  	v5 =	vmul.f32 v5, v58;
	v2 =	vmul.f32 v2, v60;
	_ =	sdelay $0x1  }
0x2b6: {  	v9 =	vadd.f32 @!p1 v1, v5;
	v10 =	vadd.f32 @!p1 v3, v2  }
0x2b7: {  	v63 =	vbroadcast v8, $0xF;
	s4 =	simm.s32 @p1 $0x2700  }
0x2b8: {  	[tilespmem:v4+s4+$0x0] =	vst.idx.add.f32.msk @p1 $0xffff, v0;
	v4 =	vadd.f32 @!p1 v10, v9  }
0x2b9: {  	[tilespmem:v11+s4+$0x0] =	vst.idx.add.f32.msk @p1 $0xffff, v5  }
0x2ba: {  	[tilespmem:v7+s4+$0x0] =	vst.idx.add.f32.msk @p1 $0xffff, v1;
	v0 =	vadd.f32 @!p1 v4, v0  }
0x2bb: {  	[tilespmem:v6+s4+$0x0] =	vst.idx.add.f32.msk @p1 $0xffff, v2  }
0x2bc: {  	s30 =	simm.s32 $0x2700;
	[tilespmem:v8+s4+$0x0] =	vst.idx.add.f32.msk @p1 $0xffff, v3;
	v0 =	vpsel p1, $0x0, v0  }
0x2bd: {  	s31 =	simm.s32 $0x4;
	[tilespmem:v63+s30+$0x0] =	vst.idx.add.f32.msk $0xffff, v0  }
0x2be: {  	[spmem:s3] =	stream.linear.scatter [tilespmem:s30], [sflag:$0x4], $0x10, $0x38;
	[tilespmem:$0x29A0] =	vst v63  }
0x2bf: {  	_ =	swait.ge [sflag:s31], $0x10  }
0x2c0: {  	[sflag:s31] =	ssyncset.done $0x0  }
0x2c1: {  	[sflag:s31] =	ssyncadd.s32 $0xFFFFFFF0  }
0x2c2: {  	[bflag:$0x0] =	sbarrier.arrive $0xFFFF  }
0x2c3: {  	_ =	sfence.sel @p0 $0x180000  }
0x2c4: {  	[bflag:$0x0] =	sbarrier.arrive @p0 $0xFFFF  }
0x2c5: {  	_ =	strace @p0 $0x90000047  }
0x2c6: {  	s3 =	simm.s32 @!p0 $0x2780;
	[bflag:$0x2] =	sbarrier.arrive @p0 $0xFFFF  }
0x2c7: {  	[tilespmem:s3], [sflag:$0x4] =	stream.linear.gather @!p0 [spmem:s2], $0x100, $0x38;
	[tilespmem:$0x29A0] =	vst v63  }
0x2c8: {  	s2 =	simm.s32 @!p0 $0x4  }
0x2c9: {  	_ =	swait.ge @!p0 [sflag:s2], $0x100  }
0x2ca: {  	[sflag:s2] =	ssyncset.done @!p0 $0x0  }
0x2cb: {  	s3 =	simm.s32 @!p0 $0x3;
	[sflag:s2] =	ssyncadd.s32 @!p0 $0xFFFFFF00  }
0x2cc: {  	_ =	swait.ge @!p0 [sflag:s3], $0x10  }
0x2cd: {  	[sflag:s3] =	ssyncset.done @!p0 $0x0  }
0x2ce: {  	[sflag:s3] =	ssyncadd.s32 @!p0 $0xFFFFFFF0  }
0x2cf: {  	v0 =	vld @!p0 [tilespmem:$0x2880]  }
0x2d0: {  	v1 =	vld @!p0 [tilespmem:$0x2780];
	_ =	sdelay $0x1  }
0x2d1: {  	v2 =	vld @!p0 [tilespmem:$0x2790];
	_ =	sdelay $0x1  }
0x2d2: {  	v3 =	vld @!p0 [tilespmem:$0x27A0]  }
0x2d3: {  	v0 =	vadd.f32 @!p0 v1, v0  }
0x2d4: {  	v1 =	vld @!p0 [tilespmem:$0x27B0]  }
0x2d5: {  	v0 =	vadd.f32 @!p0 v2, v0  }
0x2d6: {  	v2 =	vld @!p0 [tilespmem:$0x27C0]  }
0x2d7: {  	v0 =	vadd.f32 @!p0 v3, v0  }
0x2d8: {  	v3 =	vld @!p0 [tilespmem:$0x27D0]  }
0x2d9: {  	v0 =	vadd.f32 @!p0 v1, v0  }
0x2da: {  	v1 =	vld @!p0 [tilespmem:$0x27E0]  }
0x2db: {  	v0 =	vadd.f32 @!p0 v2, v0  }
0x2dc: {  	v2 =	vld @!p0 [tilespmem:$0x27F0]  }
0x2dd: {  	v0 =	vadd.f32 @!p0 v3, v0  }
0x2de: {  	v3 =	vld @!p0 [tilespmem:$0x2800]  }
0x2df: {  	v0 =	vadd.f32 @!p0 v1, v0  }
0x2e0: {  	v1 =	vld @!p0 [tilespmem:$0x2810]  }
0x2e1: {  	v0 =	vadd.f32 @!p0 v2, v0  }
0x2e2: {  	v2 =	vld @!p0 [tilespmem:$0x2820]  }
0x2e3: {  	v0 =	vadd.f32 @!p0 v3, v0  }
0x2e4: {  	v3 =	vld @!p0 [tilespmem:$0x2830]  }
0x2e5: {  	v0 =	vadd.f32 @!p0 v1, v0  }
0x2e6: {  	v1 =	vld @!p0 [tilespmem:$0x2840]  }
0x2e7: {  	v0 =	vadd.f32 @!p0 v2, v0  }
0x2e8: {  	v2 =	vld @!p0 [tilespmem:$0x2850]  }
0x2e9: {  	v0 =	vadd.f32 @!p0 v3, v0  }
0x2ea: {  	v3 =	vld @!p0 [tilespmem:$0x2860]  }
0x2eb: {  	v0 =	vadd.f32 @!p0 v1, v0  }
0x2ec: {  	v1 =	vld @!p0 [tilespmem:$0x2870]  }
0x2ed: {  	v0 =	vadd.f32 @!p0 v2, v0;
	_ =	sdelay $0x1  }
0x2ee: {  	v0 =	vadd.f32 @!p0 v3, v0;
	_ =	sdelay $0x1  }
0x2ef: {  	v0 =	vadd.f32 @!p0 v1, v0;
	_ =	sdelay $0x1  }
0x2f0: {  	s4 =	simm.s32 @!p0 $0x2900;
	s3 =	simm.s32 @!p0 $0x0;
	[tilespmem:$0x2900] =	vst @!p0 v0  }
0x2f1: {  	[hbm4b:s1+s3] =	stream.linear.scatter @!p0 [tilespmem:s4], [sflag:$0x4], $0x80, $0x38;
	[tilespmem:$0x29A0] =	vst v63  }
0x2f2: {  	_ =	swait.ge @!p0 [sflag:s2], $0x80  }
0x2f3: {  	[sflag:s2] =	ssyncset.done @!p0 $0x0  }
0x2f4: {  	[sflag:s2] =	ssyncadd.s32 @!p0 $0xFFFFFF80  }
0x2f5: {  	_ =	sfence.sel @!p0 $0x180000  }
0x2f6: {  	[bflag:$0x0] =	sbarrier.arrive @!p0 $0xFFFF  }
0x2f7: {  	_ =	strace @!p0 $0x90000047  }
0x2f8: {  	s0 =	sadd.s32 @!p0 $0x100000, s0;
	[bflag:$0x2] =	sbarrier.arrive @!p0 $0xFFFF  }
0x2f9: {  	[sflag:s0] =	ssyncadd.tile.s32 @!p0 $0x1;
	_ =	shalt  }
.Lfunc_end2:
_tile_overlayer_lowered:
.L_overlay_start_2:
0x2fa: {  	(tag) =	ssettag $0x2  }
0x2fb: {  	s0 =	rddreg [dreg:$0x0];
	s2 =	stileid.u32  }
0x2fc: {  	s1 =	rddreg [dreg:$0x1];
	p0 =	sne.s32 s2, $0x0  }
0x2fd: {  	s3 =	rddreg [dreg:$0x2];
	[bflag:$0x3] =	sbarrier.arrive $0xFFFF;
	s2 =	simm.s32 @!p0 $0x1C04  }
0x2fe: {  	[timem:s3], [sflag:s2] =	dma.local @!p0 [hbm:s0], s1  }
0x2ff: {  	s0 =	simm.s32 @!p0 $0x4  }
0x300: {  	_ =	swait.ge @!p0 [sflag:s0], s1  }
0x301: {  	s1 =	ssub.s32 @!p0 $0x0, s1;
	[sflag:s0] =	ssyncset.done @!p0 $0x0  }
0x302: {  	[sflag:s0] =	ssyncadd.s32 @!p0 s1  }
0x303: {  	[bflag:$0x3] =	sbarrier.arrive $0xFFFF  }
0x304: {  	_ =	shalt  }

</sc_bundles>
